<compile_context>
chip_gen: v7x
topology: tpu7x:2x2x1
jax: 0.10.2.dev20260603
libtpu: 0.0.44.dev20260713+nightly
codegen_flags: <defaults>
</compile_context>

<pallas_src>
import functools

import jax
import jax.numpy as jnp
from jax import lax
from jax.experimental import pallas as pl
from jax.experimental.pallas import tpu as pltpu
from jax.experimental.pallas import tpu_sc as plsc

_NC, _NS = 2, 16
_NW = _NC * _NS
_IW = 100
_IR = 10
_CE = _IW * _IR
_G = 64
_NP = 10240
_BN = 256
_BE = 2000


def _node_mm_body(x_ref, wa_ref, wb_ref, b1_ref, ab_ref):
    xb = x_ref[...]
    a = jnp.dot(xb, wa_ref[...], preferred_element_type=jnp.float32)
    b = jnp.dot(xb, wb_ref[...], preferred_element_type=jnp.float32)
    ab_ref[...] = jnp.concatenate([a + b1_ref[...], b], axis=1)


def _gather_body(ab_hbm, src_hbm, dst_hbm, z_hbm,
                 idxs_v, idxd_v, ga, gb, zb,
                 sa0, sa1, sb0, sb1, sz0, sz1):
    cid = lax.axis_index("c")
    sid = lax.axis_index("s")
    wid = sid * _NC + cid
    chunks_per_w = src_hbm.shape[0] // _NW
    c0 = wid * chunks_per_w
    sas, sbs, szs = (sa0, sa1), (sb0, sb1), (sz0, sz1)

    def chunk(i, carry):
        ci = c0 + i
        pltpu.sync_copy(dst_hbm.at[ci], idxd_v)
        pltpu.sync_copy(src_hbm.at[ci], idxs_v)

        def start(s):
            k = s % 2
            return (
                pltpu.async_copy(ab_hbm.at[idxd_v.at[s]], ga.at[k], sas[k]),
                pltpu.async_copy(ab_hbm.at[idxs_v.at[s]], gb.at[k], sbs[k]),
            )

        cps = {0: start(0)}
        zcps = {}
        for s in range(_IR):
            if s + 1 < _IR:
                cps[s + 1] = start(s + 1)
            ca, cb = cps.pop(s)
            ca.wait()
            cb.wait()
            if s - 2 in zcps:
                zcps.pop(s - 2).wait()
            k = s % 2

            def fold(r, c2, k=k):
                for q in range(4):
                    sl = pl.ds(q * 16, 16)
                    slb = pl.ds(64 + q * 16, 16)
                    zb[k, r, sl] = ga[k, r, sl] + gb[k, r, slb]
                return c2

            lax.fori_loop(0, _IW, fold, 0)
            zcps[s] = pltpu.async_copy(zb.at[k], z_hbm.at[ci * _IR + s], szs[k])
        for s in (_IR - 2, _IR - 1):
            zcps.pop(s).wait()
        return carry

    lax.fori_loop(0, chunks_per_w, chunk, 0)


def _stats_body(z_ref, s_ref):
    i = pl.program_id(0)

    @pl.when(i == 0)
    def _init():
        s_ref[...] = jnp.zeros_like(s_ref)

    zb = z_ref[...]
    hh = zb.shape[2]
    s0 = jnp.sum(zb, axis=(0, 1)).reshape(1, hh)
    s1 = jnp.sum(zb * zb, axis=(0, 1)).reshape(1, hh)
    pad = jnp.zeros((6, hh), jnp.float32)
    s_ref[...] = s_ref[...] + jnp.concatenate([s0, s1, pad], axis=0)


def _mid_body(stats_ref, z_ref, w_ref, bv_ref, g_ref, bt_ref,
              z2_ref, s2_ref, *, ne):
    i = pl.program_id(0)
    hh = w_ref.shape[0]
    m = stats_ref[0:1, :] / ne
    v = stats_ref[1:2, :] / ne - m * m
    al = g_ref[...] * lax.rsqrt(v + 1e-5)
    be = bt_ref[...] - m * al
    h = jnp.maximum(z_ref[...] * al.reshape(1, 1, hh) + be.reshape(1, 1, hh),
                    0.0)
    z2 = lax.dot_general(h, w_ref[...], (((2,), (0,)), ((), ())),
                         preferred_element_type=jnp.float32)
    z2 = z2 + bv_ref[...].reshape(1, 1, hh)
    z2_ref[...] = z2

    @pl.when(i == 0)
    def _init():
        s2_ref[...] = jnp.zeros_like(s2_ref)

    s0 = jnp.sum(z2, axis=(0, 1)).reshape(1, hh)
    s1 = jnp.sum(z2 * z2, axis=(0, 1)).reshape(1, hh)
    pad = jnp.zeros((6, hh), jnp.float32)
    s2_ref[...] = s2_ref[...] + jnp.concatenate([s0, s1, pad], axis=0)


def _act_body(stats_ref, z_ref, g_ref, bt_ref, h_ref, *, ne):
    hh = z_ref.shape[2]
    m = stats_ref[0:1, :] / ne
    v = stats_ref[1:2, :] / ne - m * m
    al = g_ref[...] * lax.rsqrt(v + 1e-5)
    be = bt_ref[...] - m * al
    h = jnp.maximum(z_ref[...] * al.reshape(1, 1, hh) + be.reshape(1, 1, hh),
                    0.0)
    zb, iw = h.shape[0], h.shape[1]
    h_ref[...] = jnp.concatenate(
        [h, jnp.ones((zb, iw, 1), jnp.float32),
         jnp.zeros((zb, iw, 63), jnp.float32)], axis=2)


_SR = 2
_SE = _SR * _IW


def _scatter_body(h_hbm, dst_hbm, zz_hbm, o_hbm, idx_v, vals_v, acc_sh, semv):
    cid = lax.axis_index("c")
    sid = lax.axis_index("s")
    wid = sid * _NC + cid
    stripe = _NP // _NS
    st = sid * stripe
    pltpu.sync_copy(zz_hbm.at[pl.ds(st, stripe)], acc_sh.at[pl.ds(st, stripe)])
    plsc.subcore_barrier()

    chunks_per_w = dst_hbm.shape[0] // _NW
    c0 = wid * chunks_per_w

    def chunk(i, c):
        ci = c0 + i
        pltpu.sync_copy(dst_hbm.at[ci], idx_v)
        pltpu.async_copy(h_hbm.at[pl.ds(_SR * ci, _SR)], vals_v, semv).wait()
        for s in range(_SR):
            pltpu.sync_copy(vals_v.at[s], acc_sh.at[idx_v.at[s]], add=True)
        return c

    lax.fori_loop(0, chunks_per_w, chunk, 0)
    plsc.subcore_barrier()
    base = cid * _NP + st
    pltpu.sync_copy(acc_sh.at[pl.ds(st, stripe)], o_hbm.at[pl.ds(base, stripe)])


def _final_body(p0_ref, p1_ref, x_ref, b_ref,
                v1_ref, c1_ref, v2_ref, c2_ref, y_ref, acc_ref,
                *, nn, nblocks):
    i = pl.program_id(0)

    @pl.when(i == 0)
    def _init():
        acc_ref[...] = jnp.zeros_like(acc_ref)

    aggs = p0_ref[...] + p1_ref[...]
    deg = aggs[:, 64:65]
    agg = aggs[:, :64] / jnp.maximum(deg, 1.0)
    xb = x_ref[...]
    rows = lax.broadcasted_iota(jnp.int32, (_BN, 1), 0) + i * _BN
    valid = (rows < nn).astype(jnp.float32)
    outb = jnp.concatenate(
        [agg, xb, valid, jnp.zeros((_BN, 63), jnp.float32)], axis=1)
    outb = jnp.where(valid > 0.0, outb, 0.0)
    bvec = b_ref[0]
    oh = (bvec == lax.broadcasted_iota(jnp.int32, (_G, _BN), 0))
    oh = oh.astype(jnp.float32)
    acc_ref[...] = acc_ref[...] + jnp.dot(
        oh, outb, preferred_element_type=jnp.float32)

    @pl.when(i == nblocks - 1)
    def _fin():
        ps = acc_ref[...]
        pooled = ps[:, :320] / jnp.maximum(ps[:, 320:321], 1.0)
        t = jnp.dot(pooled, v1_ref[...], preferred_element_type=jnp.float32)
        t = jnp.maximum(t + c1_ref[...], 0.0)
        yy = jnp.dot(t, v2_ref[...], preferred_element_type=jnp.float32)
        yy = yy + c2_ref[...]
        y_ref[...] = 1.0 / (1.0 + jnp.exp(-yy))


def kernel(x, edge_index, batch,
           W1, b1, g1, bt1, W2, b2, g2, bt2, W3, b3, g3, bt3,
           V1, c1, V2, c2):
    n, d = x.shape
    e = edge_index.shape[1]
    h = W1.shape[1]
    ne = float(e)
    src3 = edge_index[0].reshape(e // _CE, _IR, _IW)
    dst3 = edge_index[1].reshape(e // _CE, _IR, _IW)
    wa = W1[:d] - W1[d:]
    wb = W1[d:]
    b1r = b1.reshape(1, h)

    nb_n = (n + _BN - 1) // _BN
    ab = pl.pallas_call(
        _node_mm_body,
        grid=(nb_n,),
        in_specs=[
            pl.BlockSpec((_BN, d), lambda i: (i, 0)),
            pl.BlockSpec((d, h), lambda i: (0, 0)),
            pl.BlockSpec((d, h), lambda i: (0, 0)),
            pl.BlockSpec((1, h), lambda i: (0, 0)),
        ],
        out_specs=pl.BlockSpec((_BN, 2 * h), lambda i: (i, 0)),
        out_shape=jax.ShapeDtypeStruct((n, 2 * h), jnp.float32),
    )(x, wa, wb, b1r)

    mesh = plsc.VectorSubcoreMesh(core_axis_name="c", subcore_axis_name="s")
    nslab = e // _IW
    z1 = pl.kernel(
        _gather_body,
        out_type=jax.ShapeDtypeStruct((nslab, _IW, h), jnp.float32),
        mesh=mesh,
        scratch_types=[
            pltpu.VMEM((_IR, _IW), jnp.int32),
            pltpu.VMEM((_IR, _IW), jnp.int32),
            pltpu.VMEM((2, _IW, 2 * h), jnp.float32),
            pltpu.VMEM((2, _IW, 2 * h), jnp.float32),
            pltpu.VMEM((2, _IW, h), jnp.float32),
            pltpu.SemaphoreType.DMA,
            pltpu.SemaphoreType.DMA,
            pltpu.SemaphoreType.DMA,
            pltpu.SemaphoreType.DMA,
            pltpu.SemaphoreType.DMA,
            pltpu.SemaphoreType.DMA,
        ],
    )(ab, src3, dst3)

    _ZB = _BE // _IW
    nb_e = nslab // _ZB
    s1 = pl.pallas_call(
        _stats_body,
        grid=(nb_e,),
        in_specs=[pl.BlockSpec((_ZB, _IW, h), lambda i: (i, 0, 0))],
        out_specs=pl.BlockSpec((8, h), lambda i: (0, 0)),
        out_shape=jax.ShapeDtypeStruct((8, h), jnp.float32),
    )(z1)

    def mid(stats, z, w, bv, g, bt):
        return pl.pallas_call(
            functools.partial(_mid_body, ne=ne),
            grid=(nb_e,),
            in_specs=[
                pl.BlockSpec((8, h), lambda i: (0, 0)),
                pl.BlockSpec((_ZB, _IW, h), lambda i: (i, 0, 0)),
                pl.BlockSpec((h, h), lambda i: (0, 0)),
                pl.BlockSpec((1, h), lambda i: (0, 0)),
                pl.BlockSpec((1, h), lambda i: (0, 0)),
                pl.BlockSpec((1, h), lambda i: (0, 0)),
            ],
            out_specs=[
                pl.BlockSpec((_ZB, _IW, h), lambda i: (i, 0, 0)),
                pl.BlockSpec((8, h), lambda i: (0, 0)),
            ],
            out_shape=[
                jax.ShapeDtypeStruct((nslab, _IW, h), jnp.float32),
                jax.ShapeDtypeStruct((8, h), jnp.float32),
            ],
        )(stats, z, w, bv.reshape(1, h), g.reshape(1, h), bt.reshape(1, h))

    z2, s2 = mid(s1, z1, W2, b2, g1, bt1)
    z3, s3 = mid(s2, z2, W3, b3, g2, bt2)

    h3 = pl.pallas_call(
        functools.partial(_act_body, ne=ne),
        grid=(nb_e,),
        in_specs=[
            pl.BlockSpec((8, h), lambda i: (0, 0)),
            pl.BlockSpec((_ZB, _IW, h), lambda i: (i, 0, 0)),
            pl.BlockSpec((1, h), lambda i: (0, 0)),
            pl.BlockSpec((1, h), lambda i: (0, 0)),
        ],
        out_specs=pl.BlockSpec((_ZB, _IW, 2 * h), lambda i: (i, 0, 0)),
        out_shape=jax.ShapeDtypeStruct((nslab, _IW, 2 * h), jnp.float32),
    )(s3, z3, g3.reshape(1, h), bt3.reshape(1, h))

    zz = jnp.zeros((_NP, 2 * h), jnp.float32)
    dst4 = edge_index[1].reshape(e // _SE, _SR, _IW)
    o = pl.kernel(
        _scatter_body,
        out_type=jax.ShapeDtypeStruct((2 * _NP, 2 * h), jnp.float32),
        mesh=mesh,
        scratch_types=[
            pltpu.VMEM((_SR, _IW), jnp.int32),
            pltpu.VMEM((_SR, _IW, 2 * h), jnp.float32),
            pltpu.VMEM_SHARED((_NP, 2 * h), jnp.float32),
            pltpu.SemaphoreType.DMA,
        ],
    )(h3, dst4, zz)

    nb_p = _NP // _BN
    batch_p = jnp.pad(batch, (0, _NP - n), constant_values=_G)
    batch_p = batch_p.reshape(nb_p, 1, _BN)
    y = pl.pallas_call(
        functools.partial(_final_body, nn=n, nblocks=nb_p),
        grid=(nb_p,),
        in_specs=[
            pl.BlockSpec((_BN, 2 * h), lambda i: (i, 0)),
            pl.BlockSpec((_BN, 2 * h), lambda i: (i, 0)),
            pl.BlockSpec((_BN, d), lambda i: (i, 0)),
            pl.BlockSpec((1, 1, _BN), lambda i: (i, 0, 0)),
            pl.BlockSpec((d + h, 128), lambda i: (0, 0)),
            pl.BlockSpec((1, 128), lambda i: (0, 0)),
            pl.BlockSpec((128, 1), lambda i: (0, 0)),
            pl.BlockSpec((1, 1), lambda i: (0, 0)),
        ],
        out_specs=pl.BlockSpec((_G, 1), lambda i: (0, 0)),
        out_shape=jax.ShapeDtypeStruct((_G, 1), jnp.float32),
        scratch_shapes=[pltpu.VMEM((_G, 384), jnp.float32)],
    )(o[:_NP], o[_NP:], x, batch_p,
      V1, c1.reshape(1, 128), V2, c2.reshape(1, 1))
    return y

# --- scband reference (transcript-rebuilt; emitter-appended) ---
"""Pipeline reference for scband-edge-conv-net-17746804867379 (READ-ONLY COPY).

The authoritative reference and input builder live on the scoring server;
editing this copy changes nothing except your own understanding.
"""

import jax, jax.numpy as jnp
import numpy as np

N = 10000
E = 160000
D = 256
G = 64
H = 64


def setup_inputs(seed: int = 0):
    key = jax.random.key(seed)
    ks = jax.random.split(key, 24)
    x = jax.random.normal(ks[0], (N, D), dtype=jnp.float32)
    edge_index = jax.random.randint(ks[1], (2, E), 0, N, dtype=jnp.int32)
    batch = jnp.sort(jax.random.randint(ks[2], (N,), 0, G, dtype=jnp.int32))

    def lin(k, fan_in, fan_out):
        bound = 1.0 / np.sqrt(fan_in)
        k1, k2 = jax.random.split(k)
        W = jax.random.uniform(k1, (fan_in, fan_out), jnp.float32, -bound, bound)
        b = jax.random.uniform(k2, (fan_out,), jnp.float32, -bound, bound)
        return W, b

    W1, b1 = lin(ks[3], 2 * D, H)
    W2, b2 = lin(ks[4], H, H)
    W3, b3 = lin(ks[5], H, H)
    g1, bt1 = jnp.ones((H,), jnp.float32), jnp.zeros((H,), jnp.float32)
    g2, bt2 = jnp.ones((H,), jnp.float32), jnp.zeros((H,), jnp.float32)
    g3, bt3 = jnp.ones((H,), jnp.float32), jnp.zeros((H,), jnp.float32)
    V1, c1 = lin(ks[6], H + D, 128)
    V2, c2 = lin(ks[7], 128, 1)
    return {"x": x, "edge_index": edge_index, "batch": batch,
            "W1": W1, "b1": b1, "g1": g1, "bt1": bt1,
            "W2": W2, "b2": b2, "g2": g2, "bt2": bt2,
            "W3": W3, "b3": b3, "g3": g3, "bt3": bt3,
            "V1": V1, "c1": c1, "V2": V2, "c2": c2}


def _bn(h, g, b, eps=1e-5):
    m = jnp.mean(h, axis=0)
    v = jnp.var(h, axis=0)
    return (h - m) / jnp.sqrt(v + eps) * g + b


def reference(x, edge_index, batch, W1, b1, g1, bt1, W2, b2, g2, bt2, W3, b3, g3, bt3, V1, c1, V2, c2):
    src = edge_index[0]
    dst = edge_index[1]
    x_i = jnp.take(x, dst, axis=0)
    x_j = jnp.take(x, src, axis=0)
    h = jnp.concatenate([x_i, x_j - x_i], axis=1)
    h = jax.nn.relu(_bn(h @ W1 + b1, g1, bt1))
    h = jax.nn.relu(_bn(h @ W2 + b2, g2, bt2))
    h = jax.nn.relu(_bn(h @ W3 + b3, g3, bt3))
    agg_sum = jax.ops.segment_sum(h, dst, num_segments=N)
    deg = jax.ops.segment_sum(jnp.ones((E,), jnp.float32), dst, num_segments=N)
    agg = agg_sum / jnp.maximum(deg, 1.0)[:, None]
    out = jnp.concatenate([agg, x], axis=1)
    # original code calls self.relu1(x) without assignment -> no-op, faithfully skipped
    psum = jax.ops.segment_sum(out, batch, num_segments=G)
    cnt = jax.ops.segment_sum(jnp.ones((N,), jnp.float32), batch, num_segments=G)
    pooled = psum / jnp.maximum(cnt, 1.0)[:, None]
    y = jax.nn.relu(pooled @ V1 + c1)
    y = y @ V2 + c2
    return jax.nn.sigmoid(y)

if __name__ == "__main__":
    import jax
    _d = setup_inputs()
    print(jax.jit(kernel)(*tuple(_d.values())))

</pallas_src>

<mosaic_0001>
#map = affine_map<(d0, d1) -> (0, 0)>
#map1 = affine_map<(d0, d1) -> (0, 0, 0)>
module attributes {stable_mosaic.version = 14 : i64} {
  func.func @_gather_body(%arg0: i32, %arg1: i32, %arg2: memref<10000x128xf32, #tpu.memory_space<hbm>>, %arg3: memref<160x10x100xi32, #tpu.memory_space<hbm>>, %arg4: memref<160x10x100xi32, #tpu.memory_space<hbm>>, %arg5: memref<1600x100x64xf32, #tpu.memory_space<hbm>>, %arg6: memref<10x100xi32, #tpu.memory_space<vmem>>, %arg7: memref<10x100xi32, #tpu.memory_space<vmem>>, %arg8: memref<2x100x128xf32, #tpu.memory_space<vmem>>, %arg9: memref<2x100x128xf32, #tpu.memory_space<vmem>>, %arg10: memref<2x100x64xf32, #tpu.memory_space<vmem>>, %arg11: memref<!tpu.dma_semaphore, #tpu.memory_space<semaphore_mem>>, %arg12: memref<!tpu.dma_semaphore, #tpu.memory_space<semaphore_mem>>, %arg13: memref<!tpu.dma_semaphore, #tpu.memory_space<semaphore_mem>>, %arg14: memref<!tpu.dma_semaphore, #tpu.memory_space<semaphore_mem>>, %arg15: memref<!tpu.dma_semaphore, #tpu.memory_space<semaphore_mem>>, %arg16: memref<!tpu.dma_semaphore, #tpu.memory_space<semaphore_mem>>) attributes {dimension_semantics = [#tpu.dimension_semantics<core_parallel>, #tpu.dimension_semantics<subcore_parallel>], iteration_bounds = array<i64: 2, 16>, scalar_prefetch = 0 : i64, scratch_operands = 11 : i64, tpu.core_type = #tpu.core_type<sc_vector_subcore>, window_params = [{transform_indices = #map}, {transform_indices = #map1}, {transform_indices = #map1}, {transform_indices = #map1}]} {
    %mul3A = arith.constant 2 : i32
    %mul3A_0 = arith.muli %arg1, %mul3A : i32
    %add3A = arith.addi %mul3A_0, %arg0 : i32
    %mul3A_1 = arith.constant 5 : i32
    %mul3A_2 = arith.muli %add3A, %mul3A_1 : i32
    %scan3A = arith.constant 0 : i32
    %scan3A_3 = arith.constant 0 : i32
    %scan3A_4 = arith.constant 5 : i32
    %scan3A_5 = arith.addi %scan3A_3, %scan3A_4 : i32
    %scan3A_6 = arith.constant 1 : i32
    scf.for %scan3A_8 = %scan3A_3 to %scan3A_5 step %scan3A_6  : i32 {
      %add3A_9 = arith.addi %mul3A_2, %scan3A_8 : i32
      "tpu.region"() ({
        %run_scoped3A = tpu.sem_alloc : memref<!tpu.dma_semaphore, #tpu.memory_space<semaphore_mem>>
        %dma_start3A_928 = arith.constant 0 : i32
        %dma_start3A_929 = arith.constant 0 : i32
        %dma_start3A_930 = tpu.memref_slice %arg4[%add3A_9, %dma_start3A_928, %dma_start3A_929] : memref<160x10x100xi32, #tpu.memory_space<hbm>> -> memref<1x10x100xi32, #tpu.memory_space<hbm>>
        %dma_start3A_931 = tpu.memref_squeeze %dma_start3A_930 : memref<1x10x100xi32, #tpu.memory_space<hbm>> -> memref<10x100xi32, #tpu.memory_space<hbm>>
        %dma_start3A_932 = arith.constant 0 : i32
        %dma_start3A_933 = arith.constant 0 : i32
        %dma_start3A_934 = tpu.memref_slice %arg4[%add3A_9, %dma_start3A_932, %dma_start3A_933] : memref<160x10x100xi32, #tpu.memory_space<hbm>> -> memref<1x10x100xi32, #tpu.memory_space<hbm>>
        %dma_start3A_935 = tpu.memref_squeeze %dma_start3A_934 : memref<1x10x100xi32, #tpu.memory_space<hbm>> -> memref<10x100xi32, #tpu.memory_space<hbm>>
        tpu.enqueue_dma source(%dma_start3A_935 : memref<10x100xi32, #tpu.memory_space<hbm>>) target(%arg7 : memref<10x100xi32, #tpu.memory_space<vmem>>) target_semaphore(%run_scoped3A : memref<!tpu.dma_semaphore, #tpu.memory_space<semaphore_mem>>)
        %dma_wait3A_936 = arith.constant 0 : i32
        %dma_wait3A_937 = arith.constant 0 : i32
        %dma_wait3A_938 = tpu.memref_slice %arg4[%add3A_9, %dma_wait3A_936, %dma_wait3A_937] : memref<160x10x100xi32, #tpu.memory_space<hbm>> -> memref<1x10x100xi32, #tpu.memory_space<hbm>>
        %dma_wait3A_939 = tpu.memref_squeeze %dma_wait3A_938 : memref<1x10x100xi32, #tpu.memory_space<hbm>> -> memref<10x100xi32, #tpu.memory_space<hbm>>
        %dma_wait3A_940 = arith.constant 0 : i32
        %dma_wait3A_941 = arith.constant 0 : i32
        %dma_wait3A_942 = tpu.memref_slice %arg4[%add3A_9, %dma_wait3A_940, %dma_wait3A_941] : memref<160x10x100xi32, #tpu.memory_space<hbm>> -> memref<1x10x100xi32, #tpu.memory_space<hbm>>
        %dma_wait3A_943 = tpu.memref_squeeze %dma_wait3A_942 : memref<1x10x100xi32, #tpu.memory_space<hbm>> -> memref<10x100xi32, #tpu.memory_space<hbm>>
        tpu.wait_dma2 semaphore(%run_scoped3A : memref<!tpu.dma_semaphore, #tpu.memory_space<semaphore_mem>>) src(%dma_wait3A_943 : memref<10x100xi32, #tpu.memory_space<hbm>>) dst(%arg7 : memref<10x100xi32, #tpu.memory_space<vmem>>)
        tpu.yield
      }) : () -> ()
      "tpu.region"() ({
        %run_scoped3A = tpu.sem_alloc : memref<!tpu.dma_semaphore, #tpu.memory_space<semaphore_mem>>
        %dma_start3A_928 = arith.constant 0 : i32
        %dma_start3A_929 = arith.constant 0 : i32
        %dma_start3A_930 = tpu.memref_slice %arg3[%add3A_9, %dma_start3A_928, %dma_start3A_929] : memref<160x10x100xi32, #tpu.memory_space<hbm>> -> memref<1x10x100xi32, #tpu.memory_space<hbm>>
        %dma_start3A_931 = tpu.memref_squeeze %dma_start3A_930 : memref<1x10x100xi32, #tpu.memory_space<hbm>> -> memref<10x100xi32, #tpu.memory_space<hbm>>
        %dma_start3A_932 = arith.constant 0 : i32
        %dma_start3A_933 = arith.constant 0 : i32
        %dma_start3A_934 = tpu.memref_slice %arg3[%add3A_9, %dma_start3A_932, %dma_start3A_933] : memref<160x10x100xi32, #tpu.memory_space<hbm>> -> memref<1x10x100xi32, #tpu.memory_space<hbm>>
        %dma_start3A_935 = tpu.memref_squeeze %dma_start3A_934 : memref<1x10x100xi32, #tpu.memory_space<hbm>> -> memref<10x100xi32, #tpu.memory_space<hbm>>
        tpu.enqueue_dma source(%dma_start3A_935 : memref<10x100xi32, #tpu.memory_space<hbm>>) target(%arg6 : memref<10x100xi32, #tpu.memory_space<vmem>>) target_semaphore(%run_scoped3A : memref<!tpu.dma_semaphore, #tpu.memory_space<semaphore_mem>>)
        %dma_wait3A_936 = arith.constant 0 : i32
        %dma_wait3A_937 = arith.constant 0 : i32
        %dma_wait3A_938 = tpu.memref_slice %arg3[%add3A_9, %dma_wait3A_936, %dma_wait3A_937] : memref<160x10x100xi32, #tpu.memory_space<hbm>> -> memref<1x10x100xi32, #tpu.memory_space<hbm>>
        %dma_wait3A_939 = tpu.memref_squeeze %dma_wait3A_938 : memref<1x10x100xi32, #tpu.memory_space<hbm>> -> memref<10x100xi32, #tpu.memory_space<hbm>>
        %dma_wait3A_940 = arith.constant 0 : i32
        %dma_wait3A_941 = arith.constant 0 : i32
        %dma_wait3A_942 = tpu.memref_slice %arg3[%add3A_9, %dma_wait3A_940, %dma_wait3A_941] : memref<160x10x100xi32, #tpu.memory_space<hbm>> -> memref<1x10x100xi32, #tpu.memory_space<hbm>>
        %dma_wait3A_943 = tpu.memref_squeeze %dma_wait3A_942 : memref<1x10x100xi32, #tpu.memory_space<hbm>> -> memref<10x100xi32, #tpu.memory_space<hbm>>
        tpu.wait_dma2 semaphore(%run_scoped3A : memref<!tpu.dma_semaphore, #tpu.memory_space<semaphore_mem>>) src(%dma_wait3A_943 : memref<10x100xi32, #tpu.memory_space<hbm>>) dst(%arg6 : memref<10x100xi32, #tpu.memory_space<vmem>>)
        tpu.yield
      }) : () -> ()
      %dma_start3A = arith.constant 0 : i32
      %dma_start3A_10 = arith.constant 0 : i32
      %dma_start3A_11 = arith.constant 0 : i32
      %dma_start3A_12 = arith.constant 0 : i32
      %dma_start3A_13 = tpu.memref_slice %arg8[%dma_start3A_10, %dma_start3A_11, %dma_start3A_12] : memref<2x100x128xf32, #tpu.memory_space<vmem>> -> memref<1x100x128xf32, #tpu.memory_space<vmem>>
      %dma_start3A_14 = tpu.memref_squeeze %dma_start3A_13 : memref<1x100x128xf32, #tpu.memory_space<vmem>> -> memref<100x128xf32, #tpu.memory_space<vmem>>
      %dma_start3A_15 = arith.constant 0 : i32
      %dma_start3A_16 = tpu.memref_slice %arg7[%dma_start3A, %dma_start3A_15] : memref<10x100xi32, #tpu.memory_space<vmem>> -> memref<1x100xi32, #tpu.memory_space<vmem>>
      %dma_start3A_17 = tpu.memref_squeeze %dma_start3A_16 : memref<1x100xi32, #tpu.memory_space<vmem>> -> memref<100xi32, #tpu.memory_space<vmem>>
      %dma_start3A_18 = arith.constant 0 : i32
      %dma_start3A_19 = arith.constant 0 : i32
      %dma_start3A_20 = tpu.memref_slice %arg2[%dma_start3A_18, %dma_start3A_19] : memref<10000x128xf32, #tpu.memory_space<hbm>> -> memref<10000x128xf32, #tpu.memory_space<hbm>>
      tpu.enqueue_indirect_dma source(%dma_start3A_20 : memref<10000x128xf32, #tpu.memory_space<hbm>>) target(%dma_start3A_14 : memref<100x128xf32, #tpu.memory_space<vmem>>) offsets(%dma_start3A_17 : memref<100xi32, #tpu.memory_space<vmem>>) semaphore(%arg11 : memref<!tpu.dma_semaphore, #tpu.memory_space<semaphore_mem>>)
      %dma_start3A_21 = arith.constant 0 : i32
      %dma_start3A_22 = arith.constant 0 : i32
      %dma_start3A_23 = arith.constant 0 : i32
      %dma_start3A_24 = arith.constant 0 : i32
      %dma_start3A_25 = tpu.memref_slice %arg9[%dma_start3A_22, %dma_start3A_23, %dma_start3A_24] : memref<2x100x128xf32, #tpu.memory_space<vmem>> -> memref<1x100x128xf32, #tpu.memory_space<vmem>>
      %dma_start3A_26 = tpu.memref_squeeze %dma_start3A_25 : memref<1x100x128xf32, #tpu.memory_space<vmem>> -> memref<100x128xf32, #tpu.memory_space<vmem>>
      %dma_start3A_27 = arith.constant 0 : i32
      %dma_start3A_28 = tpu.memref_slice %arg6[%dma_start3A_21, %dma_start3A_27] : memref<10x100xi32, #tpu.memory_space<vmem>> -> memref<1x100xi32, #tpu.memory_space<vmem>>
      %dma_start3A_29 = tpu.memref_squeeze %dma_start3A_28 : memref<1x100xi32, #tpu.memory_space<vmem>> -> memref<100xi32, #tpu.memory_space<vmem>>
      %dma_start3A_30 = arith.constant 0 : i32
      %dma_start3A_31 = arith.constant 0 : i32
      %dma_start3A_32 = tpu.memref_slice %arg2[%dma_start3A_30, %dma_start3A_31] : memref<10000x128xf32, #tpu.memory_space<hbm>> -> memref<10000x128xf32, #tpu.memory_space<hbm>>
      tpu.enqueue_indirect_dma source(%dma_start3A_32 : memref<10000x128xf32, #tpu.memory_space<hbm>>) target(%dma_start3A_26 : memref<100x128xf32, #tpu.memory_space<vmem>>) offsets(%dma_start3A_29 : memref<100xi32, #tpu.memory_space<vmem>>) semaphore(%arg13 : memref<!tpu.dma_semaphore, #tpu.memory_space<semaphore_mem>>)
      %dma_start3A_33 = arith.constant 1 : i32
      %dma_start3A_34 = arith.constant 1 : i32
      %dma_start3A_35 = arith.constant 0 : i32
      %dma_start3A_36 = arith.constant 0 : i32
      %dma_start3A_37 = tpu.memref_slice %arg8[%dma_start3A_34, %dma_start3A_35, %dma_start3A_36] : memref<2x100x128xf32, #tpu.memory_space<vmem>> -> memref<1x100x128xf32, #tpu.memory_space<vmem>>
      %dma_start3A_38 = tpu.memref_squeeze %dma_start3A_37 : memref<1x100x128xf32, #tpu.memory_space<vmem>> -> memref<100x128xf32, #tpu.memory_space<vmem>>
      %dma_start3A_39 = arith.constant 0 : i32
      %dma_start3A_40 = tpu.memref_slice %arg7[%dma_start3A_33, %dma_start3A_39] : memref<10x100xi32, #tpu.memory_space<vmem>> -> memref<1x100xi32, #tpu.memory_space<vmem>>
      %dma_start3A_41 = tpu.memref_squeeze %dma_start3A_40 : memref<1x100xi32, #tpu.memory_space<vmem>> -> memref<100xi32, #tpu.memory_space<vmem>>
      %dma_start3A_42 = arith.constant 0 : i32
      %dma_start3A_43 = arith.constant 0 : i32
      %dma_start3A_44 = tpu.memref_slice %arg2[%dma_start3A_42, %dma_start3A_43] : memref<10000x128xf32, #tpu.memory_space<hbm>> -> memref<10000x128xf32, #tpu.memory_space<hbm>>
      tpu.enqueue_indirect_dma source(%dma_start3A_44 : memref<10000x128xf32, #tpu.memory_space<hbm>>) target(%dma_start3A_38 : memref<100x128xf32, #tpu.memory_space<vmem>>) offsets(%dma_start3A_41 : memref<100xi32, #tpu.memory_space<vmem>>) semaphore(%arg12 : memref<!tpu.dma_semaphore, #tpu.memory_space<semaphore_mem>>)
      %dma_start3A_45 = arith.constant 1 : i32
      %dma_start3A_46 = arith.constant 1 : i32
      %dma_start3A_47 = arith.constant 0 : i32
      %dma_start3A_48 = arith.constant 0 : i32
      %dma_start3A_49 = tpu.memref_slice %arg9[%dma_start3A_46, %dma_start3A_47, %dma_start3A_48] : memref<2x100x128xf32, #tpu.memory_space<vmem>> -> memref<1x100x128xf32, #tpu.memory_space<vmem>>
      %dma_start3A_50 = tpu.memref_squeeze %dma_start3A_49 : memref<1x100x128xf32, #tpu.memory_space<vmem>> -> memref<100x128xf32, #tpu.memory_space<vmem>>
      %dma_start3A_51 = arith.constant 0 : i32
      %dma_start3A_52 = tpu.memref_slice %arg6[%dma_start3A_45, %dma_start3A_51] : memref<10x100xi32, #tpu.memory_space<vmem>> -> memref<1x100xi32, #tpu.memory_space<vmem>>
      %dma_start3A_53 = tpu.memref_squeeze %dma_start3A_52 : memref<1x100xi32, #tpu.memory_space<vmem>> -> memref<100xi32, #tpu.memory_space<vmem>>
      %dma_start3A_54 = arith.constant 0 : i32
      %dma_start3A_55 = arith.constant 0 : i32
      %dma_start3A_56 = tpu.memref_slice %arg2[%dma_start3A_54, %dma_start3A_55] : memref<10000x128xf32, #tpu.memory_space<hbm>> -> memref<10000x128xf32, #tpu.memory_space<hbm>>
      tpu.enqueue_indirect_dma source(%dma_start3A_56 : memref<10000x128xf32, #tpu.memory_space<hbm>>) target(%dma_start3A_50 : memref<100x128xf32, #tpu.memory_space<vmem>>) offsets(%dma_start3A_53 : memref<100xi32, #tpu.memory_space<vmem>>) semaphore(%arg14 : memref<!tpu.dma_semaphore, #tpu.memory_space<semaphore_mem>>)
      %dma_wait3A = arith.constant 0 : i32
      %dma_wait3A_57 = arith.constant 0 : i32
      %dma_wait3A_58 = arith.constant 0 : i32
      %dma_wait3A_59 = arith.constant 0 : i32
      %dma_wait3A_60 = tpu.memref_slice %arg8[%dma_wait3A_57, %dma_wait3A_58, %dma_wait3A_59] : memref<2x100x128xf32, #tpu.memory_space<vmem>> -> memref<1x100x128xf32, #tpu.memory_space<vmem>>
      %dma_wait3A_61 = tpu.memref_squeeze %dma_wait3A_60 : memref<1x100x128xf32, #tpu.memory_space<vmem>> -> memref<100x128xf32, #tpu.memory_space<vmem>>
      %dma_wait3A_62 = arith.constant 0 : i32
      %dma_wait3A_63 = tpu.memref_slice %arg7[%dma_wait3A, %dma_wait3A_62] : memref<10x100xi32, #tpu.memory_space<vmem>> -> memref<1x100xi32, #tpu.memory_space<vmem>>
      %dma_wait3A_64 = tpu.memref_squeeze %dma_wait3A_63 : memref<1x100xi32, #tpu.memory_space<vmem>> -> memref<100xi32, #tpu.memory_space<vmem>>
      %dma_wait3A_65 = arith.constant 0 : i32
      %dma_wait3A_66 = arith.constant 0 : i32
      %dma_wait3A_67 = tpu.memref_slice %arg2[%dma_wait3A_65, %dma_wait3A_66] : memref<10000x128xf32, #tpu.memory_space<hbm>> -> memref<10000x128xf32, #tpu.memory_space<hbm>>
      tpu.wait_indirect_dma semaphore(%arg11 : memref<!tpu.dma_semaphore, #tpu.memory_space<semaphore_mem>>) src(%dma_wait3A_67 : memref<10000x128xf32, #tpu.memory_space<hbm>>) dst(%dma_wait3A_61 : memref<100x128xf32, #tpu.memory_space<vmem>>)
      %dma_wait3A_68 = arith.constant 0 : i32
      %dma_wait3A_69 = arith.constant 0 : i32
      %dma_wait3A_70 = arith.constant 0 : i32
      %dma_wait3A_71 = arith.constant 0 : i32
      %dma_wait3A_72 = tpu.memref_slice %arg9[%dma_wait3A_69, %dma_wait3A_70, %dma_wait3A_71] : memref<2x100x128xf32, #tpu.memory_space<vmem>> -> memref<1x100x128xf32, #tpu.memory_space<vmem>>
      %dma_wait3A_73 = tpu.memref_squeeze %dma_wait3A_72 : memref<1x100x128xf32, #tpu.memory_space<vmem>> -> memref<100x128xf32, #tpu.memory_space<vmem>>
      %dma_wait3A_74 = arith.constant 0 : i32
      %dma_wait3A_75 = tpu.memref_slice %arg6[%dma_wait3A_68, %dma_wait3A_74] : memref<10x100xi32, #tpu.memory_space<vmem>> -> memref<1x100xi32, #tpu.memory_space<vmem>>
      %dma_wait3A_76 = tpu.memref_squeeze %dma_wait3A_75 : memref<1x100xi32, #tpu.memory_space<vmem>> -> memref<100xi32, #tpu.memory_space<vmem>>
      %dma_wait3A_77 = arith.constant 0 : i32
      %dma_wait3A_78 = arith.constant 0 : i32
      %dma_wait3A_79 = tpu.memref_slice %arg2[%dma_wait3A_77, %dma_wait3A_78] : memref<10000x128xf32, #tpu.memory_space<hbm>> -> memref<10000x128xf32, #tpu.memory_space<hbm>>
      tpu.wait_indirect_dma semaphore(%arg13 : memref<!tpu.dma_semaphore, #tpu.memory_space<semaphore_mem>>) src(%dma_wait3A_79 : memref<10000x128xf32, #tpu.memory_space<hbm>>) dst(%dma_wait3A_73 : memref<100x128xf32, #tpu.memory_space<vmem>>)
      %scan3A_80 = arith.constant 0 : i32
      %scan3A_81 = arith.constant 0 : i32
      %scan3A_82 = arith.constant 100 : i32
      %scan3A_83 = arith.addi %scan3A_81, %scan3A_82 : i32
      %scan3A_84 = arith.constant 1 : i32
      scf.for %scan3A_928 = %scan3A_81 to %scan3A_83 step %scan3A_84  : i32 {
        %get3A = arith.constant 0 : i32
        %get3A_929 = arith.index_cast %get3A : i32 to index
        %get3A_930 = arith.index_cast %scan3A_928 : i32 to index
        %get3A_931 = arith.constant 0 : index
        %get3A_932 = tpu.vector_load %arg8[%get3A_929, %get3A_930, %get3A_931] {strides = array<i32>} : memref<2x100x128xf32, #tpu.memory_space<vmem>>, vector<1x1x16xf32>,
        %get3A_933 = vector.shape_cast %get3A_932 : vector<1x1x16xf32> to vector<16xf32>
        %get3A_934 = arith.constant 0 : i32
        %get3A_935 = arith.index_cast %get3A_934 : i32 to index
        %get3A_936 = arith.index_cast %scan3A_928 : i32 to index
        %get3A_937 = arith.constant 64 : index
        %get3A_938 = tpu.vector_load %arg9[%get3A_935, %get3A_936, %get3A_937] {strides = array<i32>} : memref<2x100x128xf32, #tpu.memory_space<vmem>>, vector<1x1x16xf32>,
        %get3A_939 = vector.shape_cast %get3A_938 : vector<1x1x16xf32> to vector<16xf32>
        %add3A_940 = arith.addf %get3A_933, %get3A_939 : vector<16xf32>
        %swap3A = arith.constant 0 : i32
        %swap3A_941 = arith.index_cast %swap3A : i32 to index
        %swap3A_942 = arith.index_cast %scan3A_928 : i32 to index
        %swap3A_943 = arith.constant 0 : index
        %swap3A_944 = tpu.vector_load %arg10[%swap3A_941, %swap3A_942, %swap3A_943] {strides = array<i32>} : memref<2x100x64xf32, #tpu.memory_space<vmem>>, vector<1x1x16xf32>,
        %swap3A_945 = vector.shape_cast %swap3A_944 : vector<1x1x16xf32> to vector<16xf32>
        %swap3A_946 = vector.shape_cast %add3A_940 : vector<16xf32> to vector<1x1x16xf32>
        tpu.vector_store %arg10[%swap3A_941, %swap3A_942, %swap3A_943], %swap3A_946 {strides = array<i32>} : memref<2x100x64xf32, #tpu.memory_space<vmem>>, vector<1x1x16xf32>,
        %get3A_947 = arith.constant 0 : i32
        %get3A_948 = arith.index_cast %get3A_947 : i32 to index
        %get3A_949 = arith.index_cast %scan3A_928 : i32 to index
        %get3A_950 = arith.constant 16 : index
        %get3A_951 = tpu.vector_load %arg8[%get3A_948, %get3A_949, %get3A_950] {strides = array<i32>} : memref<2x100x128xf32, #tpu.memory_space<vmem>>, vector<1x1x16xf32>,
        %get3A_952 = vector.shape_cast %get3A_951 : vector<1x1x16xf32> to vector<16xf32>
        %get3A_953 = arith.constant 0 : i32
        %get3A_954 = arith.index_cast %get3A_953 : i32 to index
        %get3A_955 = arith.index_cast %scan3A_928 : i32 to index
        %get3A_956 = arith.constant 80 : index
        %get3A_957 = tpu.vector_load %arg9[%get3A_954, %get3A_955, %get3A_956] {strides = array<i32>} : memref<2x100x128xf32, #tpu.memory_space<vmem>>, vector<1x1x16xf32>,
        %get3A_958 = vector.shape_cast %get3A_957 : vector<1x1x16xf32> to vector<16xf32>
        %add3A_959 = arith.addf %get3A_952, %get3A_958 : vector<16xf32>
        %swap3A_960 = arith.constant 0 : i32
        %swap3A_961 = arith.index_cast %swap3A_960 : i32 to index
        %swap3A_962 = arith.index_cast %scan3A_928 : i32 to index
        %swap3A_963 = arith.constant 16 : index
        %swap3A_964 = tpu.vector_load %arg10[%swap3A_961, %swap3A_962, %swap3A_963] {strides = array<i32>} : memref<2x100x64xf32, #tpu.memory_space<vmem>>, vector<1x1x16xf32>,
        %swap3A_965 = vector.shape_cast %swap3A_964 : vector<1x1x16xf32> to vector<16xf32>
        %swap3A_966 = vector.shape_cast %add3A_959 : vector<16xf32> to vector<1x1x16xf32>
        tpu.vector_store %arg10[%swap3A_961, %swap3A_962, %swap3A_963], %swap3A_966 {strides = array<i32>} : memref<2x100x64xf32, #tpu.memory_space<vmem>>, vector<1x1x16xf32>,
        %get3A_967 = arith.constant 0 : i32
        %get3A_968 = arith.index_cast %get3A_967 : i32 to index
        %get3A_969 = arith.index_cast %scan3A_928 : i32 to index
        %get3A_970 = arith.constant 32 : index
        %get3A_971 = tpu.vector_load %arg8[%get3A_968, %get3A_969, %get3A_970] {strides = array<i32>} : memref<2x100x128xf32, #tpu.memory_space<vmem>>, vector<1x1x16xf32>,
        %get3A_972 = vector.shape_cast %get3A_971 : vector<1x1x16xf32> to vector<16xf32>
        %get3A_973 = arith.constant 0 : i32
        %get3A_974 = arith.index_cast %get3A_973 : i32 to index
        %get3A_975 = arith.index_cast %scan3A_928 : i32 to index
        %get3A_976 = arith.constant 96 : index
        %get3A_977 = tpu.vector_load %arg9[%get3A_974, %get3A_975, %get3A_976] {strides = array<i32>} : memref<2x100x128xf32, #tpu.memory_space<vmem>>, vector<1x1x16xf32>,
        %get3A_978 = vector.shape_cast %get3A_977 : vector<1x1x16xf32> to vector<16xf32>
        %add3A_979 = arith.addf %get3A_972, %get3A_978 : vector<16xf32>
        %swap3A_980 = arith.constant 0 : i32
        %swap3A_981 = arith.index_cast %swap3A_980 : i32 to index
        %swap3A_982 = arith.index_cast %scan3A_928 : i32 to index
        %swap3A_983 = arith.constant 32 : index
        %swap3A_984 = tpu.vector_load %arg10[%swap3A_981, %swap3A_982, %swap3A_983] {strides = array<i32>} : memref<2x100x64xf32, #tpu.memory_space<vmem>>, vector<1x1x16xf32>,
        %swap3A_985 = vector.shape_cast %swap3A_984 : vector<1x1x16xf32> to vector<16xf32>
        %swap3A_986 = vector.shape_cast %add3A_979 : vector<16xf32> to vector<1x1x16xf32>
        tpu.vector_store %arg10[%swap3A_981, %swap3A_982, %swap3A_983], %swap3A_986 {strides = array<i32>} : memref<2x100x64xf32, #tpu.memory_space<vmem>>, vector<1x1x16xf32>,
        %get3A_987 = arith.constant 0 : i32
        %get3A_988 = arith.index_cast %get3A_987 : i32 to index
        %get3A_989 = arith.index_cast %scan3A_928 : i32 to index
        %get3A_990 = arith.constant 48 : index
        %get3A_991 = tpu.vector_load %arg8[%get3A_988, %get3A_989, %get3A_990] {strides = array<i32>} : memref<2x100x128xf32, #tpu.memory_space<vmem>>, vector<1x1x16xf32>,
        %get3A_992 = vector.shape_cast %get3A_991 : vector<1x1x16xf32> to vector<16xf32>
        %get3A_993 = arith.constant 0 : i32
        %get3A_994 = arith.index_cast %get3A_993 : i32 to index
        %get3A_995 = arith.index_cast %scan3A_928 : i32 to index
        %get3A_996 = arith.constant 112 : index
        %get3A_997 = tpu.vector_load %arg9[%get3A_994, %get3A_995, %get3A_996] {strides = array<i32>} : memref<2x100x128xf32, #tpu.memory_space<vmem>>, vector<1x1x16xf32>,
        %get3A_998 = vector.shape_cast %get3A_997 : vector<1x1x16xf32> to vector<16xf32>
        %add3A_999 = arith.addf %get3A_992, %get3A_998 : vector<16xf32>
        %swap3A_1000 = arith.constant 0 : i32
        %swap3A_1001 = arith.index_cast %swap3A_1000 : i32 to index
        %swap3A_1002 = arith.index_cast %scan3A_928 : i32 to index
        %swap3A_1003 = arith.constant 48 : index
        %swap3A_1004 = tpu.vector_load %arg10[%swap3A_1001, %swap3A_1002, %swap3A_1003] {strides = array<i32>} : memref<2x100x64xf32, #tpu.memory_space<vmem>>, vector<1x1x16xf32>,
        %swap3A_1005 = vector.shape_cast %swap3A_1004 : vector<1x1x16xf32> to vector<16xf32>
        %swap3A_1006 = vector.shape_cast %add3A_999 : vector<16xf32> to vector<1x1x16xf32>
        tpu.vector_store %arg10[%swap3A_1001, %swap3A_1002, %swap3A_1003], %swap3A_1006 {strides = array<i32>} : memref<2x100x64xf32, #tpu.memory_space<vmem>>, vector<1x1x16xf32>,
      }
      %scan3A_85 = arith.constant 100 : i32
      %mul3A_86 = arith.constant 10 : i32
      %mul3A_87 = arith.muli %add3A_9, %mul3A_86 : i32
      %add3A_88 = arith.constant 0 : i32
      %add3A_89 = arith.addi %mul3A_87, %add3A_88 : i32
      %dma_start3A_90 = arith.constant 0 : i32
      %dma_start3A_91 = arith.constant 0 : i32
      %dma_start3A_92 = arith.constant 0 : i32
      %dma_start3A_93 = tpu.memref_slice %arg10[%dma_start3A_90, %dma_start3A_91, %dma_start3A_92] : memref<2x100x64xf32, #tpu.memory_space<vmem>> -> memref<1x100x64xf32, #tpu.memory_space<vmem>>
      %dma_start3A_94 = tpu.memref_squeeze %dma_start3A_93 : memref<1x100x64xf32, #tpu.memory_space<vmem>> -> memref<100x64xf32, #tpu.memory_space<vmem>>
      %dma_start3A_95 = arith.constant 0 : i32
      %dma_start3A_96 = arith.constant 0 : i32
      %dma_start3A_97 = tpu.memref_slice %arg5[%add3A_89, %dma_start3A_95, %dma_start3A_96] : memref<1600x100x64xf32, #tpu.memory_space<hbm>> -> memref<1x100x64xf32, #tpu.memory_space<hbm>>
      %dma_start3A_98 = tpu.memref_squeeze %dma_start3A_97 : memref<1x100x64xf32, #tpu.memory_space<hbm>> -> memref<100x64xf32, #tpu.memory_space<hbm>>
      %dma_start3A_99 = arith.constant 0 : i32
      %dma_start3A_100 = arith.constant 0 : i32
      %dma_start3A_101 = tpu.memref_slice %arg5[%add3A_89, %dma_start3A_99, %dma_start3A_100] : memref<1600x100x64xf32, #tpu.memory_space<hbm>> -> memref<1x100x64xf32, #tpu.memory_space<hbm>>
      %dma_start3A_102 = tpu.memref_squeeze %dma_start3A_101 : memref<1x100x64xf32, #tpu.memory_space<hbm>> -> memref<100x64xf32, #tpu.memory_space<hbm>>
      %dma_start3A_103 = arith.constant 0 : i32
      %dma_start3A_104 = arith.constant 0 : i32
      %dma_start3A_105 = tpu.memref_slice %arg10[%dma_start3A_90, %dma_start3A_103, %dma_start3A_104] : memref<2x100x64xf32, #tpu.memory_space<vmem>> -> memref<1x100x64xf32, #tpu.memory_space<vmem>>
      %dma_start3A_106 = tpu.memref_squeeze %dma_start3A_105 : memref<1x100x64xf32, #tpu.memory_space<vmem>> -> memref<100x64xf32, #tpu.memory_space<vmem>>
      tpu.enqueue_dma source(%dma_start3A_106 : memref<100x64xf32, #tpu.memory_space<vmem>>) target(%dma_start3A_102 : memref<100x64xf32, #tpu.memory_space<hbm>>) target_semaphore(%arg15 : memref<!tpu.dma_semaphore, #tpu.memory_space<semaphore_mem>>)
      %dma_start3A_107 = arith.constant 2 : i32
      %dma_start3A_108 = arith.constant 0 : i32
      %dma_start3A_109 = arith.constant 0 : i32
      %dma_start3A_110 = arith.constant 0 : i32
      %dma_start3A_111 = tpu.memref_slice %arg8[%dma_start3A_108, %dma_start3A_109, %dma_start3A_110] : memref<2x100x128xf32, #tpu.memory_space<vmem>> -> memref<1x100x128xf32, #tpu.memory_space<vmem>>
      %dma_start3A_112 = tpu.memref_squeeze %dma_start3A_111 : memref<1x100x128xf32, #tpu.memory_space<vmem>> -> memref<100x128xf32, #tpu.memory_space<vmem>>
      %dma_start3A_113 = arith.constant 0 : i32
      %dma_start3A_114 = tpu.memref_slice %arg7[%dma_start3A_107, %dma_start3A_113] : memref<10x100xi32, #tpu.memory_space<vmem>> -> memref<1x100xi32, #tpu.memory_space<vmem>>
      %dma_start3A_115 = tpu.memref_squeeze %dma_start3A_114 : memref<1x100xi32, #tpu.memory_space<vmem>> -> memref<100xi32, #tpu.memory_space<vmem>>
      %dma_start3A_116 = arith.constant 0 : i32
      %dma_start3A_117 = arith.constant 0 : i32
      %dma_start3A_118 = tpu.memref_slice %arg2[%dma_start3A_116, %dma_start3A_117] : memref<10000x128xf32, #tpu.memory_space<hbm>> -> memref<10000x128xf32, #tpu.memory_space<hbm>>
      tpu.enqueue_indirect_dma source(%dma_start3A_118 : memref<10000x128xf32, #tpu.memory_space<hbm>>) target(%dma_start3A_112 : memref<100x128xf32, #tpu.memory_space<vmem>>) offsets(%dma_start3A_115 : memref<100xi32, #tpu.memory_space<vmem>>) semaphore(%arg11 : memref<!tpu.dma_semaphore, #tpu.memory_space<semaphore_mem>>)
      %dma_start3A_119 = arith.constant 2 : i32
      %dma_start3A_120 = arith.constant 0 : i32
      %dma_start3A_121 = arith.constant 0 : i32
      %dma_start3A_122 = arith.constant 0 : i32
      %dma_start3A_123 = tpu.memref_slice %arg9[%dma_start3A_120, %dma_start3A_121, %dma_start3A_122] : memref<2x100x128xf32, #tpu.memory_space<vmem>> -> memref<1x100x128xf32, #tpu.memory_space<vmem>>
      %dma_start3A_124 = tpu.memref_squeeze %dma_start3A_123 : memref<1x100x128xf32, #tpu.memory_space<vmem>> -> memref<100x128xf32, #tpu.memory_space<vmem>>
      %dma_start3A_125 = arith.constant 0 : i32
      %dma_start3A_126 = tpu.memref_slice %arg6[%dma_start3A_119, %dma_start3A_125] : memref<10x100xi32, #tpu.memory_space<vmem>> -> memref<1x100xi32, #tpu.memory_space<vmem>>
      %dma_start3A_127 = tpu.memref_squeeze %dma_start3A_126 : memref<1x100xi32, #tpu.memory_space<vmem>> -> memref<100xi32, #tpu.memory_space<vmem>>
      %dma_start3A_128 = arith.constant 0 : i32
      %dma_start3A_129 = arith.constant 0 : i32
      %dma_start3A_130 = tpu.memref_slice %arg2[%dma_start3A_128, %dma_start3A_129] : memref<10000x128xf32, #tpu.memory_space<hbm>> -> memref<10000x128xf32, #tpu.memory_space<hbm>>
      tpu.enqueue_indirect_dma source(%dma_start3A_130 : memref<10000x128xf32, #tpu.memory_space<hbm>>) target(%dma_start3A_124 : memref<100x128xf32, #tpu.memory_space<vmem>>) offsets(%dma_start3A_127 : memref<100xi32, #tpu.memory_space<vmem>>) semaphore(%arg13 : memref<!tpu.dma_semaphore, #tpu.memory_space<semaphore_mem>>)
      %dma_wait3A_131 = arith.constant 1 : i32
      %dma_wait3A_132 = arith.constant 1 : i32
      %dma_wait3A_133 = arith.constant 0 : i32
      %dma_wait3A_134 = arith.constant 0 : i32
      %dma_wait3A_135 = tpu.memref_slice %arg8[%dma_wait3A_132, %dma_wait3A_133, %dma_wait3A_134] : memref<2x100x128xf32, #tpu.memory_space<vmem>> -> memref<1x100x128xf32, #tpu.memory_space<vmem>>
      %dma_wait3A_136 = tpu.memref_squeeze %dma_wait3A_135 : memref<1x100x128xf32, #tpu.memory_space<vmem>> -> memref<100x128xf32, #tpu.memory_space<vmem>>
      %dma_wait3A_137 = arith.constant 0 : i32
      %dma_wait3A_138 = tpu.memref_slice %arg7[%dma_wait3A_131, %dma_wait3A_137] : memref<10x100xi32, #tpu.memory_space<vmem>> -> memref<1x100xi32, #tpu.memory_space<vmem>>
      %dma_wait3A_139 = tpu.memref_squeeze %dma_wait3A_138 : memref<1x100xi32, #tpu.memory_space<vmem>> -> memref<100xi32, #tpu.memory_space<vmem>>
      %dma_wait3A_140 = arith.constant 0 : i32
      %dma_wait3A_141 = arith.constant 0 : i32
      %dma_wait3A_142 = tpu.memref_slice %arg2[%dma_wait3A_140, %dma_wait3A_141] : memref<10000x128xf32, #tpu.memory_space<hbm>> -> memref<10000x128xf32, #tpu.memory_space<hbm>>
      tpu.wait_indirect_dma semaphore(%arg12 : memref<!tpu.dma_semaphore, #tpu.memory_space<semaphore_mem>>) src(%dma_wait3A_142 : memref<10000x128xf32, #tpu.memory_space<hbm>>) dst(%dma_wait3A_136 : memref<100x128xf32, #tpu.memory_space<vmem>>)
      %dma_wait3A_143 = arith.constant 1 : i32
      %dma_wait3A_144 = arith.constant 1 : i32
      %dma_wait3A_145 = arith.constant 0 : i32
      %dma_wait3A_146 = arith.constant 0 : i32
      %dma_wait3A_147 = tpu.memref_slice %arg9[%dma_wait3A_144, %dma_wait3A_145, %dma_wait3A_146] : memref<2x100x128xf32, #tpu.memory_space<vmem>> -> memref<1x100x128xf32, #tpu.memory_space<vmem>>
      %dma_wait3A_148 = tpu.memref_squeeze %dma_wait3A_147 : memref<1x100x128xf32, #tpu.memory_space<vmem>> -> memref<100x128xf32, #tpu.memory_space<vmem>>
      %dma_wait3A_149 = arith.constant 0 : i32
      %dma_wait3A_150 = tpu.memref_slice %arg6[%dma_wait3A_143, %dma_wait3A_149] : memref<10x100xi32, #tpu.memory_space<vmem>> -> memref<1x100xi32, #tpu.memory_space<vmem>>
      %dma_wait3A_151 = tpu.memref_squeeze %dma_wait3A_150 : memref<1x100xi32, #tpu.memory_space<vmem>> -> memref<100xi32, #tpu.memory_space<vmem>>
      %dma_wait3A_152 = arith.constant 0 : i32
      %dma_wait3A_153 = arith.constant 0 : i32
      %dma_wait3A_154 = tpu.memref_slice %arg2[%dma_wait3A_152, %dma_wait3A_153] : memref<10000x128xf32, #tpu.memory_space<hbm>> -> memref<10000x128xf32, #tpu.memory_space<hbm>>
      tpu.wait_indirect_dma semaphore(%arg14 : memref<!tpu.dma_semaphore, #tpu.memory_space<semaphore_mem>>) src(%dma_wait3A_154 : memref<10000x128xf32, #tpu.memory_space<hbm>>) dst(%dma_wait3A_148 : memref<100x128xf32, #tpu.memory_space<vmem>>)
      %scan3A_155 = arith.constant 0 : i32
      %scan3A_156 = arith.constant 0 : i32
      %scan3A_157 = arith.constant 100 : i32
      %scan3A_158 = arith.addi %scan3A_156, %scan3A_157 : i32
      %scan3A_159 = arith.constant 1 : i32
      scf.for %scan3A_928 = %scan3A_156 to %scan3A_158 step %scan3A_159  : i32 {
        %get3A = arith.constant 1 : i32
        %get3A_929 = arith.index_cast %get3A : i32 to index
        %get3A_930 = arith.index_cast %scan3A_928 : i32 to index
        %get3A_931 = arith.constant 0 : index
        %get3A_932 = tpu.vector_load %arg8[%get3A_929, %get3A_930, %get3A_931] {strides = array<i32>} : memref<2x100x128xf32, #tpu.memory_space<vmem>>, vector<1x1x16xf32>,
        %get3A_933 = vector.shape_cast %get3A_932 : vector<1x1x16xf32> to vector<16xf32>
        %get3A_934 = arith.constant 1 : i32
        %get3A_935 = arith.index_cast %get3A_934 : i32 to index
        %get3A_936 = arith.index_cast %scan3A_928 : i32 to index
        %get3A_937 = arith.constant 64 : index
        %get3A_938 = tpu.vector_load %arg9[%get3A_935, %get3A_936, %get3A_937] {strides = array<i32>} : memref<2x100x128xf32, #tpu.memory_space<vmem>>, vector<1x1x16xf32>,
        %get3A_939 = vector.shape_cast %get3A_938 : vector<1x1x16xf32> to vector<16xf32>
        %add3A_940 = arith.addf %get3A_933, %get3A_939 : vector<16xf32>
        %swap3A = arith.constant 1 : i32
        %swap3A_941 = arith.index_cast %swap3A : i32 to index
        %swap3A_942 = arith.index_cast %scan3A_928 : i32 to index
        %swap3A_943 = arith.constant 0 : index
        %swap3A_944 = tpu.vector_load %arg10[%swap3A_941, %swap3A_942, %swap3A_943] {strides = array<i32>} : memref<2x100x64xf32, #tpu.memory_space<vmem>>, vector<1x1x16xf32>,
        %swap3A_945 = vector.shape_cast %swap3A_944 : vector<1x1x16xf32> to vector<16xf32>
        %swap3A_946 = vector.shape_cast %add3A_940 : vector<16xf32> to vector<1x1x16xf32>
        tpu.vector_store %arg10[%swap3A_941, %swap3A_942, %swap3A_943], %swap3A_946 {strides = array<i32>} : memref<2x100x64xf32, #tpu.memory_space<vmem>>, vector<1x1x16xf32>,
        %get3A_947 = arith.constant 1 : i32
        %get3A_948 = arith.index_cast %get3A_947 : i32 to index
        %get3A_949 = arith.index_cast %scan3A_928 : i32 to index
        %get3A_950 = arith.constant 16 : index
        %get3A_951 = tpu.vector_load %arg8[%get3A_948, %get3A_949, %get3A_950] {strides = array<i32>} : memref<2x100x128xf32, #tpu.memory_space<vmem>>, vector<1x1x16xf32>,
        %get3A_952 = vector.shape_cast %get3A_951 : vector<1x1x16xf32> to vector<16xf32>
        %get3A_953 = arith.constant 1 : i32
        %get3A_954 = arith.index_cast %get3A_953 : i32 to index
        %get3A_955 = arith.index_cast %scan3A_928 : i32 to index
        %get3A_956 = arith.constant 80 : index
        %get3A_957 = tpu.vector_load %arg9[%get3A_954, %get3A_955, %get3A_956] {strides = array<i32>} : memref<2x100x128xf32, #tpu.memory_space<vmem>>, vector<1x1x16xf32>,
        %get3A_958 = vector.shape_cast %get3A_957 : vector<1x1x16xf32> to vector<16xf32>
        %add3A_959 = arith.addf %get3A_952, %get3A_958 : vector<16xf32>
        %swap3A_960 = arith.constant 1 : i32
        %swap3A_961 = arith.index_cast %swap3A_960 : i32 to index
        %swap3A_962 = arith.index_cast %scan3A_928 : i32 to index
        %swap3A_963 = arith.constant 16 : index
        %swap3A_964 = tpu.vector_load %arg10[%swap3A_961, %swap3A_962, %swap3A_963] {strides = array<i32>} : memref<2x100x64xf32, #tpu.memory_space<vmem>>, vector<1x1x16xf32>,
        %swap3A_965 = vector.shape_cast %swap3A_964 : vector<1x1x16xf32> to vector<16xf32>
        %swap3A_966 = vector.shape_cast %add3A_959 : vector<16xf32> to vector<1x1x16xf32>
        tpu.vector_store %arg10[%swap3A_961, %swap3A_962, %swap3A_963], %swap3A_966 {strides = array<i32>} : memref<2x100x64xf32, #tpu.memory_space<vmem>>, vector<1x1x16xf32>,
        %get3A_967 = arith.constant 1 : i32
        %get3A_968 = arith.index_cast %get3A_967 : i32 to index
        %get3A_969 = arith.index_cast %scan3A_928 : i32 to index
        %get3A_970 = arith.constant 32 : index
        %get3A_971 = tpu.vector_load %arg8[%get3A_968, %get3A_969, %get3A_970] {strides = array<i32>} : memref<2x100x128xf32, #tpu.memory_space<vmem>>, vector<1x1x16xf32>,
        %get3A_972 = vector.shape_cast %get3A_971 : vector<1x1x16xf32> to vector<16xf32>
        %get3A_973 = arith.constant 1 : i32
        %get3A_974 = arith.index_cast %get3A_973 : i32 to index
        %get3A_975 = arith.index_cast %scan3A_928 : i32 to index
        %get3A_976 = arith.constant 96 : index
        %get3A_977 = tpu.vector_load %arg9[%get3A_974, %get3A_975, %get3A_976] {strides = array<i32>} : memref<2x100x128xf32, #tpu.memory_space<vmem>>, vector<1x1x16xf32>,
        %get3A_978 = vector.shape_cast %get3A_977 : vector<1x1x16xf32> to vector<16xf32>
        %add3A_979 = arith.addf %get3A_972, %get3A_978 : vector<16xf32>
        %swap3A_980 = arith.constant 1 : i32
        %swap3A_981 = arith.index_cast %swap3A_980 : i32 to index
        %swap3A_982 = arith.index_cast %scan3A_928 : i32 to index
        %swap3A_983 = arith.constant 32 : index
        %swap3A_984 = tpu.vector_load %arg10[%swap3A_981, %swap3A_982, %swap3A_983] {strides = array<i32>} : memref<2x100x64xf32, #tpu.memory_space<vmem>>, vector<1x1x16xf32>,
        %swap3A_985 = vector.shape_cast %swap3A_984 : vector<1x1x16xf32> to vector<16xf32>
        %swap3A_986 = vector.shape_cast %add3A_979 : vector<16xf32> to vector<1x1x16xf32>
        tpu.vector_store %arg10[%swap3A_981, %swap3A_982, %swap3A_983], %swap3A_986 {strides = array<i32>} : memref<2x100x64xf32, #tpu.memory_space<vmem>>, vector<1x1x16xf32>,
        %get3A_987 = arith.constant 1 : i32
        %get3A_988 = arith.index_cast %get3A_987 : i32 to index
        %get3A_989 = arith.index_cast %scan3A_928 : i32 to index
        %get3A_990 = arith.constant 48 : index
        %get3A_991 = tpu.vector_load %arg8[%get3A_988, %get3A_989, %get3A_990] {strides = array<i32>} : memref<2x100x128xf32, #tpu.memory_space<vmem>>, vector<1x1x16xf32>,
        %get3A_992 = vector.shape_cast %get3A_991 : vector<1x1x16xf32> to vector<16xf32>
        %get3A_993 = arith.constant 1 : i32
        %get3A_994 = arith.index_cast %get3A_993 : i32 to index
        %get3A_995 = arith.index_cast %scan3A_928 : i32 to index
        %get3A_996 = arith.constant 112 : index
        %get3A_997 = tpu.vector_load %arg9[%get3A_994, %get3A_995, %get3A_996] {strides = array<i32>} : memref<2x100x128xf32, #tpu.memory_space<vmem>>, vector<1x1x16xf32>,
        %get3A_998 = vector.shape_cast %get3A_997 : vector<1x1x16xf32> to vector<16xf32>
        %add3A_999 = arith.addf %get3A_992, %get3A_998 : vector<16xf32>
        %swap3A_1000 = arith.constant 1 : i32
        %swap3A_1001 = arith.index_cast %swap3A_1000 : i32 to index
        %swap3A_1002 = arith.index_cast %scan3A_928 : i32 to index
        %swap3A_1003 = arith.constant 48 : index
        %swap3A_1004 = tpu.vector_load %arg10[%swap3A_1001, %swap3A_1002, %swap3A_1003] {strides = array<i32>} : memref<2x100x64xf32, #tpu.memory_space<vmem>>, vector<1x1x16xf32>,
        %swap3A_1005 = vector.shape_cast %swap3A_1004 : vector<1x1x16xf32> to vector<16xf32>
        %swap3A_1006 = vector.shape_cast %add3A_999 : vector<16xf32> to vector<1x1x16xf32>
        tpu.vector_store %arg10[%swap3A_1001, %swap3A_1002, %swap3A_1003], %swap3A_1006 {strides = array<i32>} : memref<2x100x64xf32, #tpu.memory_space<vmem>>, vector<1x1x16xf32>,
      }
      %scan3A_160 = arith.constant 100 : i32
      %mul3A_161 = arith.constant 10 : i32
      %mul3A_162 = arith.muli %add3A_9, %mul3A_161 : i32
      %add3A_163 = arith.constant 1 : i32
      %add3A_164 = arith.addi %mul3A_162, %add3A_163 : i32
      %dma_start3A_165 = arith.constant 1 : i32
      %dma_start3A_166 = arith.constant 0 : i32
      %dma_start3A_167 = arith.constant 0 : i32
      %dma_start3A_168 = tpu.memref_slice %arg10[%dma_start3A_165, %dma_start3A_166, %dma_start3A_167] : memref<2x100x64xf32, #tpu.memory_space<vmem>> -> memref<1x100x64xf32, #tpu.memory_space<vmem>>
      %dma_start3A_169 = tpu.memref_squeeze %dma_start3A_168 : memref<1x100x64xf32, #tpu.memory_space<vmem>> -> memref<100x64xf32, #tpu.memory_space<vmem>>
      %dma_start3A_170 = arith.constant 0 : i32
      %dma_start3A_171 = arith.constant 0 : i32
      %dma_start3A_172 = tpu.memref_slice %arg5[%add3A_164, %dma_start3A_170, %dma_start3A_171] : memref<1600x100x64xf32, #tpu.memory_space<hbm>> -> memref<1x100x64xf32, #tpu.memory_space<hbm>>
      %dma_start3A_173 = tpu.memref_squeeze %dma_start3A_172 : memref<1x100x64xf32, #tpu.memory_space<hbm>> -> memref<100x64xf32, #tpu.memory_space<hbm>>
      %dma_start3A_174 = arith.constant 0 : i32
      %dma_start3A_175 = arith.constant 0 : i32
      %dma_start3A_176 = tpu.memref_slice %arg5[%add3A_164, %dma_start3A_174, %dma_start3A_175] : memref<1600x100x64xf32, #tpu.memory_space<hbm>> -> memref<1x100x64xf32, #tpu.memory_space<hbm>>
      %dma_start3A_177 = tpu.memref_squeeze %dma_start3A_176 : memref<1x100x64xf32, #tpu.memory_space<hbm>> -> memref<100x64xf32, #tpu.memory_space<hbm>>
      %dma_start3A_178 = arith.constant 0 : i32
      %dma_start3A_179 = arith.constant 0 : i32
      %dma_start3A_180 = tpu.memref_slice %arg10[%dma_start3A_165, %dma_start3A_178, %dma_start3A_179] : memref<2x100x64xf32, #tpu.memory_space<vmem>> -> memref<1x100x64xf32, #tpu.memory_space<vmem>>
      %dma_start3A_181 = tpu.memref_squeeze %dma_start3A_180 : memref<1x100x64xf32, #tpu.memory_space<vmem>> -> memref<100x64xf32, #tpu.memory_space<vmem>>
      tpu.enqueue_dma source(%dma_start3A_181 : memref<100x64xf32, #tpu.memory_space<vmem>>) target(%dma_start3A_177 : memref<100x64xf32, #tpu.memory_space<hbm>>) target_semaphore(%arg16 : memref<!tpu.dma_semaphore, #tpu.memory_space<semaphore_mem>>)
      %dma_start3A_182 = arith.constant 3 : i32
      %dma_start3A_183 = arith.constant 1 : i32
      %dma_start3A_184 = arith.constant 0 : i32
      %dma_start3A_185 = arith.constant 0 : i32
      %dma_start3A_186 = tpu.memref_slice %arg8[%dma_start3A_183, %dma_start3A_184, %dma_start3A_185] : memref<2x100x128xf32, #tpu.memory_space<vmem>> -> memref<1x100x128xf32, #tpu.memory_space<vmem>>
      %dma_start3A_187 = tpu.memref_squeeze %dma_start3A_186 : memref<1x100x128xf32, #tpu.memory_space<vmem>> -> memref<100x128xf32, #tpu.memory_space<vmem>>
      %dma_start3A_188 = arith.constant 0 : i32
      %dma_start3A_189 = tpu.memref_slice %arg7[%dma_start3A_182, %dma_start3A_188] : memref<10x100xi32, #tpu.memory_space<vmem>> -> memref<1x100xi32, #tpu.memory_space<vmem>>
      %dma_start3A_190 = tpu.memref_squeeze %dma_start3A_189 : memref<1x100xi32, #tpu.memory_space<vmem>> -> memref<100xi32, #tpu.memory_space<vmem>>
      %dma_start3A_191 = arith.constant 0 : i32
      %dma_start3A_192 = arith.constant 0 : i32
      %dma_start3A_193 = tpu.memref_slice %arg2[%dma_start3A_191, %dma_start3A_192] : memref<10000x128xf32, #tpu.memory_space<hbm>> -> memref<10000x128xf32, #tpu.memory_space<hbm>>
      tpu.enqueue_indirect_dma source(%dma_start3A_193 : memref<10000x128xf32, #tpu.memory_space<hbm>>) target(%dma_start3A_187 : memref<100x128xf32, #tpu.memory_space<vmem>>) offsets(%dma_start3A_190 : memref<100xi32, #tpu.memory_space<vmem>>) semaphore(%arg12 : memref<!tpu.dma_semaphore, #tpu.memory_space<semaphore_mem>>)
      %dma_start3A_194 = arith.constant 3 : i32
      %dma_start3A_195 = arith.constant 1 : i32
      %dma_start3A_196 = arith.constant 0 : i32
      %dma_start3A_197 = arith.constant 0 : i32
      %dma_start3A_198 = tpu.memref_slice %arg9[%dma_start3A_195, %dma_start3A_196, %dma_start3A_197] : memref<2x100x128xf32, #tpu.memory_space<vmem>> -> memref<1x100x128xf32, #tpu.memory_space<vmem>>
      %dma_start3A_199 = tpu.memref_squeeze %dma_start3A_198 : memref<1x100x128xf32, #tpu.memory_space<vmem>> -> memref<100x128xf32, #tpu.memory_space<vmem>>
      %dma_start3A_200 = arith.constant 0 : i32
      %dma_start3A_201 = tpu.memref_slice %arg6[%dma_start3A_194, %dma_start3A_200] : memref<10x100xi32, #tpu.memory_space<vmem>> -> memref<1x100xi32, #tpu.memory_space<vmem>>
      %dma_start3A_202 = tpu.memref_squeeze %dma_start3A_201 : memref<1x100xi32, #tpu.memory_space<vmem>> -> memref<100xi32, #tpu.memory_space<vmem>>
      %dma_start3A_203 = arith.constant 0 : i32
      %dma_start3A_204 = arith.constant 0 : i32
      %dma_start3A_205 = tpu.memref_slice %arg2[%dma_start3A_203, %dma_start3A_204] : memref<10000x128xf32, #tpu.memory_space<hbm>> -> memref<10000x128xf32, #tpu.memory_space<hbm>>
      tpu.enqueue_indirect_dma source(%dma_start3A_205 : memref<10000x128xf32, #tpu.memory_space<hbm>>) target(%dma_start3A_199 : memref<100x128xf32, #tpu.memory_space<vmem>>) offsets(%dma_start3A_202 : memref<100xi32, #tpu.memory_space<vmem>>) semaphore(%arg14 : memref<!tpu.dma_semaphore, #tpu.memory_space<semaphore_mem>>)
      %dma_wait3A_206 = arith.constant 2 : i32
      %dma_wait3A_207 = arith.constant 0 : i32
      %dma_wait3A_208 = arith.constant 0 : i32
      %dma_wait3A_209 = arith.constant 0 : i32
      %dma_wait3A_210 = tpu.memref_slice %arg8[%dma_wait3A_207, %dma_wait3A_208, %dma_wait3A_209] : memref<2x100x128xf32, #tpu.memory_space<vmem>> -> memref<1x100x128xf32, #tpu.memory_space<vmem>>
      %dma_wait3A_211 = tpu.memref_squeeze %dma_wait3A_210 : memref<1x100x128xf32, #tpu.memory_space<vmem>> -> memref<100x128xf32, #tpu.memory_space<vmem>>
      %dma_wait3A_212 = arith.constant 0 : i32
      %dma_wait3A_213 = tpu.memref_slice %arg7[%dma_wait3A_206, %dma_wait3A_212] : memref<10x100xi32, #tpu.memory_space<vmem>> -> memref<1x100xi32, #tpu.memory_space<vmem>>
      %dma_wait3A_214 = tpu.memref_squeeze %dma_wait3A_213 : memref<1x100xi32, #tpu.memory_space<vmem>> -> memref<100xi32, #tpu.memory_space<vmem>>
      %dma_wait3A_215 = arith.constant 0 : i32
      %dma_wait3A_216 = arith.constant 0 : i32
      %dma_wait3A_217 = tpu.memref_slice %arg2[%dma_wait3A_215, %dma_wait3A_216] : memref<10000x128xf32, #tpu.memory_space<hbm>> -> memref<10000x128xf32, #tpu.memory_space<hbm>>
      tpu.wait_indirect_dma semaphore(%arg11 : memref<!tpu.dma_semaphore, #tpu.memory_space<semaphore_mem>>) src(%dma_wait3A_217 : memref<10000x128xf32, #tpu.memory_space<hbm>>) dst(%dma_wait3A_211 : memref<100x128xf32, #tpu.memory_space<vmem>>)
      %dma_wait3A_218 = arith.constant 2 : i32
      %dma_wait3A_219 = arith.constant 0 : i32
      %dma_wait3A_220 = arith.constant 0 : i32
      %dma_wait3A_221 = arith.constant 0 : i32
      %dma_wait3A_222 = tpu.memref_slice %arg9[%dma_wait3A_219, %dma_wait3A_220, %dma_wait3A_221] : memref<2x100x128xf32, #tpu.memory_space<vmem>> -> memref<1x100x128xf32, #tpu.memory_space<vmem>>
      %dma_wait3A_223 = tpu.memref_squeeze %dma_wait3A_222 : memref<1x100x128xf32, #tpu.memory_space<vmem>> -> memref<100x128xf32, #tpu.memory_space<vmem>>
      %dma_wait3A_224 = arith.constant 0 : i32
      %dma_wait3A_225 = tpu.memref_slice %arg6[%dma_wait3A_218, %dma_wait3A_224] : memref<10x100xi32, #tpu.memory_space<vmem>> -> memref<1x100xi32, #tpu.memory_space<vmem>>
      %dma_wait3A_226 = tpu.memref_squeeze %dma_wait3A_225 : memref<1x100xi32, #tpu.memory_space<vmem>> -> memref<100xi32, #tpu.memory_space<vmem>>
      %dma_wait3A_227 = arith.constant 0 : i32
      %dma_wait3A_228 = arith.constant 0 : i32
      %dma_wait3A_229 = tpu.memref_slice %arg2[%dma_wait3A_227, %dma_wait3A_228] : memref<10000x128xf32, #tpu.memory_space<hbm>> -> memref<10000x128xf32, #tpu.memory_space<hbm>>
      tpu.wait_indirect_dma semaphore(%arg13 : memref<!tpu.dma_semaphore, #tpu.memory_space<semaphore_mem>>) src(%dma_wait3A_229 : memref<10000x128xf32, #tpu.memory_space<hbm>>) dst(%dma_wait3A_223 : memref<100x128xf32, #tpu.memory_space<vmem>>)
      %dma_wait3A_230 = arith.constant 0 : i32
      %dma_wait3A_231 = arith.constant 0 : i32
      %dma_wait3A_232 = arith.constant 0 : i32
      %dma_wait3A_233 = tpu.memref_slice %arg10[%dma_wait3A_230, %dma_wait3A_231, %dma_wait3A_232] : memref<2x100x64xf32, #tpu.memory_space<vmem>> -> memref<1x100x64xf32, #tpu.memory_space<vmem>>
      %dma_wait3A_234 = tpu.memref_squeeze %dma_wait3A_233 : memref<1x100x64xf32, #tpu.memory_space<vmem>> -> memref<100x64xf32, #tpu.memory_space<vmem>>
      %dma_wait3A_235 = arith.constant 0 : i32
      %dma_wait3A_236 = arith.constant 0 : i32
      %dma_wait3A_237 = tpu.memref_slice %arg5[%add3A_89, %dma_wait3A_235, %dma_wait3A_236] : memref<1600x100x64xf32, #tpu.memory_space<hbm>> -> memref<1x100x64xf32, #tpu.memory_space<hbm>>
      %dma_wait3A_238 = tpu.memref_squeeze %dma_wait3A_237 : memref<1x100x64xf32, #tpu.memory_space<hbm>> -> memref<100x64xf32, #tpu.memory_space<hbm>>
      %dma_wait3A_239 = arith.constant 0 : i32
      %dma_wait3A_240 = arith.constant 0 : i32
      %dma_wait3A_241 = tpu.memref_slice %arg5[%add3A_89, %dma_wait3A_239, %dma_wait3A_240] : memref<1600x100x64xf32, #tpu.memory_space<hbm>> -> memref<1x100x64xf32, #tpu.memory_space<hbm>>
      %dma_wait3A_242 = tpu.memref_squeeze %dma_wait3A_241 : memref<1x100x64xf32, #tpu.memory_space<hbm>> -> memref<100x64xf32, #tpu.memory_space<hbm>>
      %dma_wait3A_243 = arith.constant 0 : i32
      %dma_wait3A_244 = arith.constant 0 : i32
      %dma_wait3A_245 = tpu.memref_slice %arg10[%dma_wait3A_230, %dma_wait3A_243, %dma_wait3A_244] : memref<2x100x64xf32, #tpu.memory_space<vmem>> -> memref<1x100x64xf32, #tpu.memory_space<vmem>>
      %dma_wait3A_246 = tpu.memref_squeeze %dma_wait3A_245 : memref<1x100x64xf32, #tpu.memory_space<vmem>> -> memref<100x64xf32, #tpu.memory_space<vmem>>
      tpu.wait_dma2 semaphore(%arg15 : memref<!tpu.dma_semaphore, #tpu.memory_space<semaphore_mem>>) src(%dma_wait3A_246 : memref<100x64xf32, #tpu.memory_space<vmem>>) dst(%dma_wait3A_242 : memref<100x64xf32, #tpu.memory_space<hbm>>)
      %scan3A_247 = arith.constant 0 : i32
      %scan3A_248 = arith.constant 0 : i32
      %scan3A_249 = arith.constant 100 : i32
      %scan3A_250 = arith.addi %scan3A_248, %scan3A_249 : i32
      %scan3A_251 = arith.constant 1 : i32
      scf.for %scan3A_928 = %scan3A_248 to %scan3A_250 step %scan3A_251  : i32 {
        %get3A = arith.constant 0 : i32
        %get3A_929 = arith.index_cast %get3A : i32 to index
        %get3A_930 = arith.index_cast %scan3A_928 : i32 to index
        %get3A_931 = arith.constant 0 : index
        %get3A_932 = tpu.vector_load %arg8[%get3A_929, %get3A_930, %get3A_931] {strides = array<i32>} : memref<2x100x128xf32, #tpu.memory_space<vmem>>, vector<1x1x16xf32>,
        %get3A_933 = vector.shape_cast %get3A_932 : vector<1x1x16xf32> to vector<16xf32>
        %get3A_934 = arith.constant 0 : i32
        %get3A_935 = arith.index_cast %get3A_934 : i32 to index
        %get3A_936 = arith.index_cast %scan3A_928 : i32 to index
        %get3A_937 = arith.constant 64 : index
        %get3A_938 = tpu.vector_load %arg9[%get3A_935, %get3A_936, %get3A_937] {strides = array<i32>} : memref<2x100x128xf32, #tpu.memory_space<vmem>>, vector<1x1x16xf32>,
        %get3A_939 = vector.shape_cast %get3A_938 : vector<1x1x16xf32> to vector<16xf32>
        %add3A_940 = arith.addf %get3A_933, %get3A_939 : vector<16xf32>
        %swap3A = arith.constant 0 : i32
        %swap3A_941 = arith.index_cast %swap3A : i32 to index
        %swap3A_942 = arith.index_cast %scan3A_928 : i32 to index
        %swap3A_943 = arith.constant 0 : index
        %swap3A_944 = tpu.vector_load %arg10[%swap3A_941, %swap3A_942, %swap3A_943] {strides = array<i32>} : memref<2x100x64xf32, #tpu.memory_space<vmem>>, vector<1x1x16xf32>,
        %swap3A_945 = vector.shape_cast %swap3A_944 : vector<1x1x16xf32> to vector<16xf32>
        %swap3A_946 = vector.shape_cast %add3A_940 : vector<16xf32> to vector<1x1x16xf32>
        tpu.vector_store %arg10[%swap3A_941, %swap3A_942, %swap3A_943], %swap3A_946 {strides = array<i32>} : memref<2x100x64xf32, #tpu.memory_space<vmem>>, vector<1x1x16xf32>,
        %get3A_947 = arith.constant 0 : i32
        %get3A_948 = arith.index_cast %get3A_947 : i32 to index
        %get3A_949 = arith.index_cast %scan3A_928 : i32 to index
        %get3A_950 = arith.constant 16 : index
        %get3A_951 = tpu.vector_load %arg8[%get3A_948, %get3A_949, %get3A_950] {strides = array<i32>} : memref<2x100x128xf32, #tpu.memory_space<vmem>>, vector<1x1x16xf32>,
        %get3A_952 = vector.shape_cast %get3A_951 : vector<1x1x16xf32> to vector<16xf32>
        %get3A_953 = arith.constant 0 : i32
        %get3A_954 = arith.index_cast %get3A_953 : i32 to index
        %get3A_955 = arith.index_cast %scan3A_928 : i32 to index
        %get3A_956 = arith.constant 80 : index
        %get3A_957 = tpu.vector_load %arg9[%get3A_954, %get3A_955, %get3A_956] {strides = array<i32>} : memref<2x100x128xf32, #tpu.memory_space<vmem>>, vector<1x1x16xf32>,
        %get3A_958 = vector.shape_cast %get3A_957 : vector<1x1x16xf32> to vector<16xf32>
        %add3A_959 = arith.addf %get3A_952, %get3A_958 : vector<16xf32>
        %swap3A_960 = arith.constant 0 : i32
        %swap3A_961 = arith.index_cast %swap3A_960 : i32 to index
        %swap3A_962 = arith.index_cast %scan3A_928 : i32 to index
        %swap3A_963 = arith.constant 16 : index
        %swap3A_964 = tpu.vector_load %arg10[%swap3A_961, %swap3A_962, %swap3A_963] {strides = array<i32>} : memref<2x100x64xf32, #tpu.memory_space<vmem>>, vector<1x1x16xf32>,
        %swap3A_965 = vector.shape_cast %swap3A_964 : vector<1x1x16xf32> to vector<16xf32>
        %swap3A_966 = vector.shape_cast %add3A_959 : vector<16xf32> to vector<1x1x16xf32>
        tpu.vector_store %arg10[%swap3A_961, %swap3A_962, %swap3A_963], %swap3A_966 {strides = array<i32>} : memref<2x100x64xf32, #tpu.memory_space<vmem>>, vector<1x1x16xf32>,
        %get3A_967 = arith.constant 0 : i32
        %get3A_968 = arith.index_cast %get3A_967 : i32 to index
        %get3A_969 = arith.index_cast %scan3A_928 : i32 to index
        %get3A_970 = arith.constant 32 : index
        %get3A_971 = tpu.vector_load %arg8[%get3A_968, %get3A_969, %get3A_970] {strides = array<i32>} : memref<2x100x128xf32, #tpu.memory_space<vmem>>, vector<1x1x16xf32>,
        %get3A_972 = vector.shape_cast %get3A_971 : vector<1x1x16xf32> to vector<16xf32>
        %get3A_973 = arith.constant 0 : i32
        %get3A_974 = arith.index_cast %get3A_973 : i32 to index
        %get3A_975 = arith.index_cast %scan3A_928 : i32 to index
        %get3A_976 = arith.constant 96 : index
        %get3A_977 = tpu.vector_load %arg9[%get3A_974, %get3A_975, %get3A_976] {strides = array<i32>} : memref<2x100x128xf32, #tpu.memory_space<vmem>>, vector<1x1x16xf32>,
        %get3A_978 = vector.shape_cast %get3A_977 : vector<1x1x16xf32> to vector<16xf32>
        %add3A_979 = arith.addf %get3A_972, %get3A_978 : vector<16xf32>
        %swap3A_980 = arith.constant 0 : i32
        %swap3A_981 = arith.index_cast %swap3A_980 : i32 to index
        %swap3A_982 = arith.index_cast %scan3A_928 : i32 to index
        %swap3A_983 = arith.constant 32 : index
        %swap3A_984 = tpu.vector_load %arg10[%swap3A_981, %swap3A_982, %swap3A_983] {strides = array<i32>} : memref<2x100x64xf32, #tpu.memory_space<vmem>>, vector<1x1x16xf32>,
        %swap3A_985 = vector.shape_cast %swap3A_984 : vector<1x1x16xf32> to vector<16xf32>
        %swap3A_986 = vector.shape_cast %add3A_979 : vector<16xf32> to vector<1x1x16xf32>
        tpu.vector_store %arg10[%swap3A_981, %swap3A_982, %swap3A_983], %swap3A_986 {strides = array<i32>} : memref<2x100x64xf32, #tpu.memory_space<vmem>>, vector<1x1x16xf32>,
        %get3A_987 = arith.constant 0 : i32
        %get3A_988 = arith.index_cast %get3A_987 : i32 to index
        %get3A_989 = arith.index_cast %scan3A_928 : i32 to index
        %get3A_990 = arith.constant 48 : index
        %get3A_991 = tpu.vector_load %arg8[%get3A_988, %get3A_989, %get3A_990] {strides = array<i32>} : memref<2x100x128xf32, #tpu.memory_space<vmem>>, vector<1x1x16xf32>,
        %get3A_992 = vector.shape_cast %get3A_991 : vector<1x1x16xf32> to vector<16xf32>
        %get3A_993 = arith.constant 0 : i32
        %get3A_994 = arith.index_cast %get3A_993 : i32 to index
        %get3A_995 = arith.index_cast %scan3A_928 : i32 to index
        %get3A_996 = arith.constant 112 : index
        %get3A_997 = tpu.vector_load %arg9[%get3A_994, %get3A_995, %get3A_996] {strides = array<i32>} : memref<2x100x128xf32, #tpu.memory_space<vmem>>, vector<1x1x16xf32>,
        %get3A_998 = vector.shape_cast %get3A_997 : vector<1x1x16xf32> to vector<16xf32>
        %add3A_999 = arith.addf %get3A_992, %get3A_998 : vector<16xf32>
        %swap3A_1000 = arith.constant 0 : i32
        %swap3A_1001 = arith.index_cast %swap3A_1000 : i32 to index
        %swap3A_1002 = arith.index_cast %scan3A_928 : i32 to index
        %swap3A_1003 = arith.constant 48 : index
        %swap3A_1004 = tpu.vector_load %arg10[%swap3A_1001, %swap3A_1002, %swap3A_1003] {strides = array<i32>} : memref<2x100x64xf32, #tpu.memory_space<vmem>>, vector<1x1x16xf32>,
        %swap3A_1005 = vector.shape_cast %swap3A_1004 : vector<1x1x16xf32> to vector<16xf32>
        %swap3A_1006 = vector.shape_cast %add3A_999 : vector<16xf32> to vector<1x1x16xf32>
        tpu.vector_store %arg10[%swap3A_1001, %swap3A_1002, %swap3A_1003], %swap3A_1006 {strides = array<i32>} : memref<2x100x64xf32, #tpu.memory_space<vmem>>, vector<1x1x16xf32>,
      }
      %scan3A_252 = arith.constant 100 : i32
      %mul3A_253 = arith.constant 10 : i32
      %mul3A_254 = arith.muli %add3A_9, %mul3A_253 : i32
      %add3A_255 = arith.constant 2 : i32
      %add3A_256 = arith.addi %mul3A_254, %add3A_255 : i32
      %dma_start3A_257 = arith.constant 0 : i32
      %dma_start3A_258 = arith.constant 0 : i32
      %dma_start3A_259 = arith.constant 0 : i32
      %dma_start3A_260 = tpu.memref_slice %arg10[%dma_start3A_257, %dma_start3A_258, %dma_start3A_259] : memref<2x100x64xf32, #tpu.memory_space<vmem>> -> memref<1x100x64xf32, #tpu.memory_space<vmem>>
      %dma_start3A_261 = tpu.memref_squeeze %dma_start3A_260 : memref<1x100x64xf32, #tpu.memory_space<vmem>> -> memref<100x64xf32, #tpu.memory_space<vmem>>
      %dma_start3A_262 = arith.constant 0 : i32
      %dma_start3A_263 = arith.constant 0 : i32
      %dma_start3A_264 = tpu.memref_slice %arg5[%add3A_256, %dma_start3A_262, %dma_start3A_263] : memref<1600x100x64xf32, #tpu.memory_space<hbm>> -> memref<1x100x64xf32, #tpu.memory_space<hbm>>
      %dma_start3A_265 = tpu.memref_squeeze %dma_start3A_264 : memref<1x100x64xf32, #tpu.memory_space<hbm>> -> memref<100x64xf32, #tpu.memory_space<hbm>>
      %dma_start3A_266 = arith.constant 0 : i32
      %dma_start3A_267 = arith.constant 0 : i32
      %dma_start3A_268 = tpu.memref_slice %arg5[%add3A_256, %dma_start3A_266, %dma_start3A_267] : memref<1600x100x64xf32, #tpu.memory_space<hbm>> -> memref<1x100x64xf32, #tpu.memory_space<hbm>>
      %dma_start3A_269 = tpu.memref_squeeze %dma_start3A_268 : memref<1x100x64xf32, #tpu.memory_space<hbm>> -> memref<100x64xf32, #tpu.memory_space<hbm>>
      %dma_start3A_270 = arith.constant 0 : i32
      %dma_start3A_271 = arith.constant 0 : i32
      %dma_start3A_272 = tpu.memref_slice %arg10[%dma_start3A_257, %dma_start3A_270, %dma_start3A_271] : memref<2x100x64xf32, #tpu.memory_space<vmem>> -> memref<1x100x64xf32, #tpu.memory_space<vmem>>
      %dma_start3A_273 = tpu.memref_squeeze %dma_start3A_272 : memref<1x100x64xf32, #tpu.memory_space<vmem>> -> memref<100x64xf32, #tpu.memory_space<vmem>>
      tpu.enqueue_dma source(%dma_start3A_273 : memref<100x64xf32, #tpu.memory_space<vmem>>) target(%dma_start3A_269 : memref<100x64xf32, #tpu.memory_space<hbm>>) target_semaphore(%arg15 : memref<!tpu.dma_semaphore, #tpu.memory_space<semaphore_mem>>)
      %dma_start3A_274 = arith.constant 4 : i32
      %dma_start3A_275 = arith.constant 0 : i32
      %dma_start3A_276 = arith.constant 0 : i32
      %dma_start3A_277 = arith.constant 0 : i32
      %dma_start3A_278 = tpu.memref_slice %arg8[%dma_start3A_275, %dma_start3A_276, %dma_start3A_277] : memref<2x100x128xf32, #tpu.memory_space<vmem>> -> memref<1x100x128xf32, #tpu.memory_space<vmem>>
      %dma_start3A_279 = tpu.memref_squeeze %dma_start3A_278 : memref<1x100x128xf32, #tpu.memory_space<vmem>> -> memref<100x128xf32, #tpu.memory_space<vmem>>
      %dma_start3A_280 = arith.constant 0 : i32
      %dma_start3A_281 = tpu.memref_slice %arg7[%dma_start3A_274, %dma_start3A_280] : memref<10x100xi32, #tpu.memory_space<vmem>> -> memref<1x100xi32, #tpu.memory_space<vmem>>
      %dma_start3A_282 = tpu.memref_squeeze %dma_start3A_281 : memref<1x100xi32, #tpu.memory_space<vmem>> -> memref<100xi32, #tpu.memory_space<vmem>>
      %dma_start3A_283 = arith.constant 0 : i32
      %dma_start3A_284 = arith.constant 0 : i32
      %dma_start3A_285 = tpu.memref_slice %arg2[%dma_start3A_283, %dma_start3A_284] : memref<10000x128xf32, #tpu.memory_space<hbm>> -> memref<10000x128xf32, #tpu.memory_space<hbm>>
      tpu.enqueue_indirect_dma source(%dma_start3A_285 : memref<10000x128xf32, #tpu.memory_space<hbm>>) target(%dma_start3A_279 : memref<100x128xf32, #tpu.memory_space<vmem>>) offsets(%dma_start3A_282 : memref<100xi32, #tpu.memory_space<vmem>>) semaphore(%arg11 : memref<!tpu.dma_semaphore, #tpu.memory_space<semaphore_mem>>)
      %dma_start3A_286 = arith.constant 4 : i32
      %dma_start3A_287 = arith.constant 0 : i32
      %dma_start3A_288 = arith.constant 0 : i32
      %dma_start3A_289 = arith.constant 0 : i32
      %dma_start3A_290 = tpu.memref_slice %arg9[%dma_start3A_287, %dma_start3A_288, %dma_start3A_289] : memref<2x100x128xf32, #tpu.memory_space<vmem>> -> memref<1x100x128xf32, #tpu.memory_space<vmem>>
      %dma_start3A_291 = tpu.memref_squeeze %dma_start3A_290 : memref<1x100x128xf32, #tpu.memory_space<vmem>> -> memref<100x128xf32, #tpu.memory_space<vmem>>
      %dma_start3A_292 = arith.constant 0 : i32
      %dma_start3A_293 = tpu.memref_slice %arg6[%dma_start3A_286, %dma_start3A_292] : memref<10x100xi32, #tpu.memory_space<vmem>> -> memref<1x100xi32, #tpu.memory_space<vmem>>
      %dma_start3A_294 = tpu.memref_squeeze %dma_start3A_293 : memref<1x100xi32, #tpu.memory_space<vmem>> -> memref<100xi32, #tpu.memory_space<vmem>>
      %dma_start3A_295 = arith.constant 0 : i32
      %dma_start3A_296 = arith.constant 0 : i32
      %dma_start3A_297 = tpu.memref_slice %arg2[%dma_start3A_295, %dma_start3A_296] : memref<10000x128xf32, #tpu.memory_space<hbm>> -> memref<10000x128xf32, #tpu.memory_space<hbm>>
      tpu.enqueue_indirect_dma source(%dma_start3A_297 : memref<10000x128xf32, #tpu.memory_space<hbm>>) target(%dma_start3A_291 : memref<100x128xf32, #tpu.memory_space<vmem>>) offsets(%dma_start3A_294 : memref<100xi32, #tpu.memory_space<vmem>>) semaphore(%arg13 : memref<!tpu.dma_semaphore, #tpu.memory_space<semaphore_mem>>)
      %dma_wait3A_298 = arith.constant 3 : i32
      %dma_wait3A_299 = arith.constant 1 : i32
      %dma_wait3A_300 = arith.constant 0 : i32
      %dma_wait3A_301 = arith.constant 0 : i32
      %dma_wait3A_302 = tpu.memref_slice %arg8[%dma_wait3A_299, %dma_wait3A_300, %dma_wait3A_301] : memref<2x100x128xf32, #tpu.memory_space<vmem>> -> memref<1x100x128xf32, #tpu.memory_space<vmem>>
      %dma_wait3A_303 = tpu.memref_squeeze %dma_wait3A_302 : memref<1x100x128xf32, #tpu.memory_space<vmem>> -> memref<100x128xf32, #tpu.memory_space<vmem>>
      %dma_wait3A_304 = arith.constant 0 : i32
      %dma_wait3A_305 = tpu.memref_slice %arg7[%dma_wait3A_298, %dma_wait3A_304] : memref<10x100xi32, #tpu.memory_space<vmem>> -> memref<1x100xi32, #tpu.memory_space<vmem>>
      %dma_wait3A_306 = tpu.memref_squeeze %dma_wait3A_305 : memref<1x100xi32, #tpu.memory_space<vmem>> -> memref<100xi32, #tpu.memory_space<vmem>>
      %dma_wait3A_307 = arith.constant 0 : i32
      %dma_wait3A_308 = arith.constant 0 : i32
      %dma_wait3A_309 = tpu.memref_slice %arg2[%dma_wait3A_307, %dma_wait3A_308] : memref<10000x128xf32, #tpu.memory_space<hbm>> -> memref<10000x128xf32, #tpu.memory_space<hbm>>
      tpu.wait_indirect_dma semaphore(%arg12 : memref<!tpu.dma_semaphore, #tpu.memory_space<semaphore_mem>>) src(%dma_wait3A_309 : memref<10000x128xf32, #tpu.memory_space<hbm>>) dst(%dma_wait3A_303 : memref<100x128xf32, #tpu.memory_space<vmem>>)
      %dma_wait3A_310 = arith.constant 3 : i32
      %dma_wait3A_311 = arith.constant 1 : i32
      %dma_wait3A_312 = arith.constant 0 : i32
      %dma_wait3A_313 = arith.constant 0 : i32
      %dma_wait3A_314 = tpu.memref_slice %arg9[%dma_wait3A_311, %dma_wait3A_312, %dma_wait3A_313] : memref<2x100x128xf32, #tpu.memory_space<vmem>> -> memref<1x100x128xf32, #tpu.memory_space<vmem>>
      %dma_wait3A_315 = tpu.memref_squeeze %dma_wait3A_314 : memref<1x100x128xf32, #tpu.memory_space<vmem>> -> memref<100x128xf32, #tpu.memory_space<vmem>>
      %dma_wait3A_316 = arith.constant 0 : i32
      %dma_wait3A_317 = tpu.memref_slice %arg6[%dma_wait3A_310, %dma_wait3A_316] : memref<10x100xi32, #tpu.memory_space<vmem>> -> memref<1x100xi32, #tpu.memory_space<vmem>>
      %dma_wait3A_318 = tpu.memref_squeeze %dma_wait3A_317 : memref<1x100xi32, #tpu.memory_space<vmem>> -> memref<100xi32, #tpu.memory_space<vmem>>
      %dma_wait3A_319 = arith.constant 0 : i32
      %dma_wait3A_320 = arith.constant 0 : i32
      %dma_wait3A_321 = tpu.memref_slice %arg2[%dma_wait3A_319, %dma_wait3A_320] : memref<10000x128xf32, #tpu.memory_space<hbm>> -> memref<10000x128xf32, #tpu.memory_space<hbm>>
      tpu.wait_indirect_dma semaphore(%arg14 : memref<!tpu.dma_semaphore, #tpu.memory_space<semaphore_mem>>) src(%dma_wait3A_321 : memref<10000x128xf32, #tpu.memory_space<hbm>>) dst(%dma_wait3A_315 : memref<100x128xf32, #tpu.memory_space<vmem>>)
      %dma_wait3A_322 = arith.constant 1 : i32
      %dma_wait3A_323 = arith.constant 0 : i32
      %dma_wait3A_324 = arith.constant 0 : i32
      %dma_wait3A_325 = tpu.memref_slice %arg10[%dma_wait3A_322, %dma_wait3A_323, %dma_wait3A_324] : memref<2x100x64xf32, #tpu.memory_space<vmem>> -> memref<1x100x64xf32, #tpu.memory_space<vmem>>
      %dma_wait3A_326 = tpu.memref_squeeze %dma_wait3A_325 : memref<1x100x64xf32, #tpu.memory_space<vmem>> -> memref<100x64xf32, #tpu.memory_space<vmem>>
      %dma_wait3A_327 = arith.constant 0 : i32
      %dma_wait3A_328 = arith.constant 0 : i32
      %dma_wait3A_329 = tpu.memref_slice %arg5[%add3A_164, %dma_wait3A_327, %dma_wait3A_328] : memref<1600x100x64xf32, #tpu.memory_space<hbm>> -> memref<1x100x64xf32, #tpu.memory_space<hbm>>
      %dma_wait3A_330 = tpu.memref_squeeze %dma_wait3A_329 : memref<1x100x64xf32, #tpu.memory_space<hbm>> -> memref<100x64xf32, #tpu.memory_space<hbm>>
      %dma_wait3A_331 = arith.constant 0 : i32
      %dma_wait3A_332 = arith.constant 0 : i32
      %dma_wait3A_333 = tpu.memref_slice %arg5[%add3A_164, %dma_wait3A_331, %dma_wait3A_332] : memref<1600x100x64xf32, #tpu.memory_space<hbm>> -> memref<1x100x64xf32, #tpu.memory_space<hbm>>
      %dma_wait3A_334 = tpu.memref_squeeze %dma_wait3A_333 : memref<1x100x64xf32, #tpu.memory_space<hbm>> -> memref<100x64xf32, #tpu.memory_space<hbm>>
      %dma_wait3A_335 = arith.constant 0 : i32
      %dma_wait3A_336 = arith.constant 0 : i32
      %dma_wait3A_337 = tpu.memref_slice %arg10[%dma_wait3A_322, %dma_wait3A_335, %dma_wait3A_336] : memref<2x100x64xf32, #tpu.memory_space<vmem>> -> memref<1x100x64xf32, #tpu.memory_space<vmem>>
      %dma_wait3A_338 = tpu.memref_squeeze %dma_wait3A_337 : memref<1x100x64xf32, #tpu.memory_space<vmem>> -> memref<100x64xf32, #tpu.memory_space<vmem>>
      tpu.wait_dma2 semaphore(%arg16 : memref<!tpu.dma_semaphore, #tpu.memory_space<semaphore_mem>>) src(%dma_wait3A_338 : memref<100x64xf32, #tpu.memory_space<vmem>>) dst(%dma_wait3A_334 : memref<100x64xf32, #tpu.memory_space<hbm>>)
      %scan3A_339 = arith.constant 0 : i32
      %scan3A_340 = arith.constant 0 : i32
      %scan3A_341 = arith.constant 100 : i32
      %scan3A_342 = arith.addi %scan3A_340, %scan3A_341 : i32
      %scan3A_343 = arith.constant 1 : i32
      scf.for %scan3A_928 = %scan3A_340 to %scan3A_342 step %scan3A_343  : i32 {
        %get3A = arith.constant 1 : i32
        %get3A_929 = arith.index_cast %get3A : i32 to index
        %get3A_930 = arith.index_cast %scan3A_928 : i32 to index
        %get3A_931 = arith.constant 0 : index
        %get3A_932 = tpu.vector_load %arg8[%get3A_929, %get3A_930, %get3A_931] {strides = array<i32>} : memref<2x100x128xf32, #tpu.memory_space<vmem>>, vector<1x1x16xf32>,
        %get3A_933 = vector.shape_cast %get3A_932 : vector<1x1x16xf32> to vector<16xf32>
        %get3A_934 = arith.constant 1 : i32
        %get3A_935 = arith.index_cast %get3A_934 : i32 to index
        %get3A_936 = arith.index_cast %scan3A_928 : i32 to index
        %get3A_937 = arith.constant 64 : index
        %get3A_938 = tpu.vector_load %arg9[%get3A_935, %get3A_936, %get3A_937] {strides = array<i32>} : memref<2x100x128xf32, #tpu.memory_space<vmem>>, vector<1x1x16xf32>,
        %get3A_939 = vector.shape_cast %get3A_938 : vector<1x1x16xf32> to vector<16xf32>
        %add3A_940 = arith.addf %get3A_933, %get3A_939 : vector<16xf32>
        %swap3A = arith.constant 1 : i32
        %swap3A_941 = arith.index_cast %swap3A : i32 to index
        %swap3A_942 = arith.index_cast %scan3A_928 : i32 to index
        %swap3A_943 = arith.constant 0 : index
        %swap3A_944 = tpu.vector_load %arg10[%swap3A_941, %swap3A_942, %swap3A_943] {strides = array<i32>} : memref<2x100x64xf32, #tpu.memory_space<vmem>>, vector<1x1x16xf32>,
        %swap3A_945 = vector.shape_cast %swap3A_944 : vector<1x1x16xf32> to vector<16xf32>
        %swap3A_946 = vector.shape_cast %add3A_940 : vector<16xf32> to vector<1x1x16xf32>
        tpu.vector_store %arg10[%swap3A_941, %swap3A_942, %swap3A_943], %swap3A_946 {strides = array<i32>} : memref<2x100x64xf32, #tpu.memory_space<vmem>>, vector<1x1x16xf32>,
        %get3A_947 = arith.constant 1 : i32
        %get3A_948 = arith.index_cast %get3A_947 : i32 to index
        %get3A_949 = arith.index_cast %scan3A_928 : i32 to index
        %get3A_950 = arith.constant 16 : index
        %get3A_951 = tpu.vector_load %arg8[%get3A_948, %get3A_949, %get3A_950] {strides = array<i32>} : memref<2x100x128xf32, #tpu.memory_space<vmem>>, vector<1x1x16xf32>,
        %get3A_952 = vector.shape_cast %get3A_951 : vector<1x1x16xf32> to vector<16xf32>
        %get3A_953 = arith.constant 1 : i32
        %get3A_954 = arith.index_cast %get3A_953 : i32 to index
        %get3A_955 = arith.index_cast %scan3A_928 : i32 to index
        %get3A_956 = arith.constant 80 : index
        %get3A_957 = tpu.vector_load %arg9[%get3A_954, %get3A_955, %get3A_956] {strides = array<i32>} : memref<2x100x128xf32, #tpu.memory_space<vmem>>, vector<1x1x16xf32>,
        %get3A_958 = vector.shape_cast %get3A_957 : vector<1x1x16xf32> to vector<16xf32>
        %add3A_959 = arith.addf %get3A_952, %get3A_958 : vector<16xf32>
        %swap3A_960 = arith.constant 1 : i32
        %swap3A_961 = arith.index_cast %swap3A_960 : i32 to index
        %swap3A_962 = arith.index_cast %scan3A_928 : i32 to index
        %swap3A_963 = arith.constant 16 : index
        %swap3A_964 = tpu.vector_load %arg10[%swap3A_961, %swap3A_962, %swap3A_963] {strides = array<i32>} : memref<2x100x64xf32, #tpu.memory_space<vmem>>, vector<1x1x16xf32>,
        %swap3A_965 = vector.shape_cast %swap3A_964 : vector<1x1x16xf32> to vector<16xf32>
        %swap3A_966 = vector.shape_cast %add3A_959 : vector<16xf32> to vector<1x1x16xf32>
        tpu.vector_store %arg10[%swap3A_961, %swap3A_962, %swap3A_963], %swap3A_966 {strides = array<i32>} : memref<2x100x64xf32, #tpu.memory_space<vmem>>, vector<1x1x16xf32>,
        %get3A_967 = arith.constant 1 : i32
        %get3A_968 = arith.index_cast %get3A_967 : i32 to index
        %get3A_969 = arith.index_cast %scan3A_928 : i32 to index
        %get3A_970 = arith.constant 32 : index
        %get3A_971 = tpu.vector_load %arg8[%get3A_968, %get3A_969, %get3A_970] {strides = array<i32>} : memref<2x100x128xf32, #tpu.memory_space<vmem>>, vector<1x1x16xf32>,
        %get3A_972 = vector.shape_cast %get3A_971 : vector<1x1x16xf32> to vector<16xf32>
        %get3A_973 = arith.constant 1 : i32
        %get3A_974 = arith.index_cast %get3A_973 : i32 to index
        %get3A_975 = arith.index_cast %scan3A_928 : i32 to index
        %get3A_976 = arith.constant 96 : index
        %get3A_977 = tpu.vector_load %arg9[%get3A_974, %get3A_975, %get3A_976] {strides = array<i32>} : memref<2x100x128xf32, #tpu.memory_space<vmem>>, vector<1x1x16xf32>,
        %get3A_978 = vector.shape_cast %get3A_977 : vector<1x1x16xf32> to vector<16xf32>
        %add3A_979 = arith.addf %get3A_972, %get3A_978 : vector<16xf32>
        %swap3A_980 = arith.constant 1 : i32
        %swap3A_981 = arith.index_cast %swap3A_980 : i32 to index
        %swap3A_982 = arith.index_cast %scan3A_928 : i32 to index
        %swap3A_983 = arith.constant 32 : index
        %swap3A_984 = tpu.vector_load %arg10[%swap3A_981, %swap3A_982, %swap3A_983] {strides = array<i32>} : memref<2x100x64xf32, #tpu.memory_space<vmem>>, vector<1x1x16xf32>,
        %swap3A_985 = vector.shape_cast %swap3A_984 : vector<1x1x16xf32> to vector<16xf32>
        %swap3A_986 = vector.shape_cast %add3A_979 : vector<16xf32> to vector<1x1x16xf32>
        tpu.vector_store %arg10[%swap3A_981, %swap3A_982, %swap3A_983], %swap3A_986 {strides = array<i32>} : memref<2x100x64xf32, #tpu.memory_space<vmem>>, vector<1x1x16xf32>,
        %get3A_987 = arith.constant 1 : i32
        %get3A_988 = arith.index_cast %get3A_987 : i32 to index
        %get3A_989 = arith.index_cast %scan3A_928 : i32 to index
        %get3A_990 = arith.constant 48 : index
        %get3A_991 = tpu.vector_load %arg8[%get3A_988, %get3A_989, %get3A_990] {strides = array<i32>} : memref<2x100x128xf32, #tpu.memory_space<vmem>>, vector<1x1x16xf32>,
        %get3A_992 = vector.shape_cast %get3A_991 : vector<1x1x16xf32> to vector<16xf32>
        %get3A_993 = arith.constant 1 : i32
        %get3A_994 = arith.index_cast %get3A_993 : i32 to index
        %get3A_995 = arith.index_cast %scan3A_928 : i32 to index
        %get3A_996 = arith.constant 112 : index
        %get3A_997 = tpu.vector_load %arg9[%get3A_994, %get3A_995, %get3A_996] {strides = array<i32>} : memref<2x100x128xf32, #tpu.memory_space<vmem>>, vector<1x1x16xf32>,
        %get3A_998 = vector.shape_cast %get3A_997 : vector<1x1x16xf32> to vector<16xf32>
        %add3A_999 = arith.addf %get3A_992, %get3A_998 : vector<16xf32>
        %swap3A_1000 = arith.constant 1 : i32
        %swap3A_1001 = arith.index_cast %swap3A_1000 : i32 to index
        %swap3A_1002 = arith.index_cast %scan3A_928 : i32 to index
        %swap3A_1003 = arith.constant 48 : index
        %swap3A_1004 = tpu.vector_load %arg10[%swap3A_1001, %swap3A_1002, %swap3A_1003] {strides = array<i32>} : memref<2x100x64xf32, #tpu.memory_space<vmem>>, vector<1x1x16xf32>,
        %swap3A_1005 = vector.shape_cast %swap3A_1004 : vector<1x1x16xf32> to vector<16xf32>
        %swap3A_1006 = vector.shape_cast %add3A_999 : vector<16xf32> to vector<1x1x16xf32>
        tpu.vector_store %arg10[%swap3A_1001, %swap3A_1002, %swap3A_1003], %swap3A_1006 {strides = array<i32>} : memref<2x100x64xf32, #tpu.memory_space<vmem>>, vector<1x1x16xf32>,
      }
      %scan3A_344 = arith.constant 100 : i32
      %mul3A_345 = arith.constant 10 : i32
      %mul3A_346 = arith.muli %add3A_9, %mul3A_345 : i32
      %add3A_347 = arith.constant 3 : i32
      %add3A_348 = arith.addi %mul3A_346, %add3A_347 : i32
      %dma_start3A_349 = arith.constant 1 : i32
      %dma_start3A_350 = arith.constant 0 : i32
      %dma_start3A_351 = arith.constant 0 : i32
      %dma_start3A_352 = tpu.memref_slice %arg10[%dma_start3A_349, %dma_start3A_350, %dma_start3A_351] : memref<2x100x64xf32, #tpu.memory_space<vmem>> -> memref<1x100x64xf32, #tpu.memory_space<vmem>>
      %dma_start3A_353 = tpu.memref_squeeze %dma_start3A_352 : memref<1x100x64xf32, #tpu.memory_space<vmem>> -> memref<100x64xf32, #tpu.memory_space<vmem>>
      %dma_start3A_354 = arith.constant 0 : i32
      %dma_start3A_355 = arith.constant 0 : i32
      %dma_start3A_356 = tpu.memref_slice %arg5[%add3A_348, %dma_start3A_354, %dma_start3A_355] : memref<1600x100x64xf32, #tpu.memory_space<hbm>> -> memref<1x100x64xf32, #tpu.memory_space<hbm>>
      %dma_start3A_357 = tpu.memref_squeeze %dma_start3A_356 : memref<1x100x64xf32, #tpu.memory_space<hbm>> -> memref<100x64xf32, #tpu.memory_space<hbm>>
      %dma_start3A_358 = arith.constant 0 : i32
      %dma_start3A_359 = arith.constant 0 : i32
      %dma_start3A_360 = tpu.memref_slice %arg5[%add3A_348, %dma_start3A_358, %dma_start3A_359] : memref<1600x100x64xf32, #tpu.memory_space<hbm>> -> memref<1x100x64xf32, #tpu.memory_space<hbm>>
      %dma_start3A_361 = tpu.memref_squeeze %dma_start3A_360 : memref<1x100x64xf32, #tpu.memory_space<hbm>> -> memref<100x64xf32, #tpu.memory_space<hbm>>
      %dma_start3A_362 = arith.constant 0 : i32
      %dma_start3A_363 = arith.constant 0 : i32
      %dma_start3A_364 = tpu.memref_slice %arg10[%dma_start3A_349, %dma_start3A_362, %dma_start3A_363] : memref<2x100x64xf32, #tpu.memory_space<vmem>> -> memref<1x100x64xf32, #tpu.memory_space<vmem>>
      %dma_start3A_365 = tpu.memref_squeeze %dma_start3A_364 : memref<1x100x64xf32, #tpu.memory_space<vmem>> -> memref<100x64xf32, #tpu.memory_space<vmem>>
      tpu.enqueue_dma source(%dma_start3A_365 : memref<100x64xf32, #tpu.memory_space<vmem>>) target(%dma_start3A_361 : memref<100x64xf32, #tpu.memory_space<hbm>>) target_semaphore(%arg16 : memref<!tpu.dma_semaphore, #tpu.memory_space<semaphore_mem>>)
      %dma_start3A_366 = arith.constant 5 : i32
      %dma_start3A_367 = arith.constant 1 : i32
      %dma_start3A_368 = arith.constant 0 : i32
      %dma_start3A_369 = arith.constant 0 : i32
      %dma_start3A_370 = tpu.memref_slice %arg8[%dma_start3A_367, %dma_start3A_368, %dma_start3A_369] : memref<2x100x128xf32, #tpu.memory_space<vmem>> -> memref<1x100x128xf32, #tpu.memory_space<vmem>>
      %dma_start3A_371 = tpu.memref_squeeze %dma_start3A_370 : memref<1x100x128xf32, #tpu.memory_space<vmem>> -> memref<100x128xf32, #tpu.memory_space<vmem>>
      %dma_start3A_372 = arith.constant 0 : i32
      %dma_start3A_373 = tpu.memref_slice %arg7[%dma_start3A_366, %dma_start3A_372] : memref<10x100xi32, #tpu.memory_space<vmem>> -> memref<1x100xi32, #tpu.memory_space<vmem>>
      %dma_start3A_374 = tpu.memref_squeeze %dma_start3A_373 : memref<1x100xi32, #tpu.memory_space<vmem>> -> memref<100xi32, #tpu.memory_space<vmem>>
      %dma_start3A_375 = arith.constant 0 : i32
      %dma_start3A_376 = arith.constant 0 : i32
      %dma_start3A_377 = tpu.memref_slice %arg2[%dma_start3A_375, %dma_start3A_376] : memref<10000x128xf32, #tpu.memory_space<hbm>> -> memref<10000x128xf32, #tpu.memory_space<hbm>>
      tpu.enqueue_indirect_dma source(%dma_start3A_377 : memref<10000x128xf32, #tpu.memory_space<hbm>>) target(%dma_start3A_371 : memref<100x128xf32, #tpu.memory_space<vmem>>) offsets(%dma_start3A_374 : memref<100xi32, #tpu.memory_space<vmem>>) semaphore(%arg12 : memref<!tpu.dma_semaphore, #tpu.memory_space<semaphore_mem>>)
      %dma_start3A_378 = arith.constant 5 : i32
      %dma_start3A_379 = arith.constant 1 : i32
      %dma_start3A_380 = arith.constant 0 : i32
      %dma_start3A_381 = arith.constant 0 : i32
      %dma_start3A_382 = tpu.memref_slice %arg9[%dma_start3A_379, %dma_start3A_380, %dma_start3A_381] : memref<2x100x128xf32, #tpu.memory_space<vmem>> -> memref<1x100x128xf32, #tpu.memory_space<vmem>>
      %dma_start3A_383 = tpu.memref_squeeze %dma_start3A_382 : memref<1x100x128xf32, #tpu.memory_space<vmem>> -> memref<100x128xf32, #tpu.memory_space<vmem>>
      %dma_start3A_384 = arith.constant 0 : i32
      %dma_start3A_385 = tpu.memref_slice %arg6[%dma_start3A_378, %dma_start3A_384] : memref<10x100xi32, #tpu.memory_space<vmem>> -> memref<1x100xi32, #tpu.memory_space<vmem>>
      %dma_start3A_386 = tpu.memref_squeeze %dma_start3A_385 : memref<1x100xi32, #tpu.memory_space<vmem>> -> memref<100xi32, #tpu.memory_space<vmem>>
      %dma_start3A_387 = arith.constant 0 : i32
      %dma_start3A_388 = arith.constant 0 : i32
      %dma_start3A_389 = tpu.memref_slice %arg2[%dma_start3A_387, %dma_start3A_388] : memref<10000x128xf32, #tpu.memory_space<hbm>> -> memref<10000x128xf32, #tpu.memory_space<hbm>>
      tpu.enqueue_indirect_dma source(%dma_start3A_389 : memref<10000x128xf32, #tpu.memory_space<hbm>>) target(%dma_start3A_383 : memref<100x128xf32, #tpu.memory_space<vmem>>) offsets(%dma_start3A_386 : memref<100xi32, #tpu.memory_space<vmem>>) semaphore(%arg14 : memref<!tpu.dma_semaphore, #tpu.memory_space<semaphore_mem>>)
      %dma_wait3A_390 = arith.constant 4 : i32
      %dma_wait3A_391 = arith.constant 0 : i32
      %dma_wait3A_392 = arith.constant 0 : i32
      %dma_wait3A_393 = arith.constant 0 : i32
      %dma_wait3A_394 = tpu.memref_slice %arg8[%dma_wait3A_391, %dma_wait3A_392, %dma_wait3A_393] : memref<2x100x128xf32, #tpu.memory_space<vmem>> -> memref<1x100x128xf32, #tpu.memory_space<vmem>>
      %dma_wait3A_395 = tpu.memref_squeeze %dma_wait3A_394 : memref<1x100x128xf32, #tpu.memory_space<vmem>> -> memref<100x128xf32, #tpu.memory_space<vmem>>
      %dma_wait3A_396 = arith.constant 0 : i32
      %dma_wait3A_397 = tpu.memref_slice %arg7[%dma_wait3A_390, %dma_wait3A_396] : memref<10x100xi32, #tpu.memory_space<vmem>> -> memref<1x100xi32, #tpu.memory_space<vmem>>
      %dma_wait3A_398 = tpu.memref_squeeze %dma_wait3A_397 : memref<1x100xi32, #tpu.memory_space<vmem>> -> memref<100xi32, #tpu.memory_space<vmem>>
      %dma_wait3A_399 = arith.constant 0 : i32
      %dma_wait3A_400 = arith.constant 0 : i32
      %dma_wait3A_401 = tpu.memref_slice %arg2[%dma_wait3A_399, %dma_wait3A_400] : memref<10000x128xf32, #tpu.memory_space<hbm>> -> memref<10000x128xf32, #tpu.memory_space<hbm>>
      tpu.wait_indirect_dma semaphore(%arg11 : memref<!tpu.dma_semaphore, #tpu.memory_space<semaphore_mem>>) src(%dma_wait3A_401 : memref<10000x128xf32, #tpu.memory_space<hbm>>) dst(%dma_wait3A_395 : memref<100x128xf32, #tpu.memory_space<vmem>>)
      %dma_wait3A_402 = arith.constant 4 : i32
      %dma_wait3A_403 = arith.constant 0 : i32
      %dma_wait3A_404 = arith.constant 0 : i32
      %dma_wait3A_405 = arith.constant 0 : i32
      %dma_wait3A_406 = tpu.memref_slice %arg9[%dma_wait3A_403, %dma_wait3A_404, %dma_wait3A_405] : memref<2x100x128xf32, #tpu.memory_space<vmem>> -> memref<1x100x128xf32, #tpu.memory_space<vmem>>
      %dma_wait3A_407 = tpu.memref_squeeze %dma_wait3A_406 : memref<1x100x128xf32, #tpu.memory_space<vmem>> -> memref<100x128xf32, #tpu.memory_space<vmem>>
      %dma_wait3A_408 = arith.constant 0 : i32
      %dma_wait3A_409 = tpu.memref_slice %arg6[%dma_wait3A_402, %dma_wait3A_408] : memref<10x100xi32, #tpu.memory_space<vmem>> -> memref<1x100xi32, #tpu.memory_space<vmem>>
      %dma_wait3A_410 = tpu.memref_squeeze %dma_wait3A_409 : memref<1x100xi32, #tpu.memory_space<vmem>> -> memref<100xi32, #tpu.memory_space<vmem>>
      %dma_wait3A_411 = arith.constant 0 : i32
      %dma_wait3A_412 = arith.constant 0 : i32
      %dma_wait3A_413 = tpu.memref_slice %arg2[%dma_wait3A_411, %dma_wait3A_412] : memref<10000x128xf32, #tpu.memory_space<hbm>> -> memref<10000x128xf32, #tpu.memory_space<hbm>>
      tpu.wait_indirect_dma semaphore(%arg13 : memref<!tpu.dma_semaphore, #tpu.memory_space<semaphore_mem>>) src(%dma_wait3A_413 : memref<10000x128xf32, #tpu.memory_space<hbm>>) dst(%dma_wait3A_407 : memref<100x128xf32, #tpu.memory_space<vmem>>)
      %dma_wait3A_414 = arith.constant 0 : i32
      %dma_wait3A_415 = arith.constant 0 : i32
      %dma_wait3A_416 = arith.constant 0 : i32
      %dma_wait3A_417 = tpu.memref_slice %arg10[%dma_wait3A_414, %dma_wait3A_415, %dma_wait3A_416] : memref<2x100x64xf32, #tpu.memory_space<vmem>> -> memref<1x100x64xf32, #tpu.memory_space<vmem>>
      %dma_wait3A_418 = tpu.memref_squeeze %dma_wait3A_417 : memref<1x100x64xf32, #tpu.memory_space<vmem>> -> memref<100x64xf32, #tpu.memory_space<vmem>>
      %dma_wait3A_419 = arith.constant 0 : i32
      %dma_wait3A_420 = arith.constant 0 : i32
      %dma_wait3A_421 = tpu.memref_slice %arg5[%add3A_256, %dma_wait3A_419, %dma_wait3A_420] : memref<1600x100x64xf32, #tpu.memory_space<hbm>> -> memref<1x100x64xf32, #tpu.memory_space<hbm>>
      %dma_wait3A_422 = tpu.memref_squeeze %dma_wait3A_421 : memref<1x100x64xf32, #tpu.memory_space<hbm>> -> memref<100x64xf32, #tpu.memory_space<hbm>>
      %dma_wait3A_423 = arith.constant 0 : i32
      %dma_wait3A_424 = arith.constant 0 : i32
      %dma_wait3A_425 = tpu.memref_slice %arg5[%add3A_256, %dma_wait3A_423, %dma_wait3A_424] : memref<1600x100x64xf32, #tpu.memory_space<hbm>> -> memref<1x100x64xf32, #tpu.memory_space<hbm>>
      %dma_wait3A_426 = tpu.memref_squeeze %dma_wait3A_425 : memref<1x100x64xf32, #tpu.memory_space<hbm>> -> memref<100x64xf32, #tpu.memory_space<hbm>>
      %dma_wait3A_427 = arith.constant 0 : i32
      %dma_wait3A_428 = arith.constant 0 : i32
      %dma_wait3A_429 = tpu.memref_slice %arg10[%dma_wait3A_414, %dma_wait3A_427, %dma_wait3A_428] : memref<2x100x64xf32, #tpu.memory_space<vmem>> -> memref<1x100x64xf32, #tpu.memory_space<vmem>>
      %dma_wait3A_430 = tpu.memref_squeeze %dma_wait3A_429 : memref<1x100x64xf32, #tpu.memory_space<vmem>> -> memref<100x64xf32, #tpu.memory_space<vmem>>
      tpu.wait_dma2 semaphore(%arg15 : memref<!tpu.dma_semaphore, #tpu.memory_space<semaphore_mem>>) src(%dma_wait3A_430 : memref<100x64xf32, #tpu.memory_space<vmem>>) dst(%dma_wait3A_426 : memref<100x64xf32, #tpu.memory_space<hbm>>)
      %scan3A_431 = arith.constant 0 : i32
      %scan3A_432 = arith.constant 0 : i32
      %scan3A_433 = arith.constant 100 : i32
      %scan3A_434 = arith.addi %scan3A_432, %scan3A_433 : i32
      %scan3A_435 = arith.constant 1 : i32
      scf.for %scan3A_928 = %scan3A_432 to %scan3A_434 step %scan3A_435  : i32 {
        %get3A = arith.constant 0 : i32
        %get3A_929 = arith.index_cast %get3A : i32 to index
        %get3A_930 = arith.index_cast %scan3A_928 : i32 to index
        %get3A_931 = arith.constant 0 : index
        %get3A_932 = tpu.vector_load %arg8[%get3A_929, %get3A_930, %get3A_931] {strides = array<i32>} : memref<2x100x128xf32, #tpu.memory_space<vmem>>, vector<1x1x16xf32>,
        %get3A_933 = vector.shape_cast %get3A_932 : vector<1x1x16xf32> to vector<16xf32>
        %get3A_934 = arith.constant 0 : i32
        %get3A_935 = arith.index_cast %get3A_934 : i32 to index
        %get3A_936 = arith.index_cast %scan3A_928 : i32 to index
        %get3A_937 = arith.constant 64 : index
        %get3A_938 = tpu.vector_load %arg9[%get3A_935, %get3A_936, %get3A_937] {strides = array<i32>} : memref<2x100x128xf32, #tpu.memory_space<vmem>>, vector<1x1x16xf32>,
        %get3A_939 = vector.shape_cast %get3A_938 : vector<1x1x16xf32> to vector<16xf32>
        %add3A_940 = arith.addf %get3A_933, %get3A_939 : vector<16xf32>
        %swap3A = arith.constant 0 : i32
        %swap3A_941 = arith.index_cast %swap3A : i32 to index
        %swap3A_942 = arith.index_cast %scan3A_928 : i32 to index
        %swap3A_943 = arith.constant 0 : index
        %swap3A_944 = tpu.vector_load %arg10[%swap3A_941, %swap3A_942, %swap3A_943] {strides = array<i32>} : memref<2x100x64xf32, #tpu.memory_space<vmem>>, vector<1x1x16xf32>,
        %swap3A_945 = vector.shape_cast %swap3A_944 : vector<1x1x16xf32> to vector<16xf32>
        %swap3A_946 = vector.shape_cast %add3A_940 : vector<16xf32> to vector<1x1x16xf32>
        tpu.vector_store %arg10[%swap3A_941, %swap3A_942, %swap3A_943], %swap3A_946 {strides = array<i32>} : memref<2x100x64xf32, #tpu.memory_space<vmem>>, vector<1x1x16xf32>,
        %get3A_947 = arith.constant 0 : i32
        %get3A_948 = arith.index_cast %get3A_947 : i32 to index
        %get3A_949 = arith.index_cast %scan3A_928 : i32 to index
        %get3A_950 = arith.constant 16 : index
        %get3A_951 = tpu.vector_load %arg8[%get3A_948, %get3A_949, %get3A_950] {strides = array<i32>} : memref<2x100x128xf32, #tpu.memory_space<vmem>>, vector<1x1x16xf32>,
        %get3A_952 = vector.shape_cast %get3A_951 : vector<1x1x16xf32> to vector<16xf32>
        %get3A_953 = arith.constant 0 : i32
        %get3A_954 = arith.index_cast %get3A_953 : i32 to index
        %get3A_955 = arith.index_cast %scan3A_928 : i32 to index
        %get3A_956 = arith.constant 80 : index
        %get3A_957 = tpu.vector_load %arg9[%get3A_954, %get3A_955, %get3A_956] {strides = array<i32>} : memref<2x100x128xf32, #tpu.memory_space<vmem>>, vector<1x1x16xf32>,
        %get3A_958 = vector.shape_cast %get3A_957 : vector<1x1x16xf32> to vector<16xf32>
        %add3A_959 = arith.addf %get3A_952, %get3A_958 : vector<16xf32>
        %swap3A_960 = arith.constant 0 : i32
        %swap3A_961 = arith.index_cast %swap3A_960 : i32 to index
        %swap3A_962 = arith.index_cast %scan3A_928 : i32 to index
        %swap3A_963 = arith.constant 16 : index
        %swap3A_964 = tpu.vector_load %arg10[%swap3A_961, %swap3A_962, %swap3A_963] {strides = array<i32>} : memref<2x100x64xf32, #tpu.memory_space<vmem>>, vector<1x1x16xf32>,
        %swap3A_965 = vector.shape_cast %swap3A_964 : vector<1x1x16xf32> to vector<16xf32>
        %swap3A_966 = vector.shape_cast %add3A_959 : vector<16xf32> to vector<1x1x16xf32>
        tpu.vector_store %arg10[%swap3A_961, %swap3A_962, %swap3A_963], %swap3A_966 {strides = array<i32>} : memref<2x100x64xf32, #tpu.memory_space<vmem>>, vector<1x1x16xf32>,
        %get3A_967 = arith.constant 0 : i32
        %get3A_968 = arith.index_cast %get3A_967 : i32 to index
        %get3A_969 = arith.index_cast %scan3A_928 : i32 to index
        %get3A_970 = arith.constant 32 : index
        %get3A_971 = tpu.vector_load %arg8[%get3A_968, %get3A_969, %get3A_970] {strides = array<i32>} : memref<2x100x128xf32, #tpu.memory_space<vmem>>, vector<1x1x16xf32>,
        %get3A_972 = vector.shape_cast %get3A_971 : vector<1x1x16xf32> to vector<16xf32>
        %get3A_973 = arith.constant 0 : i32
        %get3A_974 = arith.index_cast %get3A_973 : i32 to index
        %get3A_975 = arith.index_cast %scan3A_928 : i32 to index
        %get3A_976 = arith.constant 96 : index
        %get3A_977 = tpu.vector_load %arg9[%get3A_974, %get3A_975, %get3A_976] {strides = array<i32>} : memref<2x100x128xf32, #tpu.memory_space<vmem>>, vector<1x1x16xf32>,
        %get3A_978 = vector.shape_cast %get3A_977 : vector<1x1x16xf32> to vector<16xf32>
        %add3A_979 = arith.addf %get3A_972, %get3A_978 : vector<16xf32>
        %swap3A_980 = arith.constant 0 : i32
        %swap3A_981 = arith.index_cast %swap3A_980 : i32 to index
        %swap3A_982 = arith.index_cast %scan3A_928 : i32 to index
        %swap3A_983 = arith.constant 32 : index
        %swap3A_984 = tpu.vector_load %arg10[%swap3A_981, %swap3A_982, %swap3A_983] {strides = array<i32>} : memref<2x100x64xf32, #tpu.memory_space<vmem>>, vector<1x1x16xf32>,
        %swap3A_985 = vector.shape_cast %swap3A_984 : vector<1x1x16xf32> to vector<16xf32>
        %swap3A_986 = vector.shape_cast %add3A_979 : vector<16xf32> to vector<1x1x16xf32>
        tpu.vector_store %arg10[%swap3A_981, %swap3A_982, %swap3A_983], %swap3A_986 {strides = array<i32>} : memref<2x100x64xf32, #tpu.memory_space<vmem>>, vector<1x1x16xf32>,
        %get3A_987 = arith.constant 0 : i32
        %get3A_988 = arith.index_cast %get3A_987 : i32 to index
        %get3A_989 = arith.index_cast %scan3A_928 : i32 to index
        %get3A_990 = arith.constant 48 : index
        %get3A_991 = tpu.vector_load %arg8[%get3A_988, %get3A_989, %get3A_990] {strides = array<i32>} : memref<2x100x128xf32, #tpu.memory_space<vmem>>, vector<1x1x16xf32>,
        %get3A_992 = vector.shape_cast %get3A_991 : vector<1x1x16xf32> to vector<16xf32>
        %get3A_993 = arith.constant 0 : i32
        %get3A_994 = arith.index_cast %get3A_993 : i32 to index
        %get3A_995 = arith.index_cast %scan3A_928 : i32 to index
        %get3A_996 = arith.constant 112 : index
        %get3A_997 = tpu.vector_load %arg9[%get3A_994, %get3A_995, %get3A_996] {strides = array<i32>} : memref<2x100x128xf32, #tpu.memory_space<vmem>>, vector<1x1x16xf32>,
        %get3A_998 = vector.shape_cast %get3A_997 : vector<1x1x16xf32> to vector<16xf32>
        %add3A_999 = arith.addf %get3A_992, %get3A_998 : vector<16xf32>
        %swap3A_1000 = arith.constant 0 : i32
        %swap3A_1001 = arith.index_cast %swap3A_1000 : i32 to index
        %swap3A_1002 = arith.index_cast %scan3A_928 : i32 to index
        %swap3A_1003 = arith.constant 48 : index
        %swap3A_1004 = tpu.vector_load %arg10[%swap3A_1001, %swap3A_1002, %swap3A_1003] {strides = array<i32>} : memref<2x100x64xf32, #tpu.memory_space<vmem>>, vector<1x1x16xf32>,
        %swap3A_1005 = vector.shape_cast %swap3A_1004 : vector<1x1x16xf32> to vector<16xf32>
        %swap3A_1006 = vector.shape_cast %add3A_999 : vector<16xf32> to vector<1x1x16xf32>
        tpu.vector_store %arg10[%swap3A_1001, %swap3A_1002, %swap3A_1003], %swap3A_1006 {strides = array<i32>} : memref<2x100x64xf32, #tpu.memory_space<vmem>>, vector<1x1x16xf32>,
      }
      %scan3A_436 = arith.constant 100 : i32
      %mul3A_437 = arith.constant 10 : i32
      %mul3A_438 = arith.muli %add3A_9, %mul3A_437 : i32
      %add3A_439 = arith.constant 4 : i32
      %add3A_440 = arith.addi %mul3A_438, %add3A_439 : i32
      %dma_start3A_441 = arith.constant 0 : i32
      %dma_start3A_442 = arith.constant 0 : i32
      %dma_start3A_443 = arith.constant 0 : i32
      %dma_start3A_444 = tpu.memref_slice %arg10[%dma_start3A_441, %dma_start3A_442, %dma_start3A_443] : memref<2x100x64xf32, #tpu.memory_space<vmem>> -> memref<1x100x64xf32, #tpu.memory_space<vmem>>
      %dma_start3A_445 = tpu.memref_squeeze %dma_start3A_444 : memref<1x100x64xf32, #tpu.memory_space<vmem>> -> memref<100x64xf32, #tpu.memory_space<vmem>>
      %dma_start3A_446 = arith.constant 0 : i32
      %dma_start3A_447 = arith.constant 0 : i32
      %dma_start3A_448 = tpu.memref_slice %arg5[%add3A_440, %dma_start3A_446, %dma_start3A_447] : memref<1600x100x64xf32, #tpu.memory_space<hbm>> -> memref<1x100x64xf32, #tpu.memory_space<hbm>>
      %dma_start3A_449 = tpu.memref_squeeze %dma_start3A_448 : memref<1x100x64xf32, #tpu.memory_space<hbm>> -> memref<100x64xf32, #tpu.memory_space<hbm>>
      %dma_start3A_450 = arith.constant 0 : i32
      %dma_start3A_451 = arith.constant 0 : i32
      %dma_start3A_452 = tpu.memref_slice %arg5[%add3A_440, %dma_start3A_450, %dma_start3A_451] : memref<1600x100x64xf32, #tpu.memory_space<hbm>> -> memref<1x100x64xf32, #tpu.memory_space<hbm>>
      %dma_start3A_453 = tpu.memref_squeeze %dma_start3A_452 : memref<1x100x64xf32, #tpu.memory_space<hbm>> -> memref<100x64xf32, #tpu.memory_space<hbm>>
      %dma_start3A_454 = arith.constant 0 : i32
      %dma_start3A_455 = arith.constant 0 : i32
      %dma_start3A_456 = tpu.memref_slice %arg10[%dma_start3A_441, %dma_start3A_454, %dma_start3A_455] : memref<2x100x64xf32, #tpu.memory_space<vmem>> -> memref<1x100x64xf32, #tpu.memory_space<vmem>>
      %dma_start3A_457 = tpu.memref_squeeze %dma_start3A_456 : memref<1x100x64xf32, #tpu.memory_space<vmem>> -> memref<100x64xf32, #tpu.memory_space<vmem>>
      tpu.enqueue_dma source(%dma_start3A_457 : memref<100x64xf32, #tpu.memory_space<vmem>>) target(%dma_start3A_453 : memref<100x64xf32, #tpu.memory_space<hbm>>) target_semaphore(%arg15 : memref<!tpu.dma_semaphore, #tpu.memory_space<semaphore_mem>>)
      %dma_start3A_458 = arith.constant 6 : i32
      %dma_start3A_459 = arith.constant 0 : i32
      %dma_start3A_460 = arith.constant 0 : i32
      %dma_start3A_461 = arith.constant 0 : i32
      %dma_start3A_462 = tpu.memref_slice %arg8[%dma_start3A_459, %dma_start3A_460, %dma_start3A_461] : memref<2x100x128xf32, #tpu.memory_space<vmem>> -> memref<1x100x128xf32, #tpu.memory_space<vmem>>
      %dma_start3A_463 = tpu.memref_squeeze %dma_start3A_462 : memref<1x100x128xf32, #tpu.memory_space<vmem>> -> memref<100x128xf32, #tpu.memory_space<vmem>>
      %dma_start3A_464 = arith.constant 0 : i32
      %dma_start3A_465 = tpu.memref_slice %arg7[%dma_start3A_458, %dma_start3A_464] : memref<10x100xi32, #tpu.memory_space<vmem>> -> memref<1x100xi32, #tpu.memory_space<vmem>>
      %dma_start3A_466 = tpu.memref_squeeze %dma_start3A_465 : memref<1x100xi32, #tpu.memory_space<vmem>> -> memref<100xi32, #tpu.memory_space<vmem>>
      %dma_start3A_467 = arith.constant 0 : i32
      %dma_start3A_468 = arith.constant 0 : i32
      %dma_start3A_469 = tpu.memref_slice %arg2[%dma_start3A_467, %dma_start3A_468] : memref<10000x128xf32, #tpu.memory_space<hbm>> -> memref<10000x128xf32, #tpu.memory_space<hbm>>
      tpu.enqueue_indirect_dma source(%dma_start3A_469 : memref<10000x128xf32, #tpu.memory_space<hbm>>) target(%dma_start3A_463 : memref<100x128xf32, #tpu.memory_space<vmem>>) offsets(%dma_start3A_466 : memref<100xi32, #tpu.memory_space<vmem>>) semaphore(%arg11 : memref<!tpu.dma_semaphore, #tpu.memory_space<semaphore_mem>>)
      %dma_start3A_470 = arith.constant 6 : i32
      %dma_start3A_471 = arith.constant 0 : i32
      %dma_start3A_472 = arith.constant 0 : i32
      %dma_start3A_473 = arith.constant 0 : i32
      %dma_start3A_474 = tpu.memref_slice %arg9[%dma_start3A_471, %dma_start3A_472, %dma_start3A_473] : memref<2x100x128xf32, #tpu.memory_space<vmem>> -> memref<1x100x128xf32, #tpu.memory_space<vmem>>
      %dma_start3A_475 = tpu.memref_squeeze %dma_start3A_474 : memref<1x100x128xf32, #tpu.memory_space<vmem>> -> memref<100x128xf32, #tpu.memory_space<vmem>>
      %dma_start3A_476 = arith.constant 0 : i32
      %dma_start3A_477 = tpu.memref_slice %arg6[%dma_start3A_470, %dma_start3A_476] : memref<10x100xi32, #tpu.memory_space<vmem>> -> memref<1x100xi32, #tpu.memory_space<vmem>>
      %dma_start3A_478 = tpu.memref_squeeze %dma_start3A_477 : memref<1x100xi32, #tpu.memory_space<vmem>> -> memref<100xi32, #tpu.memory_space<vmem>>
      %dma_start3A_479 = arith.constant 0 : i32
      %dma_start3A_480 = arith.constant 0 : i32
      %dma_start3A_481 = tpu.memref_slice %arg2[%dma_start3A_479, %dma_start3A_480] : memref<10000x128xf32, #tpu.memory_space<hbm>> -> memref<10000x128xf32, #tpu.memory_space<hbm>>
      tpu.enqueue_indirect_dma source(%dma_start3A_481 : memref<10000x128xf32, #tpu.memory_space<hbm>>) target(%dma_start3A_475 : memref<100x128xf32, #tpu.memory_space<vmem>>) offsets(%dma_start3A_478 : memref<100xi32, #tpu.memory_space<vmem>>) semaphore(%arg13 : memref<!tpu.dma_semaphore, #tpu.memory_space<semaphore_mem>>)
      %dma_wait3A_482 = arith.constant 5 : i32
      %dma_wait3A_483 = arith.constant 1 : i32
      %dma_wait3A_484 = arith.constant 0 : i32
      %dma_wait3A_485 = arith.constant 0 : i32
      %dma_wait3A_486 = tpu.memref_slice %arg8[%dma_wait3A_483, %dma_wait3A_484, %dma_wait3A_485] : memref<2x100x128xf32, #tpu.memory_space<vmem>> -> memref<1x100x128xf32, #tpu.memory_space<vmem>>
      %dma_wait3A_487 = tpu.memref_squeeze %dma_wait3A_486 : memref<1x100x128xf32, #tpu.memory_space<vmem>> -> memref<100x128xf32, #tpu.memory_space<vmem>>
      %dma_wait3A_488 = arith.constant 0 : i32
      %dma_wait3A_489 = tpu.memref_slice %arg7[%dma_wait3A_482, %dma_wait3A_488] : memref<10x100xi32, #tpu.memory_space<vmem>> -> memref<1x100xi32, #tpu.memory_space<vmem>>
      %dma_wait3A_490 = tpu.memref_squeeze %dma_wait3A_489 : memref<1x100xi32, #tpu.memory_space<vmem>> -> memref<100xi32, #tpu.memory_space<vmem>>
      %dma_wait3A_491 = arith.constant 0 : i32
      %dma_wait3A_492 = arith.constant 0 : i32
      %dma_wait3A_493 = tpu.memref_slice %arg2[%dma_wait3A_491, %dma_wait3A_492] : memref<10000x128xf32, #tpu.memory_space<hbm>> -> memref<10000x128xf32, #tpu.memory_space<hbm>>
      tpu.wait_indirect_dma semaphore(%arg12 : memref<!tpu.dma_semaphore, #tpu.memory_space<semaphore_mem>>) src(%dma_wait3A_493 : memref<10000x128xf32, #tpu.memory_space<hbm>>) dst(%dma_wait3A_487 : memref<100x128xf32, #tpu.memory_space<vmem>>)
      %dma_wait3A_494 = arith.constant 5 : i32
      %dma_wait3A_495 = arith.constant 1 : i32
      %dma_wait3A_496 = arith.constant 0 : i32
      %dma_wait3A_497 = arith.constant 0 : i32
      %dma_wait3A_498 = tpu.memref_slice %arg9[%dma_wait3A_495, %dma_wait3A_496, %dma_wait3A_497] : memref<2x100x128xf32, #tpu.memory_space<vmem>> -> memref<1x100x128xf32, #tpu.memory_space<vmem>>
      %dma_wait3A_499 = tpu.memref_squeeze %dma_wait3A_498 : memref<1x100x128xf32, #tpu.memory_space<vmem>> -> memref<100x128xf32, #tpu.memory_space<vmem>>
      %dma_wait3A_500 = arith.constant 0 : i32
      %dma_wait3A_501 = tpu.memref_slice %arg6[%dma_wait3A_494, %dma_wait3A_500] : memref<10x100xi32, #tpu.memory_space<vmem>> -> memref<1x100xi32, #tpu.memory_space<vmem>>
      %dma_wait3A_502 = tpu.memref_squeeze %dma_wait3A_501 : memref<1x100xi32, #tpu.memory_space<vmem>> -> memref<100xi32, #tpu.memory_space<vmem>>
      %dma_wait3A_503 = arith.constant 0 : i32
      %dma_wait3A_504 = arith.constant 0 : i32
      %dma_wait3A_505 = tpu.memref_slice %arg2[%dma_wait3A_503, %dma_wait3A_504] : memref<10000x128xf32, #tpu.memory_space<hbm>> -> memref<10000x128xf32, #tpu.memory_space<hbm>>
      tpu.wait_indirect_dma semaphore(%arg14 : memref<!tpu.dma_semaphore, #tpu.memory_space<semaphore_mem>>) src(%dma_wait3A_505 : memref<10000x128xf32, #tpu.memory_space<hbm>>) dst(%dma_wait3A_499 : memref<100x128xf32, #tpu.memory_space<vmem>>)
      %dma_wait3A_506 = arith.constant 1 : i32
      %dma_wait3A_507 = arith.constant 0 : i32
      %dma_wait3A_508 = arith.constant 0 : i32
      %dma_wait3A_509 = tpu.memref_slice %arg10[%dma_wait3A_506, %dma_wait3A_507, %dma_wait3A_508] : memref<2x100x64xf32, #tpu.memory_space<vmem>> -> memref<1x100x64xf32, #tpu.memory_space<vmem>>
      %dma_wait3A_510 = tpu.memref_squeeze %dma_wait3A_509 : memref<1x100x64xf32, #tpu.memory_space<vmem>> -> memref<100x64xf32, #tpu.memory_space<vmem>>
      %dma_wait3A_511 = arith.constant 0 : i32
      %dma_wait3A_512 = arith.constant 0 : i32
      %dma_wait3A_513 = tpu.memref_slice %arg5[%add3A_348, %dma_wait3A_511, %dma_wait3A_512] : memref<1600x100x64xf32, #tpu.memory_space<hbm>> -> memref<1x100x64xf32, #tpu.memory_space<hbm>>
      %dma_wait3A_514 = tpu.memref_squeeze %dma_wait3A_513 : memref<1x100x64xf32, #tpu.memory_space<hbm>> -> memref<100x64xf32, #tpu.memory_space<hbm>>
      %dma_wait3A_515 = arith.constant 0 : i32
      %dma_wait3A_516 = arith.constant 0 : i32
      %dma_wait3A_517 = tpu.memref_slice %arg5[%add3A_348, %dma_wait3A_515, %dma_wait3A_516] : memref<1600x100x64xf32, #tpu.memory_space<hbm>> -> memref<1x100x64xf32, #tpu.memory_space<hbm>>
      %dma_wait3A_518 = tpu.memref_squeeze %dma_wait3A_517 : memref<1x100x64xf32, #tpu.memory_space<hbm>> -> memref<100x64xf32, #tpu.memory_space<hbm>>
      %dma_wait3A_519 = arith.constant 0 : i32
      %dma_wait3A_520 = arith.constant 0 : i32
      %dma_wait3A_521 = tpu.memref_slice %arg10[%dma_wait3A_506, %dma_wait3A_519, %dma_wait3A_520] : memref<2x100x64xf32, #tpu.memory_space<vmem>> -> memref<1x100x64xf32, #tpu.memory_space<vmem>>
      %dma_wait3A_522 = tpu.memref_squeeze %dma_wait3A_521 : memref<1x100x64xf32, #tpu.memory_space<vmem>> -> memref<100x64xf32, #tpu.memory_space<vmem>>
      tpu.wait_dma2 semaphore(%arg16 : memref<!tpu.dma_semaphore, #tpu.memory_space<semaphore_mem>>) src(%dma_wait3A_522 : memref<100x64xf32, #tpu.memory_space<vmem>>) dst(%dma_wait3A_518 : memref<100x64xf32, #tpu.memory_space<hbm>>)
      %scan3A_523 = arith.constant 0 : i32
      %scan3A_524 = arith.constant 0 : i32
      %scan3A_525 = arith.constant 100 : i32
      %scan3A_526 = arith.addi %scan3A_524, %scan3A_525 : i32
      %scan3A_527 = arith.constant 1 : i32
      scf.for %scan3A_928 = %scan3A_524 to %scan3A_526 step %scan3A_527  : i32 {
        %get3A = arith.constant 1 : i32
        %get3A_929 = arith.index_cast %get3A : i32 to index
        %get3A_930 = arith.index_cast %scan3A_928 : i32 to index
        %get3A_931 = arith.constant 0 : index
        %get3A_932 = tpu.vector_load %arg8[%get3A_929, %get3A_930, %get3A_931] {strides = array<i32>} : memref<2x100x128xf32, #tpu.memory_space<vmem>>, vector<1x1x16xf32>,
        %get3A_933 = vector.shape_cast %get3A_932 : vector<1x1x16xf32> to vector<16xf32>
        %get3A_934 = arith.constant 1 : i32
        %get3A_935 = arith.index_cast %get3A_934 : i32 to index
        %get3A_936 = arith.index_cast %scan3A_928 : i32 to index
        %get3A_937 = arith.constant 64 : index
        %get3A_938 = tpu.vector_load %arg9[%get3A_935, %get3A_936, %get3A_937] {strides = array<i32>} : memref<2x100x128xf32, #tpu.memory_space<vmem>>, vector<1x1x16xf32>,
        %get3A_939 = vector.shape_cast %get3A_938 : vector<1x1x16xf32> to vector<16xf32>
        %add3A_940 = arith.addf %get3A_933, %get3A_939 : vector<16xf32>
        %swap3A = arith.constant 1 : i32
        %swap3A_941 = arith.index_cast %swap3A : i32 to index
        %swap3A_942 = arith.index_cast %scan3A_928 : i32 to index
        %swap3A_943 = arith.constant 0 : index
        %swap3A_944 = tpu.vector_load %arg10[%swap3A_941, %swap3A_942, %swap3A_943] {strides = array<i32>} : memref<2x100x64xf32, #tpu.memory_space<vmem>>, vector<1x1x16xf32>,
        %swap3A_945 = vector.shape_cast %swap3A_944 : vector<1x1x16xf32> to vector<16xf32>
        %swap3A_946 = vector.shape_cast %add3A_940 : vector<16xf32> to vector<1x1x16xf32>
        tpu.vector_store %arg10[%swap3A_941, %swap3A_942, %swap3A_943], %swap3A_946 {strides = array<i32>} : memref<2x100x64xf32, #tpu.memory_space<vmem>>, vector<1x1x16xf32>,
        %get3A_947 = arith.constant 1 : i32
        %get3A_948 = arith.index_cast %get3A_947 : i32 to index
        %get3A_949 = arith.index_cast %scan3A_928 : i32 to index
        %get3A_950 = arith.constant 16 : index
        %get3A_951 = tpu.vector_load %arg8[%get3A_948, %get3A_949, %get3A_950] {strides = array<i32>} : memref<2x100x128xf32, #tpu.memory_space<vmem>>, vector<1x1x16xf32>,
        %get3A_952 = vector.shape_cast %get3A_951 : vector<1x1x16xf32> to vector<16xf32>
        %get3A_953 = arith.constant 1 : i32
        %get3A_954 = arith.index_cast %get3A_953 : i32 to index
        %get3A_955 = arith.index_cast %scan3A_928 : i32 to index
        %get3A_956 = arith.constant 80 : index
        %get3A_957 = tpu.vector_load %arg9[%get3A_954, %get3A_955, %get3A_956] {strides = array<i32>} : memref<2x100x128xf32, #tpu.memory_space<vmem>>, vector<1x1x16xf32>,
        %get3A_958 = vector.shape_cast %get3A_957 : vector<1x1x16xf32> to vector<16xf32>
        %add3A_959 = arith.addf %get3A_952, %get3A_958 : vector<16xf32>
        %swap3A_960 = arith.constant 1 : i32
        %swap3A_961 = arith.index_cast %swap3A_960 : i32 to index
        %swap3A_962 = arith.index_cast %scan3A_928 : i32 to index
        %swap3A_963 = arith.constant 16 : index
        %swap3A_964 = tpu.vector_load %arg10[%swap3A_961, %swap3A_962, %swap3A_963] {strides = array<i32>} : memref<2x100x64xf32, #tpu.memory_space<vmem>>, vector<1x1x16xf32>,
        %swap3A_965 = vector.shape_cast %swap3A_964 : vector<1x1x16xf32> to vector<16xf32>
        %swap3A_966 = vector.shape_cast %add3A_959 : vector<16xf32> to vector<1x1x16xf32>
        tpu.vector_store %arg10[%swap3A_961, %swap3A_962, %swap3A_963], %swap3A_966 {strides = array<i32>} : memref<2x100x64xf32, #tpu.memory_space<vmem>>, vector<1x1x16xf32>,
        %get3A_967 = arith.constant 1 : i32
        %get3A_968 = arith.index_cast %get3A_967 : i32 to index
        %get3A_969 = arith.index_cast %scan3A_928 : i32 to index
        %get3A_970 = arith.constant 32 : index
        %get3A_971 = tpu.vector_load %arg8[%get3A_968, %get3A_969, %get3A_970] {strides = array<i32>} : memref<2x100x128xf32, #tpu.memory_space<vmem>>, vector<1x1x16xf32>,
        %get3A_972 = vector.shape_cast %get3A_971 : vector<1x1x16xf32> to vector<16xf32>
        %get3A_973 = arith.constant 1 : i32
        %get3A_974 = arith.index_cast %get3A_973 : i32 to index
        %get3A_975 = arith.index_cast %scan3A_928 : i32 to index
        %get3A_976 = arith.constant 96 : index
        %get3A_977 = tpu.vector_load %arg9[%get3A_974, %get3A_975, %get3A_976] {strides = array<i32>} : memref<2x100x128xf32, #tpu.memory_space<vmem>>, vector<1x1x16xf32>,
        %get3A_978 = vector.shape_cast %get3A_977 : vector<1x1x16xf32> to vector<16xf32>
        %add3A_979 = arith.addf %get3A_972, %get3A_978 : vector<16xf32>
        %swap3A_980 = arith.constant 1 : i32
        %swap3A_981 = arith.index_cast %swap3A_980 : i32 to index
        %swap3A_982 = arith.index_cast %scan3A_928 : i32 to index
        %swap3A_983 = arith.constant 32 : index
        %swap3A_984 = tpu.vector_load %arg10[%swap3A_981, %swap3A_982, %swap3A_983] {strides = array<i32>} : memref<2x100x64xf32, #tpu.memory_space<vmem>>, vector<1x1x16xf32>,
        %swap3A_985 = vector.shape_cast %swap3A_984 : vector<1x1x16xf32> to vector<16xf32>
        %swap3A_986 = vector.shape_cast %add3A_979 : vector<16xf32> to vector<1x1x16xf32>
        tpu.vector_store %arg10[%swap3A_981, %swap3A_982, %swap3A_983], %swap3A_986 {strides = array<i32>} : memref<2x100x64xf32, #tpu.memory_space<vmem>>, vector<1x1x16xf32>,
        %get3A_987 = arith.constant 1 : i32
        %get3A_988 = arith.index_cast %get3A_987 : i32 to index
        %get3A_989 = arith.index_cast %scan3A_928 : i32 to index
        %get3A_990 = arith.constant 48 : index
        %get3A_991 = tpu.vector_load %arg8[%get3A_988, %get3A_989, %get3A_990] {strides = array<i32>} : memref<2x100x128xf32, #tpu.memory_space<vmem>>, vector<1x1x16xf32>,
        %get3A_992 = vector.shape_cast %get3A_991 : vector<1x1x16xf32> to vector<16xf32>
        %get3A_993 = arith.constant 1 : i32
        %get3A_994 = arith.index_cast %get3A_993 : i32 to index
        %get3A_995 = arith.index_cast %scan3A_928 : i32 to index
        %get3A_996 = arith.constant 112 : index
        %get3A_997 = tpu.vector_load %arg9[%get3A_994, %get3A_995, %get3A_996] {strides = array<i32>} : memref<2x100x128xf32, #tpu.memory_space<vmem>>, vector<1x1x16xf32>,
        %get3A_998 = vector.shape_cast %get3A_997 : vector<1x1x16xf32> to vector<16xf32>
        %add3A_999 = arith.addf %get3A_992, %get3A_998 : vector<16xf32>
        %swap3A_1000 = arith.constant 1 : i32
        %swap3A_1001 = arith.index_cast %swap3A_1000 : i32 to index
        %swap3A_1002 = arith.index_cast %scan3A_928 : i32 to index
        %swap3A_1003 = arith.constant 48 : index
        %swap3A_1004 = tpu.vector_load %arg10[%swap3A_1001, %swap3A_1002, %swap3A_1003] {strides = array<i32>} : memref<2x100x64xf32, #tpu.memory_space<vmem>>, vector<1x1x16xf32>,
        %swap3A_1005 = vector.shape_cast %swap3A_1004 : vector<1x1x16xf32> to vector<16xf32>
        %swap3A_1006 = vector.shape_cast %add3A_999 : vector<16xf32> to vector<1x1x16xf32>
        tpu.vector_store %arg10[%swap3A_1001, %swap3A_1002, %swap3A_1003], %swap3A_1006 {strides = array<i32>} : memref<2x100x64xf32, #tpu.memory_space<vmem>>, vector<1x1x16xf32>,
      }
      %scan3A_528 = arith.constant 100 : i32
      %mul3A_529 = arith.constant 10 : i32
      %mul3A_530 = arith.muli %add3A_9, %mul3A_529 : i32
      %add3A_531 = arith.constant 5 : i32
      %add3A_532 = arith.addi %mul3A_530, %add3A_531 : i32
      %dma_start3A_533 = arith.constant 1 : i32
      %dma_start3A_534 = arith.constant 0 : i32
      %dma_start3A_535 = arith.constant 0 : i32
      %dma_start3A_536 = tpu.memref_slice %arg10[%dma_start3A_533, %dma_start3A_534, %dma_start3A_535] : memref<2x100x64xf32, #tpu.memory_space<vmem>> -> memref<1x100x64xf32, #tpu.memory_space<vmem>>
      %dma_start3A_537 = tpu.memref_squeeze %dma_start3A_536 : memref<1x100x64xf32, #tpu.memory_space<vmem>> -> memref<100x64xf32, #tpu.memory_space<vmem>>
      %dma_start3A_538 = arith.constant 0 : i32
      %dma_start3A_539 = arith.constant 0 : i32
      %dma_start3A_540 = tpu.memref_slice %arg5[%add3A_532, %dma_start3A_538, %dma_start3A_539] : memref<1600x100x64xf32, #tpu.memory_space<hbm>> -> memref<1x100x64xf32, #tpu.memory_space<hbm>>
      %dma_start3A_541 = tpu.memref_squeeze %dma_start3A_540 : memref<1x100x64xf32, #tpu.memory_space<hbm>> -> memref<100x64xf32, #tpu.memory_space<hbm>>
      %dma_start3A_542 = arith.constant 0 : i32
      %dma_start3A_543 = arith.constant 0 : i32
      %dma_start3A_544 = tpu.memref_slice %arg5[%add3A_532, %dma_start3A_542, %dma_start3A_543] : memref<1600x100x64xf32, #tpu.memory_space<hbm>> -> memref<1x100x64xf32, #tpu.memory_space<hbm>>
      %dma_start3A_545 = tpu.memref_squeeze %dma_start3A_544 : memref<1x100x64xf32, #tpu.memory_space<hbm>> -> memref<100x64xf32, #tpu.memory_space<hbm>>
      %dma_start3A_546 = arith.constant 0 : i32
      %dma_start3A_547 = arith.constant 0 : i32
      %dma_start3A_548 = tpu.memref_slice %arg10[%dma_start3A_533, %dma_start3A_546, %dma_start3A_547] : memref<2x100x64xf32, #tpu.memory_space<vmem>> -> memref<1x100x64xf32, #tpu.memory_space<vmem>>
      %dma_start3A_549 = tpu.memref_squeeze %dma_start3A_548 : memref<1x100x64xf32, #tpu.memory_space<vmem>> -> memref<100x64xf32, #tpu.memory_space<vmem>>
      tpu.enqueue_dma source(%dma_start3A_549 : memref<100x64xf32, #tpu.memory_space<vmem>>) target(%dma_start3A_545 : memref<100x64xf32, #tpu.memory_space<hbm>>) target_semaphore(%arg16 : memref<!tpu.dma_semaphore, #tpu.memory_space<semaphore_mem>>)
      %dma_start3A_550 = arith.constant 7 : i32
      %dma_start3A_551 = arith.constant 1 : i32
      %dma_start3A_552 = arith.constant 0 : i32
      %dma_start3A_553 = arith.constant 0 : i32
      %dma_start3A_554 = tpu.memref_slice %arg8[%dma_start3A_551, %dma_start3A_552, %dma_start3A_553] : memref<2x100x128xf32, #tpu.memory_space<vmem>> -> memref<1x100x128xf32, #tpu.memory_space<vmem>>
      %dma_start3A_555 = tpu.memref_squeeze %dma_start3A_554 : memref<1x100x128xf32, #tpu.memory_space<vmem>> -> memref<100x128xf32, #tpu.memory_space<vmem>>
      %dma_start3A_556 = arith.constant 0 : i32
      %dma_start3A_557 = tpu.memref_slice %arg7[%dma_start3A_550, %dma_start3A_556] : memref<10x100xi32, #tpu.memory_space<vmem>> -> memref<1x100xi32, #tpu.memory_space<vmem>>
      %dma_start3A_558 = tpu.memref_squeeze %dma_start3A_557 : memref<1x100xi32, #tpu.memory_space<vmem>> -> memref<100xi32, #tpu.memory_space<vmem>>
      %dma_start3A_559 = arith.constant 0 : i32
      %dma_start3A_560 = arith.constant 0 : i32
      %dma_start3A_561 = tpu.memref_slice %arg2[%dma_start3A_559, %dma_start3A_560] : memref<10000x128xf32, #tpu.memory_space<hbm>> -> memref<10000x128xf32, #tpu.memory_space<hbm>>
      tpu.enqueue_indirect_dma source(%dma_start3A_561 : memref<10000x128xf32, #tpu.memory_space<hbm>>) target(%dma_start3A_555 : memref<100x128xf32, #tpu.memory_space<vmem>>) offsets(%dma_start3A_558 : memref<100xi32, #tpu.memory_space<vmem>>) semaphore(%arg12 : memref<!tpu.dma_semaphore, #tpu.memory_space<semaphore_mem>>)
      %dma_start3A_562 = arith.constant 7 : i32
      %dma_start3A_563 = arith.constant 1 : i32
      %dma_start3A_564 = arith.constant 0 : i32
      %dma_start3A_565 = arith.constant 0 : i32
      %dma_start3A_566 = tpu.memref_slice %arg9[%dma_start3A_563, %dma_start3A_564, %dma_start3A_565] : memref<2x100x128xf32, #tpu.memory_space<vmem>> -> memref<1x100x128xf32, #tpu.memory_space<vmem>>
      %dma_start3A_567 = tpu.memref_squeeze %dma_start3A_566 : memref<1x100x128xf32, #tpu.memory_space<vmem>> -> memref<100x128xf32, #tpu.memory_space<vmem>>
      %dma_start3A_568 = arith.constant 0 : i32
      %dma_start3A_569 = tpu.memref_slice %arg6[%dma_start3A_562, %dma_start3A_568] : memref<10x100xi32, #tpu.memory_space<vmem>> -> memref<1x100xi32, #tpu.memory_space<vmem>>
      %dma_start3A_570 = tpu.memref_squeeze %dma_start3A_569 : memref<1x100xi32, #tpu.memory_space<vmem>> -> memref<100xi32, #tpu.memory_space<vmem>>
      %dma_start3A_571 = arith.constant 0 : i32
      %dma_start3A_572 = arith.constant 0 : i32
      %dma_start3A_573 = tpu.memref_slice %arg2[%dma_start3A_571, %dma_start3A_572] : memref<10000x128xf32, #tpu.memory_space<hbm>> -> memref<10000x128xf32, #tpu.memory_space<hbm>>
      tpu.enqueue_indirect_dma source(%dma_start3A_573 : memref<10000x128xf32, #tpu.memory_space<hbm>>) target(%dma_start3A_567 : memref<100x128xf32, #tpu.memory_space<vmem>>) offsets(%dma_start3A_570 : memref<100xi32, #tpu.memory_space<vmem>>) semaphore(%arg14 : memref<!tpu.dma_semaphore, #tpu.memory_space<semaphore_mem>>)
      %dma_wait3A_574 = arith.constant 6 : i32
      %dma_wait3A_575 = arith.constant 0 : i32
      %dma_wait3A_576 = arith.constant 0 : i32
      %dma_wait3A_577 = arith.constant 0 : i32
      %dma_wait3A_578 = tpu.memref_slice %arg8[%dma_wait3A_575, %dma_wait3A_576, %dma_wait3A_577] : memref<2x100x128xf32, #tpu.memory_space<vmem>> -> memref<1x100x128xf32, #tpu.memory_space<vmem>>
      %dma_wait3A_579 = tpu.memref_squeeze %dma_wait3A_578 : memref<1x100x128xf32, #tpu.memory_space<vmem>> -> memref<100x128xf32, #tpu.memory_space<vmem>>
      %dma_wait3A_580 = arith.constant 0 : i32
      %dma_wait3A_581 = tpu.memref_slice %arg7[%dma_wait3A_574, %dma_wait3A_580] : memref<10x100xi32, #tpu.memory_space<vmem>> -> memref<1x100xi32, #tpu.memory_space<vmem>>
      %dma_wait3A_582 = tpu.memref_squeeze %dma_wait3A_581 : memref<1x100xi32, #tpu.memory_space<vmem>> -> memref<100xi32, #tpu.memory_space<vmem>>
      %dma_wait3A_583 = arith.constant 0 : i32
      %dma_wait3A_584 = arith.constant 0 : i32
      %dma_wait3A_585 = tpu.memref_slice %arg2[%dma_wait3A_583, %dma_wait3A_584] : memref<10000x128xf32, #tpu.memory_space<hbm>> -> memref<10000x128xf32, #tpu.memory_space<hbm>>
      tpu.wait_indirect_dma semaphore(%arg11 : memref<!tpu.dma_semaphore, #tpu.memory_space<semaphore_mem>>) src(%dma_wait3A_585 : memref<10000x128xf32, #tpu.memory_space<hbm>>) dst(%dma_wait3A_579 : memref<100x128xf32, #tpu.memory_space<vmem>>)
      %dma_wait3A_586 = arith.constant 6 : i32
      %dma_wait3A_587 = arith.constant 0 : i32
      %dma_wait3A_588 = arith.constant 0 : i32
      %dma_wait3A_589 = arith.constant 0 : i32
      %dma_wait3A_590 = tpu.memref_slice %arg9[%dma_wait3A_587, %dma_wait3A_588, %dma_wait3A_589] : memref<2x100x128xf32, #tpu.memory_space<vmem>> -> memref<1x100x128xf32, #tpu.memory_space<vmem>>
      %dma_wait3A_591 = tpu.memref_squeeze %dma_wait3A_590 : memref<1x100x128xf32, #tpu.memory_space<vmem>> -> memref<100x128xf32, #tpu.memory_space<vmem>>
      %dma_wait3A_592 = arith.constant 0 : i32
      %dma_wait3A_593 = tpu.memref_slice %arg6[%dma_wait3A_586, %dma_wait3A_592] : memref<10x100xi32, #tpu.memory_space<vmem>> -> memref<1x100xi32, #tpu.memory_space<vmem>>
      %dma_wait3A_594 = tpu.memref_squeeze %dma_wait3A_593 : memref<1x100xi32, #tpu.memory_space<vmem>> -> memref<100xi32, #tpu.memory_space<vmem>>
      %dma_wait3A_595 = arith.constant 0 : i32
      %dma_wait3A_596 = arith.constant 0 : i32
      %dma_wait3A_597 = tpu.memref_slice %arg2[%dma_wait3A_595, %dma_wait3A_596] : memref<10000x128xf32, #tpu.memory_space<hbm>> -> memref<10000x128xf32, #tpu.memory_space<hbm>>
      tpu.wait_indirect_dma semaphore(%arg13 : memref<!tpu.dma_semaphore, #tpu.memory_space<semaphore_mem>>) src(%dma_wait3A_597 : memref<10000x128xf32, #tpu.memory_space<hbm>>) dst(%dma_wait3A_591 : memref<100x128xf32, #tpu.memory_space<vmem>>)
      %dma_wait3A_598 = arith.constant 0 : i32
      %dma_wait3A_599 = arith.constant 0 : i32
      %dma_wait3A_600 = arith.constant 0 : i32
      %dma_wait3A_601 = tpu.memref_slice %arg10[%dma_wait3A_598, %dma_wait3A_599, %dma_wait3A_600] : memref<2x100x64xf32, #tpu.memory_space<vmem>> -> memref<1x100x64xf32, #tpu.memory_space<vmem>>
      %dma_wait3A_602 = tpu.memref_squeeze %dma_wait3A_601 : memref<1x100x64xf32, #tpu.memory_space<vmem>> -> memref<100x64xf32, #tpu.memory_space<vmem>>
      %dma_wait3A_603 = arith.constant 0 : i32
      %dma_wait3A_604 = arith.constant 0 : i32
      %dma_wait3A_605 = tpu.memref_slice %arg5[%add3A_440, %dma_wait3A_603, %dma_wait3A_604] : memref<1600x100x64xf32, #tpu.memory_space<hbm>> -> memref<1x100x64xf32, #tpu.memory_space<hbm>>
      %dma_wait3A_606 = tpu.memref_squeeze %dma_wait3A_605 : memref<1x100x64xf32, #tpu.memory_space<hbm>> -> memref<100x64xf32, #tpu.memory_space<hbm>>
      %dma_wait3A_607 = arith.constant 0 : i32
      %dma_wait3A_608 = arith.constant 0 : i32
      %dma_wait3A_609 = tpu.memref_slice %arg5[%add3A_440, %dma_wait3A_607, %dma_wait3A_608] : memref<1600x100x64xf32, #tpu.memory_space<hbm>> -> memref<1x100x64xf32, #tpu.memory_space<hbm>>
      %dma_wait3A_610 = tpu.memref_squeeze %dma_wait3A_609 : memref<1x100x64xf32, #tpu.memory_space<hbm>> -> memref<100x64xf32, #tpu.memory_space<hbm>>
      %dma_wait3A_611 = arith.constant 0 : i32
      %dma_wait3A_612 = arith.constant 0 : i32
      %dma_wait3A_613 = tpu.memref_slice %arg10[%dma_wait3A_598, %dma_wait3A_611, %dma_wait3A_612] : memref<2x100x64xf32, #tpu.memory_space<vmem>> -> memref<1x100x64xf32, #tpu.memory_space<vmem>>
      %dma_wait3A_614 = tpu.memref_squeeze %dma_wait3A_613 : memref<1x100x64xf32, #tpu.memory_space<vmem>> -> memref<100x64xf32, #tpu.memory_space<vmem>>
      tpu.wait_dma2 semaphore(%arg15 : memref<!tpu.dma_semaphore, #tpu.memory_space<semaphore_mem>>) src(%dma_wait3A_614 : memref<100x64xf32, #tpu.memory_space<vmem>>) dst(%dma_wait3A_610 : memref<100x64xf32, #tpu.memory_space<hbm>>)
      %scan3A_615 = arith.constant 0 : i32
      %scan3A_616 = arith.constant 0 : i32
      %scan3A_617 = arith.constant 100 : i32
      %scan3A_618 = arith.addi %scan3A_616, %scan3A_617 : i32
      %scan3A_619 = arith.constant 1 : i32
      scf.for %scan3A_928 = %scan3A_616 to %scan3A_618 step %scan3A_619  : i32 {
        %get3A = arith.constant 0 : i32
        %get3A_929 = arith.index_cast %get3A : i32 to index
        %get3A_930 = arith.index_cast %scan3A_928 : i32 to index
        %get3A_931 = arith.constant 0 : index
        %get3A_932 = tpu.vector_load %arg8[%get3A_929, %get3A_930, %get3A_931] {strides = array<i32>} : memref<2x100x128xf32, #tpu.memory_space<vmem>>, vector<1x1x16xf32>,
        %get3A_933 = vector.shape_cast %get3A_932 : vector<1x1x16xf32> to vector<16xf32>
        %get3A_934 = arith.constant 0 : i32
        %get3A_935 = arith.index_cast %get3A_934 : i32 to index
        %get3A_936 = arith.index_cast %scan3A_928 : i32 to index
        %get3A_937 = arith.constant 64 : index
        %get3A_938 = tpu.vector_load %arg9[%get3A_935, %get3A_936, %get3A_937] {strides = array<i32>} : memref<2x100x128xf32, #tpu.memory_space<vmem>>, vector<1x1x16xf32>,
        %get3A_939 = vector.shape_cast %get3A_938 : vector<1x1x16xf32> to vector<16xf32>
        %add3A_940 = arith.addf %get3A_933, %get3A_939 : vector<16xf32>
        %swap3A = arith.constant 0 : i32
        %swap3A_941 = arith.index_cast %swap3A : i32 to index
        %swap3A_942 = arith.index_cast %scan3A_928 : i32 to index
        %swap3A_943 = arith.constant 0 : index
        %swap3A_944 = tpu.vector_load %arg10[%swap3A_941, %swap3A_942, %swap3A_943] {strides = array<i32>} : memref<2x100x64xf32, #tpu.memory_space<vmem>>, vector<1x1x16xf32>,
        %swap3A_945 = vector.shape_cast %swap3A_944 : vector<1x1x16xf32> to vector<16xf32>
        %swap3A_946 = vector.shape_cast %add3A_940 : vector<16xf32> to vector<1x1x16xf32>
        tpu.vector_store %arg10[%swap3A_941, %swap3A_942, %swap3A_943], %swap3A_946 {strides = array<i32>} : memref<2x100x64xf32, #tpu.memory_space<vmem>>, vector<1x1x16xf32>,
        %get3A_947 = arith.constant 0 : i32
        %get3A_948 = arith.index_cast %get3A_947 : i32 to index
        %get3A_949 = arith.index_cast %scan3A_928 : i32 to index
        %get3A_950 = arith.constant 16 : index
        %get3A_951 = tpu.vector_load %arg8[%get3A_948, %get3A_949, %get3A_950] {strides = array<i32>} : memref<2x100x128xf32, #tpu.memory_space<vmem>>, vector<1x1x16xf32>,
        %get3A_952 = vector.shape_cast %get3A_951 : vector<1x1x16xf32> to vector<16xf32>
        %get3A_953 = arith.constant 0 : i32
        %get3A_954 = arith.index_cast %get3A_953 : i32 to index
        %get3A_955 = arith.index_cast %scan3A_928 : i32 to index
        %get3A_956 = arith.constant 80 : index
        %get3A_957 = tpu.vector_load %arg9[%get3A_954, %get3A_955, %get3A_956] {strides = array<i32>} : memref<2x100x128xf32, #tpu.memory_space<vmem>>, vector<1x1x16xf32>,
        %get3A_958 = vector.shape_cast %get3A_957 : vector<1x1x16xf32> to vector<16xf32>
        %add3A_959 = arith.addf %get3A_952, %get3A_958 : vector<16xf32>
        %swap3A_960 = arith.constant 0 : i32
        %swap3A_961 = arith.index_cast %swap3A_960 : i32 to index
        %swap3A_962 = arith.index_cast %scan3A_928 : i32 to index
        %swap3A_963 = arith.constant 16 : index
        %swap3A_964 = tpu.vector_load %arg10[%swap3A_961, %swap3A_962, %swap3A_963] {strides = array<i32>} : memref<2x100x64xf32, #tpu.memory_space<vmem>>, vector<1x1x16xf32>,
        %swap3A_965 = vector.shape_cast %swap3A_964 : vector<1x1x16xf32> to vector<16xf32>
        %swap3A_966 = vector.shape_cast %add3A_959 : vector<16xf32> to vector<1x1x16xf32>
        tpu.vector_store %arg10[%swap3A_961, %swap3A_962, %swap3A_963], %swap3A_966 {strides = array<i32>} : memref<2x100x64xf32, #tpu.memory_space<vmem>>, vector<1x1x16xf32>,
        %get3A_967 = arith.constant 0 : i32
        %get3A_968 = arith.index_cast %get3A_967 : i32 to index
        %get3A_969 = arith.index_cast %scan3A_928 : i32 to index
        %get3A_970 = arith.constant 32 : index
        %get3A_971 = tpu.vector_load %arg8[%get3A_968, %get3A_969, %get3A_970] {strides = array<i32>} : memref<2x100x128xf32, #tpu.memory_space<vmem>>, vector<1x1x16xf32>,
        %get3A_972 = vector.shape_cast %get3A_971 : vector<1x1x16xf32> to vector<16xf32>
        %get3A_973 = arith.constant 0 : i32
        %get3A_974 = arith.index_cast %get3A_973 : i32 to index
        %get3A_975 = arith.index_cast %scan3A_928 : i32 to index
        %get3A_976 = arith.constant 96 : index
        %get3A_977 = tpu.vector_load %arg9[%get3A_974, %get3A_975, %get3A_976] {strides = array<i32>} : memref<2x100x128xf32, #tpu.memory_space<vmem>>, vector<1x1x16xf32>,
        %get3A_978 = vector.shape_cast %get3A_977 : vector<1x1x16xf32> to vector<16xf32>
        %add3A_979 = arith.addf %get3A_972, %get3A_978 : vector<16xf32>
        %swap3A_980 = arith.constant 0 : i32
        %swap3A_981 = arith.index_cast %swap3A_980 : i32 to index
        %swap3A_982 = arith.index_cast %scan3A_928 : i32 to index
        %swap3A_983 = arith.constant 32 : index
        %swap3A_984 = tpu.vector_load %arg10[%swap3A_981, %swap3A_982, %swap3A_983] {strides = array<i32>} : memref<2x100x64xf32, #tpu.memory_space<vmem>>, vector<1x1x16xf32>,
        %swap3A_985 = vector.shape_cast %swap3A_984 : vector<1x1x16xf32> to vector<16xf32>
        %swap3A_986 = vector.shape_cast %add3A_979 : vector<16xf32> to vector<1x1x16xf32>
        tpu.vector_store %arg10[%swap3A_981, %swap3A_982, %swap3A_983], %swap3A_986 {strides = array<i32>} : memref<2x100x64xf32, #tpu.memory_space<vmem>>, vector<1x1x16xf32>,
        %get3A_987 = arith.constant 0 : i32
        %get3A_988 = arith.index_cast %get3A_987 : i32 to index
        %get3A_989 = arith.index_cast %scan3A_928 : i32 to index
        %get3A_990 = arith.constant 48 : index
        %get3A_991 = tpu.vector_load %arg8[%get3A_988, %get3A_989, %get3A_990] {strides = array<i32>} : memref<2x100x128xf32, #tpu.memory_space<vmem>>, vector<1x1x16xf32>,
        %get3A_992 = vector.shape_cast %get3A_991 : vector<1x1x16xf32> to vector<16xf32>
        %get3A_993 = arith.constant 0 : i32
        %get3A_994 = arith.index_cast %get3A_993 : i32 to index
        %get3A_995 = arith.index_cast %scan3A_928 : i32 to index
        %get3A_996 = arith.constant 112 : index
        %get3A_997 = tpu.vector_load %arg9[%get3A_994, %get3A_995, %get3A_996] {strides = array<i32>} : memref<2x100x128xf32, #tpu.memory_space<vmem>>, vector<1x1x16xf32>,
        %get3A_998 = vector.shape_cast %get3A_997 : vector<1x1x16xf32> to vector<16xf32>
        %add3A_999 = arith.addf %get3A_992, %get3A_998 : vector<16xf32>
        %swap3A_1000 = arith.constant 0 : i32
        %swap3A_1001 = arith.index_cast %swap3A_1000 : i32 to index
        %swap3A_1002 = arith.index_cast %scan3A_928 : i32 to index
        %swap3A_1003 = arith.constant 48 : index
        %swap3A_1004 = tpu.vector_load %arg10[%swap3A_1001, %swap3A_1002, %swap3A_1003] {strides = array<i32>} : memref<2x100x64xf32, #tpu.memory_space<vmem>>, vector<1x1x16xf32>,
        %swap3A_1005 = vector.shape_cast %swap3A_1004 : vector<1x1x16xf32> to vector<16xf32>
        %swap3A_1006 = vector.shape_cast %add3A_999 : vector<16xf32> to vector<1x1x16xf32>
        tpu.vector_store %arg10[%swap3A_1001, %swap3A_1002, %swap3A_1003], %swap3A_1006 {strides = array<i32>} : memref<2x100x64xf32, #tpu.memory_space<vmem>>, vector<1x1x16xf32>,
      }
      %scan3A_620 = arith.constant 100 : i32
      %mul3A_621 = arith.constant 10 : i32
      %mul3A_622 = arith.muli %add3A_9, %mul3A_621 : i32
      %add3A_623 = arith.constant 6 : i32
      %add3A_624 = arith.addi %mul3A_622, %add3A_623 : i32
      %dma_start3A_625 = arith.constant 0 : i32
      %dma_start3A_626 = arith.constant 0 : i32
      %dma_start3A_627 = arith.constant 0 : i32
      %dma_start3A_628 = tpu.memref_slice %arg10[%dma_start3A_625, %dma_start3A_626, %dma_start3A_627] : memref<2x100x64xf32, #tpu.memory_space<vmem>> -> memref<1x100x64xf32, #tpu.memory_space<vmem>>
      %dma_start3A_629 = tpu.memref_squeeze %dma_start3A_628 : memref<1x100x64xf32, #tpu.memory_space<vmem>> -> memref<100x64xf32, #tpu.memory_space<vmem>>
      %dma_start3A_630 = arith.constant 0 : i32
      %dma_start3A_631 = arith.constant 0 : i32
      %dma_start3A_632 = tpu.memref_slice %arg5[%add3A_624, %dma_start3A_630, %dma_start3A_631] : memref<1600x100x64xf32, #tpu.memory_space<hbm>> -> memref<1x100x64xf32, #tpu.memory_space<hbm>>
      %dma_start3A_633 = tpu.memref_squeeze %dma_start3A_632 : memref<1x100x64xf32, #tpu.memory_space<hbm>> -> memref<100x64xf32, #tpu.memory_space<hbm>>
      %dma_start3A_634 = arith.constant 0 : i32
      %dma_start3A_635 = arith.constant 0 : i32
      %dma_start3A_636 = tpu.memref_slice %arg5[%add3A_624, %dma_start3A_634, %dma_start3A_635] : memref<1600x100x64xf32, #tpu.memory_space<hbm>> -> memref<1x100x64xf32, #tpu.memory_space<hbm>>
      %dma_start3A_637 = tpu.memref_squeeze %dma_start3A_636 : memref<1x100x64xf32, #tpu.memory_space<hbm>> -> memref<100x64xf32, #tpu.memory_space<hbm>>
      %dma_start3A_638 = arith.constant 0 : i32
      %dma_start3A_639 = arith.constant 0 : i32
      %dma_start3A_640 = tpu.memref_slice %arg10[%dma_start3A_625, %dma_start3A_638, %dma_start3A_639] : memref<2x100x64xf32, #tpu.memory_space<vmem>> -> memref<1x100x64xf32, #tpu.memory_space<vmem>>
      %dma_start3A_641 = tpu.memref_squeeze %dma_start3A_640 : memref<1x100x64xf32, #tpu.memory_space<vmem>> -> memref<100x64xf32, #tpu.memory_space<vmem>>
      tpu.enqueue_dma source(%dma_start3A_641 : memref<100x64xf32, #tpu.memory_space<vmem>>) target(%dma_start3A_637 : memref<100x64xf32, #tpu.memory_space<hbm>>) target_semaphore(%arg15 : memref<!tpu.dma_semaphore, #tpu.memory_space<semaphore_mem>>)
      %dma_start3A_642 = arith.constant 8 : i32
      %dma_start3A_643 = arith.constant 0 : i32
      %dma_start3A_644 = arith.constant 0 : i32
      %dma_start3A_645 = arith.constant 0 : i32
      %dma_start3A_646 = tpu.memref_slice %arg8[%dma_start3A_643, %dma_start3A_644, %dma_start3A_645] : memref<2x100x128xf32, #tpu.memory_space<vmem>> -> memref<1x100x128xf32, #tpu.memory_space<vmem>>
      %dma_start3A_647 = tpu.memref_squeeze %dma_start3A_646 : memref<1x100x128xf32, #tpu.memory_space<vmem>> -> memref<100x128xf32, #tpu.memory_space<vmem>>
      %dma_start3A_648 = arith.constant 0 : i32
      %dma_start3A_649 = tpu.memref_slice %arg7[%dma_start3A_642, %dma_start3A_648] : memref<10x100xi32, #tpu.memory_space<vmem>> -> memref<1x100xi32, #tpu.memory_space<vmem>>
      %dma_start3A_650 = tpu.memref_squeeze %dma_start3A_649 : memref<1x100xi32, #tpu.memory_space<vmem>> -> memref<100xi32, #tpu.memory_space<vmem>>
      %dma_start3A_651 = arith.constant 0 : i32
      %dma_start3A_652 = arith.constant 0 : i32
      %dma_start3A_653 = tpu.memref_slice %arg2[%dma_start3A_651, %dma_start3A_652] : memref<10000x128xf32, #tpu.memory_space<hbm>> -> memref<10000x128xf32, #tpu.memory_space<hbm>>
      tpu.enqueue_indirect_dma source(%dma_start3A_653 : memref<10000x128xf32, #tpu.memory_space<hbm>>) target(%dma_start3A_647 : memref<100x128xf32, #tpu.memory_space<vmem>>) offsets(%dma_start3A_650 : memref<100xi32, #tpu.memory_space<vmem>>) semaphore(%arg11 : memref<!tpu.dma_semaphore, #tpu.memory_space<semaphore_mem>>)
      %dma_start3A_654 = arith.constant 8 : i32
      %dma_start3A_655 = arith.constant 0 : i32
      %dma_start3A_656 = arith.constant 0 : i32
      %dma_start3A_657 = arith.constant 0 : i32
      %dma_start3A_658 = tpu.memref_slice %arg9[%dma_start3A_655, %dma_start3A_656, %dma_start3A_657] : memref<2x100x128xf32, #tpu.memory_space<vmem>> -> memref<1x100x128xf32, #tpu.memory_space<vmem>>
      %dma_start3A_659 = tpu.memref_squeeze %dma_start3A_658 : memref<1x100x128xf32, #tpu.memory_space<vmem>> -> memref<100x128xf32, #tpu.memory_space<vmem>>
      %dma_start3A_660 = arith.constant 0 : i32
      %dma_start3A_661 = tpu.memref_slice %arg6[%dma_start3A_654, %dma_start3A_660] : memref<10x100xi32, #tpu.memory_space<vmem>> -> memref<1x100xi32, #tpu.memory_space<vmem>>
      %dma_start3A_662 = tpu.memref_squeeze %dma_start3A_661 : memref<1x100xi32, #tpu.memory_space<vmem>> -> memref<100xi32, #tpu.memory_space<vmem>>
      %dma_start3A_663 = arith.constant 0 : i32
      %dma_start3A_664 = arith.constant 0 : i32
      %dma_start3A_665 = tpu.memref_slice %arg2[%dma_start3A_663, %dma_start3A_664] : memref<10000x128xf32, #tpu.memory_space<hbm>> -> memref<10000x128xf32, #tpu.memory_space<hbm>>
      tpu.enqueue_indirect_dma source(%dma_start3A_665 : memref<10000x128xf32, #tpu.memory_space<hbm>>) target(%dma_start3A_659 : memref<100x128xf32, #tpu.memory_space<vmem>>) offsets(%dma_start3A_662 : memref<100xi32, #tpu.memory_space<vmem>>) semaphore(%arg13 : memref<!tpu.dma_semaphore, #tpu.memory_space<semaphore_mem>>)
      %dma_wait3A_666 = arith.constant 7 : i32
      %dma_wait3A_667 = arith.constant 1 : i32
      %dma_wait3A_668 = arith.constant 0 : i32
      %dma_wait3A_669 = arith.constant 0 : i32
      %dma_wait3A_670 = tpu.memref_slice %arg8[%dma_wait3A_667, %dma_wait3A_668, %dma_wait3A_669] : memref<2x100x128xf32, #tpu.memory_space<vmem>> -> memref<1x100x128xf32, #tpu.memory_space<vmem>>
      %dma_wait3A_671 = tpu.memref_squeeze %dma_wait3A_670 : memref<1x100x128xf32, #tpu.memory_space<vmem>> -> memref<100x128xf32, #tpu.memory_space<vmem>>
      %dma_wait3A_672 = arith.constant 0 : i32
      %dma_wait3A_673 = tpu.memref_slice %arg7[%dma_wait3A_666, %dma_wait3A_672] : memref<10x100xi32, #tpu.memory_space<vmem>> -> memref<1x100xi32, #tpu.memory_space<vmem>>
      %dma_wait3A_674 = tpu.memref_squeeze %dma_wait3A_673 : memref<1x100xi32, #tpu.memory_space<vmem>> -> memref<100xi32, #tpu.memory_space<vmem>>
      %dma_wait3A_675 = arith.constant 0 : i32
      %dma_wait3A_676 = arith.constant 0 : i32
      %dma_wait3A_677 = tpu.memref_slice %arg2[%dma_wait3A_675, %dma_wait3A_676] : memref<10000x128xf32, #tpu.memory_space<hbm>> -> memref<10000x128xf32, #tpu.memory_space<hbm>>
      tpu.wait_indirect_dma semaphore(%arg12 : memref<!tpu.dma_semaphore, #tpu.memory_space<semaphore_mem>>) src(%dma_wait3A_677 : memref<10000x128xf32, #tpu.memory_space<hbm>>) dst(%dma_wait3A_671 : memref<100x128xf32, #tpu.memory_space<vmem>>)
      %dma_wait3A_678 = arith.constant 7 : i32
      %dma_wait3A_679 = arith.constant 1 : i32
      %dma_wait3A_680 = arith.constant 0 : i32
      %dma_wait3A_681 = arith.constant 0 : i32
      %dma_wait3A_682 = tpu.memref_slice %arg9[%dma_wait3A_679, %dma_wait3A_680, %dma_wait3A_681] : memref<2x100x128xf32, #tpu.memory_space<vmem>> -> memref<1x100x128xf32, #tpu.memory_space<vmem>>
      %dma_wait3A_683 = tpu.memref_squeeze %dma_wait3A_682 : memref<1x100x128xf32, #tpu.memory_space<vmem>> -> memref<100x128xf32, #tpu.memory_space<vmem>>
      %dma_wait3A_684 = arith.constant 0 : i32
      %dma_wait3A_685 = tpu.memref_slice %arg6[%dma_wait3A_678, %dma_wait3A_684] : memref<10x100xi32, #tpu.memory_space<vmem>> -> memref<1x100xi32, #tpu.memory_space<vmem>>
      %dma_wait3A_686 = tpu.memref_squeeze %dma_wait3A_685 : memref<1x100xi32, #tpu.memory_space<vmem>> -> memref<100xi32, #tpu.memory_space<vmem>>
      %dma_wait3A_687 = arith.constant 0 : i32
      %dma_wait3A_688 = arith.constant 0 : i32
      %dma_wait3A_689 = tpu.memref_slice %arg2[%dma_wait3A_687, %dma_wait3A_688] : memref<10000x128xf32, #tpu.memory_space<hbm>> -> memref<10000x128xf32, #tpu.memory_space<hbm>>
      tpu.wait_indirect_dma semaphore(%arg14 : memref<!tpu.dma_semaphore, #tpu.memory_space<semaphore_mem>>) src(%dma_wait3A_689 : memref<10000x128xf32, #tpu.memory_space<hbm>>) dst(%dma_wait3A_683 : memref<100x128xf32, #tpu.memory_space<vmem>>)
      %dma_wait3A_690 = arith.constant 1 : i32
      %dma_wait3A_691 = arith.constant 0 : i32
      %dma_wait3A_692 = arith.constant 0 : i32
      %dma_wait3A_693 = tpu.memref_slice %arg10[%dma_wait3A_690, %dma_wait3A_691, %dma_wait3A_692] : memref<2x100x64xf32, #tpu.memory_space<vmem>> -> memref<1x100x64xf32, #tpu.memory_space<vmem>>
      %dma_wait3A_694 = tpu.memref_squeeze %dma_wait3A_693 : memref<1x100x64xf32, #tpu.memory_space<vmem>> -> memref<100x64xf32, #tpu.memory_space<vmem>>
      %dma_wait3A_695 = arith.constant 0 : i32
      %dma_wait3A_696 = arith.constant 0 : i32
      %dma_wait3A_697 = tpu.memref_slice %arg5[%add3A_532, %dma_wait3A_695, %dma_wait3A_696] : memref<1600x100x64xf32, #tpu.memory_space<hbm>> -> memref<1x100x64xf32, #tpu.memory_space<hbm>>
      %dma_wait3A_698 = tpu.memref_squeeze %dma_wait3A_697 : memref<1x100x64xf32, #tpu.memory_space<hbm>> -> memref<100x64xf32, #tpu.memory_space<hbm>>
      %dma_wait3A_699 = arith.constant 0 : i32
      %dma_wait3A_700 = arith.constant 0 : i32
      %dma_wait3A_701 = tpu.memref_slice %arg5[%add3A_532, %dma_wait3A_699, %dma_wait3A_700] : memref<1600x100x64xf32, #tpu.memory_space<hbm>> -> memref<1x100x64xf32, #tpu.memory_space<hbm>>
      %dma_wait3A_702 = tpu.memref_squeeze %dma_wait3A_701 : memref<1x100x64xf32, #tpu.memory_space<hbm>> -> memref<100x64xf32, #tpu.memory_space<hbm>>
      %dma_wait3A_703 = arith.constant 0 : i32
      %dma_wait3A_704 = arith.constant 0 : i32
      %dma_wait3A_705 = tpu.memref_slice %arg10[%dma_wait3A_690, %dma_wait3A_703, %dma_wait3A_704] : memref<2x100x64xf32, #tpu.memory_space<vmem>> -> memref<1x100x64xf32, #tpu.memory_space<vmem>>
      %dma_wait3A_706 = tpu.memref_squeeze %dma_wait3A_705 : memref<1x100x64xf32, #tpu.memory_space<vmem>> -> memref<100x64xf32, #tpu.memory_space<vmem>>
      tpu.wait_dma2 semaphore(%arg16 : memref<!tpu.dma_semaphore, #tpu.memory_space<semaphore_mem>>) src(%dma_wait3A_706 : memref<100x64xf32, #tpu.memory_space<vmem>>) dst(%dma_wait3A_702 : memref<100x64xf32, #tpu.memory_space<hbm>>)
      %scan3A_707 = arith.constant 0 : i32
      %scan3A_708 = arith.constant 0 : i32
      %scan3A_709 = arith.constant 100 : i32
      %scan3A_710 = arith.addi %scan3A_708, %scan3A_709 : i32
      %scan3A_711 = arith.constant 1 : i32
      scf.for %scan3A_928 = %scan3A_708 to %scan3A_710 step %scan3A_711  : i32 {
        %get3A = arith.constant 1 : i32
        %get3A_929 = arith.index_cast %get3A : i32 to index
        %get3A_930 = arith.index_cast %scan3A_928 : i32 to index
        %get3A_931 = arith.constant 0 : index
        %get3A_932 = tpu.vector_load %arg8[%get3A_929, %get3A_930, %get3A_931] {strides = array<i32>} : memref<2x100x128xf32, #tpu.memory_space<vmem>>, vector<1x1x16xf32>,
        %get3A_933 = vector.shape_cast %get3A_932 : vector<1x1x16xf32> to vector<16xf32>
        %get3A_934 = arith.constant 1 : i32
        %get3A_935 = arith.index_cast %get3A_934 : i32 to index
        %get3A_936 = arith.index_cast %scan3A_928 : i32 to index
        %get3A_937 = arith.constant 64 : index
        %get3A_938 = tpu.vector_load %arg9[%get3A_935, %get3A_936, %get3A_937] {strides = array<i32>} : memref<2x100x128xf32, #tpu.memory_space<vmem>>, vector<1x1x16xf32>,
        %get3A_939 = vector.shape_cast %get3A_938 : vector<1x1x16xf32> to vector<16xf32>
        %add3A_940 = arith.addf %get3A_933, %get3A_939 : vector<16xf32>
        %swap3A = arith.constant 1 : i32
        %swap3A_941 = arith.index_cast %swap3A : i32 to index
        %swap3A_942 = arith.index_cast %scan3A_928 : i32 to index
        %swap3A_943 = arith.constant 0 : index
        %swap3A_944 = tpu.vector_load %arg10[%swap3A_941, %swap3A_942, %swap3A_943] {strides = array<i32>} : memref<2x100x64xf32, #tpu.memory_space<vmem>>, vector<1x1x16xf32>,
        %swap3A_945 = vector.shape_cast %swap3A_944 : vector<1x1x16xf32> to vector<16xf32>
        %swap3A_946 = vector.shape_cast %add3A_940 : vector<16xf32> to vector<1x1x16xf32>
        tpu.vector_store %arg10[%swap3A_941, %swap3A_942, %swap3A_943], %swap3A_946 {strides = array<i32>} : memref<2x100x64xf32, #tpu.memory_space<vmem>>, vector<1x1x16xf32>,
        %get3A_947 = arith.constant 1 : i32
        %get3A_948 = arith.index_cast %get3A_947 : i32 to index
        %get3A_949 = arith.index_cast %scan3A_928 : i32 to index
        %get3A_950 = arith.constant 16 : index
        %get3A_951 = tpu.vector_load %arg8[%get3A_948, %get3A_949, %get3A_950] {strides = array<i32>} : memref<2x100x128xf32, #tpu.memory_space<vmem>>, vector<1x1x16xf32>,
        %get3A_952 = vector.shape_cast %get3A_951 : vector<1x1x16xf32> to vector<16xf32>
        %get3A_953 = arith.constant 1 : i32
        %get3A_954 = arith.index_cast %get3A_953 : i32 to index
        %get3A_955 = arith.index_cast %scan3A_928 : i32 to index
        %get3A_956 = arith.constant 80 : index
        %get3A_957 = tpu.vector_load %arg9[%get3A_954, %get3A_955, %get3A_956] {strides = array<i32>} : memref<2x100x128xf32, #tpu.memory_space<vmem>>, vector<1x1x16xf32>,
        %get3A_958 = vector.shape_cast %get3A_957 : vector<1x1x16xf32> to vector<16xf32>
        %add3A_959 = arith.addf %get3A_952, %get3A_958 : vector<16xf32>
        %swap3A_960 = arith.constant 1 : i32
        %swap3A_961 = arith.index_cast %swap3A_960 : i32 to index
        %swap3A_962 = arith.index_cast %scan3A_928 : i32 to index
        %swap3A_963 = arith.constant 16 : index
        %swap3A_964 = tpu.vector_load %arg10[%swap3A_961, %swap3A_962, %swap3A_963] {strides = array<i32>} : memref<2x100x64xf32, #tpu.memory_space<vmem>>, vector<1x1x16xf32>,
        %swap3A_965 = vector.shape_cast %swap3A_964 : vector<1x1x16xf32> to vector<16xf32>
        %swap3A_966 = vector.shape_cast %add3A_959 : vector<16xf32> to vector<1x1x16xf32>
        tpu.vector_store %arg10[%swap3A_961, %swap3A_962, %swap3A_963], %swap3A_966 {strides = array<i32>} : memref<2x100x64xf32, #tpu.memory_space<vmem>>, vector<1x1x16xf32>,
        %get3A_967 = arith.constant 1 : i32
        %get3A_968 = arith.index_cast %get3A_967 : i32 to index
        %get3A_969 = arith.index_cast %scan3A_928 : i32 to index
        %get3A_970 = arith.constant 32 : index
        %get3A_971 = tpu.vector_load %arg8[%get3A_968, %get3A_969, %get3A_970] {strides = array<i32>} : memref<2x100x128xf32, #tpu.memory_space<vmem>>, vector<1x1x16xf32>,
        %get3A_972 = vector.shape_cast %get3A_971 : vector<1x1x16xf32> to vector<16xf32>
        %get3A_973 = arith.constant 1 : i32
        %get3A_974 = arith.index_cast %get3A_973 : i32 to index
        %get3A_975 = arith.index_cast %scan3A_928 : i32 to index
        %get3A_976 = arith.constant 96 : index
        %get3A_977 = tpu.vector_load %arg9[%get3A_974, %get3A_975, %get3A_976] {strides = array<i32>} : memref<2x100x128xf32, #tpu.memory_space<vmem>>, vector<1x1x16xf32>,
        %get3A_978 = vector.shape_cast %get3A_977 : vector<1x1x16xf32> to vector<16xf32>
        %add3A_979 = arith.addf %get3A_972, %get3A_978 : vector<16xf32>
        %swap3A_980 = arith.constant 1 : i32
        %swap3A_981 = arith.index_cast %swap3A_980 : i32 to index
        %swap3A_982 = arith.index_cast %scan3A_928 : i32 to index
        %swap3A_983 = arith.constant 32 : index
        %swap3A_984 = tpu.vector_load %arg10[%swap3A_981, %swap3A_982, %swap3A_983] {strides = array<i32>} : memref<2x100x64xf32, #tpu.memory_space<vmem>>, vector<1x1x16xf32>,
        %swap3A_985 = vector.shape_cast %swap3A_984 : vector<1x1x16xf32> to vector<16xf32>
        %swap3A_986 = vector.shape_cast %add3A_979 : vector<16xf32> to vector<1x1x16xf32>
        tpu.vector_store %arg10[%swap3A_981, %swap3A_982, %swap3A_983], %swap3A_986 {strides = array<i32>} : memref<2x100x64xf32, #tpu.memory_space<vmem>>, vector<1x1x16xf32>,
        %get3A_987 = arith.constant 1 : i32
        %get3A_988 = arith.index_cast %get3A_987 : i32 to index
        %get3A_989 = arith.index_cast %scan3A_928 : i32 to index
        %get3A_990 = arith.constant 48 : index
        %get3A_991 = tpu.vector_load %arg8[%get3A_988, %get3A_989, %get3A_990] {strides = array<i32>} : memref<2x100x128xf32, #tpu.memory_space<vmem>>, vector<1x1x16xf32>,
        %get3A_992 = vector.shape_cast %get3A_991 : vector<1x1x16xf32> to vector<16xf32>
        %get3A_993 = arith.constant 1 : i32
        %get3A_994 = arith.index_cast %get3A_993 : i32 to index
        %get3A_995 = arith.index_cast %scan3A_928 : i32 to index
        %get3A_996 = arith.constant 112 : index
        %get3A_997 = tpu.vector_load %arg9[%get3A_994, %get3A_995, %get3A_996] {strides = array<i32>} : memref<2x100x128xf32, #tpu.memory_space<vmem>>, vector<1x1x16xf32>,
        %get3A_998 = vector.shape_cast %get3A_997 : vector<1x1x16xf32> to vector<16xf32>
        %add3A_999 = arith.addf %get3A_992, %get3A_998 : vector<16xf32>
        %swap3A_1000 = arith.constant 1 : i32
        %swap3A_1001 = arith.index_cast %swap3A_1000 : i32 to index
        %swap3A_1002 = arith.index_cast %scan3A_928 : i32 to index
        %swap3A_1003 = arith.constant 48 : index
        %swap3A_1004 = tpu.vector_load %arg10[%swap3A_1001, %swap3A_1002, %swap3A_1003] {strides = array<i32>} : memref<2x100x64xf32, #tpu.memory_space<vmem>>, vector<1x1x16xf32>,
        %swap3A_1005 = vector.shape_cast %swap3A_1004 : vector<1x1x16xf32> to vector<16xf32>
        %swap3A_1006 = vector.shape_cast %add3A_999 : vector<16xf32> to vector<1x1x16xf32>
        tpu.vector_store %arg10[%swap3A_1001, %swap3A_1002, %swap3A_1003], %swap3A_1006 {strides = array<i32>} : memref<2x100x64xf32, #tpu.memory_space<vmem>>, vector<1x1x16xf32>,
      }
      %scan3A_712 = arith.constant 100 : i32
      %mul3A_713 = arith.constant 10 : i32
      %mul3A_714 = arith.muli %add3A_9, %mul3A_713 : i32
      %add3A_715 = arith.constant 7 : i32
      %add3A_716 = arith.addi %mul3A_714, %add3A_715 : i32
      %dma_start3A_717 = arith.constant 1 : i32
      %dma_start3A_718 = arith.constant 0 : i32
      %dma_start3A_719 = arith.constant 0 : i32
      %dma_start3A_720 = tpu.memref_slice %arg10[%dma_start3A_717, %dma_start3A_718, %dma_start3A_719] : memref<2x100x64xf32, #tpu.memory_space<vmem>> -> memref<1x100x64xf32, #tpu.memory_space<vmem>>
      %dma_start3A_721 = tpu.memref_squeeze %dma_start3A_720 : memref<1x100x64xf32, #tpu.memory_space<vmem>> -> memref<100x64xf32, #tpu.memory_space<vmem>>
      %dma_start3A_722 = arith.constant 0 : i32
      %dma_start3A_723 = arith.constant 0 : i32
      %dma_start3A_724 = tpu.memref_slice %arg5[%add3A_716, %dma_start3A_722, %dma_start3A_723] : memref<1600x100x64xf32, #tpu.memory_space<hbm>> -> memref<1x100x64xf32, #tpu.memory_space<hbm>>
      %dma_start3A_725 = tpu.memref_squeeze %dma_start3A_724 : memref<1x100x64xf32, #tpu.memory_space<hbm>> -> memref<100x64xf32, #tpu.memory_space<hbm>>
      %dma_start3A_726 = arith.constant 0 : i32
      %dma_start3A_727 = arith.constant 0 : i32
      %dma_start3A_728 = tpu.memref_slice %arg5[%add3A_716, %dma_start3A_726, %dma_start3A_727] : memref<1600x100x64xf32, #tpu.memory_space<hbm>> -> memref<1x100x64xf32, #tpu.memory_space<hbm>>
      %dma_start3A_729 = tpu.memref_squeeze %dma_start3A_728 : memref<1x100x64xf32, #tpu.memory_space<hbm>> -> memref<100x64xf32, #tpu.memory_space<hbm>>
      %dma_start3A_730 = arith.constant 0 : i32
      %dma_start3A_731 = arith.constant 0 : i32
      %dma_start3A_732 = tpu.memref_slice %arg10[%dma_start3A_717, %dma_start3A_730, %dma_start3A_731] : memref<2x100x64xf32, #tpu.memory_space<vmem>> -> memref<1x100x64xf32, #tpu.memory_space<vmem>>
      %dma_start3A_733 = tpu.memref_squeeze %dma_start3A_732 : memref<1x100x64xf32, #tpu.memory_space<vmem>> -> memref<100x64xf32, #tpu.memory_space<vmem>>
      tpu.enqueue_dma source(%dma_start3A_733 : memref<100x64xf32, #tpu.memory_space<vmem>>) target(%dma_start3A_729 : memref<100x64xf32, #tpu.memory_space<hbm>>) target_semaphore(%arg16 : memref<!tpu.dma_semaphore, #tpu.memory_space<semaphore_mem>>)
      %dma_start3A_734 = arith.constant 9 : i32
      %dma_start3A_735 = arith.constant 1 : i32
      %dma_start3A_736 = arith.constant 0 : i32
      %dma_start3A_737 = arith.constant 0 : i32
      %dma_start3A_738 = tpu.memref_slice %arg8[%dma_start3A_735, %dma_start3A_736, %dma_start3A_737] : memref<2x100x128xf32, #tpu.memory_space<vmem>> -> memref<1x100x128xf32, #tpu.memory_space<vmem>>
      %dma_start3A_739 = tpu.memref_squeeze %dma_start3A_738 : memref<1x100x128xf32, #tpu.memory_space<vmem>> -> memref<100x128xf32, #tpu.memory_space<vmem>>
      %dma_start3A_740 = arith.constant 0 : i32
      %dma_start3A_741 = tpu.memref_slice %arg7[%dma_start3A_734, %dma_start3A_740] : memref<10x100xi32, #tpu.memory_space<vmem>> -> memref<1x100xi32, #tpu.memory_space<vmem>>
      %dma_start3A_742 = tpu.memref_squeeze %dma_start3A_741 : memref<1x100xi32, #tpu.memory_space<vmem>> -> memref<100xi32, #tpu.memory_space<vmem>>
      %dma_start3A_743 = arith.constant 0 : i32
      %dma_start3A_744 = arith.constant 0 : i32
      %dma_start3A_745 = tpu.memref_slice %arg2[%dma_start3A_743, %dma_start3A_744] : memref<10000x128xf32, #tpu.memory_space<hbm>> -> memref<10000x128xf32, #tpu.memory_space<hbm>>
      tpu.enqueue_indirect_dma source(%dma_start3A_745 : memref<10000x128xf32, #tpu.memory_space<hbm>>) target(%dma_start3A_739 : memref<100x128xf32, #tpu.memory_space<vmem>>) offsets(%dma_start3A_742 : memref<100xi32, #tpu.memory_space<vmem>>) semaphore(%arg12 : memref<!tpu.dma_semaphore, #tpu.memory_space<semaphore_mem>>)
      %dma_start3A_746 = arith.constant 9 : i32
      %dma_start3A_747 = arith.constant 1 : i32
      %dma_start3A_748 = arith.constant 0 : i32
      %dma_start3A_749 = arith.constant 0 : i32
      %dma_start3A_750 = tpu.memref_slice %arg9[%dma_start3A_747, %dma_start3A_748, %dma_start3A_749] : memref<2x100x128xf32, #tpu.memory_space<vmem>> -> memref<1x100x128xf32, #tpu.memory_space<vmem>>
      %dma_start3A_751 = tpu.memref_squeeze %dma_start3A_750 : memref<1x100x128xf32, #tpu.memory_space<vmem>> -> memref<100x128xf32, #tpu.memory_space<vmem>>
      %dma_start3A_752 = arith.constant 0 : i32
      %dma_start3A_753 = tpu.memref_slice %arg6[%dma_start3A_746, %dma_start3A_752] : memref<10x100xi32, #tpu.memory_space<vmem>> -> memref<1x100xi32, #tpu.memory_space<vmem>>
      %dma_start3A_754 = tpu.memref_squeeze %dma_start3A_753 : memref<1x100xi32, #tpu.memory_space<vmem>> -> memref<100xi32, #tpu.memory_space<vmem>>
      %dma_start3A_755 = arith.constant 0 : i32
      %dma_start3A_756 = arith.constant 0 : i32
      %dma_start3A_757 = tpu.memref_slice %arg2[%dma_start3A_755, %dma_start3A_756] : memref<10000x128xf32, #tpu.memory_space<hbm>> -> memref<10000x128xf32, #tpu.memory_space<hbm>>
      tpu.enqueue_indirect_dma source(%dma_start3A_757 : memref<10000x128xf32, #tpu.memory_space<hbm>>) target(%dma_start3A_751 : memref<100x128xf32, #tpu.memory_space<vmem>>) offsets(%dma_start3A_754 : memref<100xi32, #tpu.memory_space<vmem>>) semaphore(%arg14 : memref<!tpu.dma_semaphore, #tpu.memory_space<semaphore_mem>>)
      %dma_wait3A_758 = arith.constant 8 : i32
      %dma_wait3A_759 = arith.constant 0 : i32
      %dma_wait3A_760 = arith.constant 0 : i32
      %dma_wait3A_761 = arith.constant 0 : i32
      %dma_wait3A_762 = tpu.memref_slice %arg8[%dma_wait3A_759, %dma_wait3A_760, %dma_wait3A_761] : memref<2x100x128xf32, #tpu.memory_space<vmem>> -> memref<1x100x128xf32, #tpu.memory_space<vmem>>
      %dma_wait3A_763 = tpu.memref_squeeze %dma_wait3A_762 : memref<1x100x128xf32, #tpu.memory_space<vmem>> -> memref<100x128xf32, #tpu.memory_space<vmem>>
      %dma_wait3A_764 = arith.constant 0 : i32
      %dma_wait3A_765 = tpu.memref_slice %arg7[%dma_wait3A_758, %dma_wait3A_764] : memref<10x100xi32, #tpu.memory_space<vmem>> -> memref<1x100xi32, #tpu.memory_space<vmem>>
      %dma_wait3A_766 = tpu.memref_squeeze %dma_wait3A_765 : memref<1x100xi32, #tpu.memory_space<vmem>> -> memref<100xi32, #tpu.memory_space<vmem>>
      %dma_wait3A_767 = arith.constant 0 : i32
      %dma_wait3A_768 = arith.constant 0 : i32
      %dma_wait3A_769 = tpu.memref_slice %arg2[%dma_wait3A_767, %dma_wait3A_768] : memref<10000x128xf32, #tpu.memory_space<hbm>> -> memref<10000x128xf32, #tpu.memory_space<hbm>>
      tpu.wait_indirect_dma semaphore(%arg11 : memref<!tpu.dma_semaphore, #tpu.memory_space<semaphore_mem>>) src(%dma_wait3A_769 : memref<10000x128xf32, #tpu.memory_space<hbm>>) dst(%dma_wait3A_763 : memref<100x128xf32, #tpu.memory_space<vmem>>)
      %dma_wait3A_770 = arith.constant 8 : i32
      %dma_wait3A_771 = arith.constant 0 : i32
      %dma_wait3A_772 = arith.constant 0 : i32
      %dma_wait3A_773 = arith.constant 0 : i32
      %dma_wait3A_774 = tpu.memref_slice %arg9[%dma_wait3A_771, %dma_wait3A_772, %dma_wait3A_773] : memref<2x100x128xf32, #tpu.memory_space<vmem>> -> memref<1x100x128xf32, #tpu.memory_space<vmem>>
      %dma_wait3A_775 = tpu.memref_squeeze %dma_wait3A_774 : memref<1x100x128xf32, #tpu.memory_space<vmem>> -> memref<100x128xf32, #tpu.memory_space<vmem>>
      %dma_wait3A_776 = arith.constant 0 : i32
      %dma_wait3A_777 = tpu.memref_slice %arg6[%dma_wait3A_770, %dma_wait3A_776] : memref<10x100xi32, #tpu.memory_space<vmem>> -> memref<1x100xi32, #tpu.memory_space<vmem>>
      %dma_wait3A_778 = tpu.memref_squeeze %dma_wait3A_777 : memref<1x100xi32, #tpu.memory_space<vmem>> -> memref<100xi32, #tpu.memory_space<vmem>>
      %dma_wait3A_779 = arith.constant 0 : i32
      %dma_wait3A_780 = arith.constant 0 : i32
      %dma_wait3A_781 = tpu.memref_slice %arg2[%dma_wait3A_779, %dma_wait3A_780] : memref<10000x128xf32, #tpu.memory_space<hbm>> -> memref<10000x128xf32, #tpu.memory_space<hbm>>
      tpu.wait_indirect_dma semaphore(%arg13 : memref<!tpu.dma_semaphore, #tpu.memory_space<semaphore_mem>>) src(%dma_wait3A_781 : memref<10000x128xf32, #tpu.memory_space<hbm>>) dst(%dma_wait3A_775 : memref<100x128xf32, #tpu.memory_space<vmem>>)
      %dma_wait3A_782 = arith.constant 0 : i32
      %dma_wait3A_783 = arith.constant 0 : i32
      %dma_wait3A_784 = arith.constant 0 : i32
      %dma_wait3A_785 = tpu.memref_slice %arg10[%dma_wait3A_782, %dma_wait3A_783, %dma_wait3A_784] : memref<2x100x64xf32, #tpu.memory_space<vmem>> -> memref<1x100x64xf32, #tpu.memory_space<vmem>>
      %dma_wait3A_786 = tpu.memref_squeeze %dma_wait3A_785 : memref<1x100x64xf32, #tpu.memory_space<vmem>> -> memref<100x64xf32, #tpu.memory_space<vmem>>
      %dma_wait3A_787 = arith.constant 0 : i32
      %dma_wait3A_788 = arith.constant 0 : i32
      %dma_wait3A_789 = tpu.memref_slice %arg5[%add3A_624, %dma_wait3A_787, %dma_wait3A_788] : memref<1600x100x64xf32, #tpu.memory_space<hbm>> -> memref<1x100x64xf32, #tpu.memory_space<hbm>>
      %dma_wait3A_790 = tpu.memref_squeeze %dma_wait3A_789 : memref<1x100x64xf32, #tpu.memory_space<hbm>> -> memref<100x64xf32, #tpu.memory_space<hbm>>
      %dma_wait3A_791 = arith.constant 0 : i32
      %dma_wait3A_792 = arith.constant 0 : i32
      %dma_wait3A_793 = tpu.memref_slice %arg5[%add3A_624, %dma_wait3A_791, %dma_wait3A_792] : memref<1600x100x64xf32, #tpu.memory_space<hbm>> -> memref<1x100x64xf32, #tpu.memory_space<hbm>>
      %dma_wait3A_794 = tpu.memref_squeeze %dma_wait3A_793 : memref<1x100x64xf32, #tpu.memory_space<hbm>> -> memref<100x64xf32, #tpu.memory_space<hbm>>
      %dma_wait3A_795 = arith.constant 0 : i32
      %dma_wait3A_796 = arith.constant 0 : i32
      %dma_wait3A_797 = tpu.memref_slice %arg10[%dma_wait3A_782, %dma_wait3A_795, %dma_wait3A_796] : memref<2x100x64xf32, #tpu.memory_space<vmem>> -> memref<1x100x64xf32, #tpu.memory_space<vmem>>
      %dma_wait3A_798 = tpu.memref_squeeze %dma_wait3A_797 : memref<1x100x64xf32, #tpu.memory_space<vmem>> -> memref<100x64xf32, #tpu.memory_space<vmem>>
      tpu.wait_dma2 semaphore(%arg15 : memref<!tpu.dma_semaphore, #tpu.memory_space<semaphore_mem>>) src(%dma_wait3A_798 : memref<100x64xf32, #tpu.memory_space<vmem>>) dst(%dma_wait3A_794 : memref<100x64xf32, #tpu.memory_space<hbm>>)
      %scan3A_799 = arith.constant 0 : i32
      %scan3A_800 = arith.constant 0 : i32
      %scan3A_801 = arith.constant 100 : i32
      %scan3A_802 = arith.addi %scan3A_800, %scan3A_801 : i32
      %scan3A_803 = arith.constant 1 : i32
      scf.for %scan3A_928 = %scan3A_800 to %scan3A_802 step %scan3A_803  : i32 {
        %get3A = arith.constant 0 : i32
        %get3A_929 = arith.index_cast %get3A : i32 to index
        %get3A_930 = arith.index_cast %scan3A_928 : i32 to index
        %get3A_931 = arith.constant 0 : index
        %get3A_932 = tpu.vector_load %arg8[%get3A_929, %get3A_930, %get3A_931] {strides = array<i32>} : memref<2x100x128xf32, #tpu.memory_space<vmem>>, vector<1x1x16xf32>,
        %get3A_933 = vector.shape_cast %get3A_932 : vector<1x1x16xf32> to vector<16xf32>
        %get3A_934 = arith.constant 0 : i32
        %get3A_935 = arith.index_cast %get3A_934 : i32 to index
        %get3A_936 = arith.index_cast %scan3A_928 : i32 to index
        %get3A_937 = arith.constant 64 : index
        %get3A_938 = tpu.vector_load %arg9[%get3A_935, %get3A_936, %get3A_937] {strides = array<i32>} : memref<2x100x128xf32, #tpu.memory_space<vmem>>, vector<1x1x16xf32>,
        %get3A_939 = vector.shape_cast %get3A_938 : vector<1x1x16xf32> to vector<16xf32>
        %add3A_940 = arith.addf %get3A_933, %get3A_939 : vector<16xf32>
        %swap3A = arith.constant 0 : i32
        %swap3A_941 = arith.index_cast %swap3A : i32 to index
        %swap3A_942 = arith.index_cast %scan3A_928 : i32 to index
        %swap3A_943 = arith.constant 0 : index
        %swap3A_944 = tpu.vector_load %arg10[%swap3A_941, %swap3A_942, %swap3A_943] {strides = array<i32>} : memref<2x100x64xf32, #tpu.memory_space<vmem>>, vector<1x1x16xf32>,
        %swap3A_945 = vector.shape_cast %swap3A_944 : vector<1x1x16xf32> to vector<16xf32>
        %swap3A_946 = vector.shape_cast %add3A_940 : vector<16xf32> to vector<1x1x16xf32>
        tpu.vector_store %arg10[%swap3A_941, %swap3A_942, %swap3A_943], %swap3A_946 {strides = array<i32>} : memref<2x100x64xf32, #tpu.memory_space<vmem>>, vector<1x1x16xf32>,
        %get3A_947 = arith.constant 0 : i32
        %get3A_948 = arith.index_cast %get3A_947 : i32 to index
        %get3A_949 = arith.index_cast %scan3A_928 : i32 to index
        %get3A_950 = arith.constant 16 : index
        %get3A_951 = tpu.vector_load %arg8[%get3A_948, %get3A_949, %get3A_950] {strides = array<i32>} : memref<2x100x128xf32, #tpu.memory_space<vmem>>, vector<1x1x16xf32>,
        %get3A_952 = vector.shape_cast %get3A_951 : vector<1x1x16xf32> to vector<16xf32>
        %get3A_953 = arith.constant 0 : i32
        %get3A_954 = arith.index_cast %get3A_953 : i32 to index
        %get3A_955 = arith.index_cast %scan3A_928 : i32 to index
        %get3A_956 = arith.constant 80 : index
        %get3A_957 = tpu.vector_load %arg9[%get3A_954, %get3A_955, %get3A_956] {strides = array<i32>} : memref<2x100x128xf32, #tpu.memory_space<vmem>>, vector<1x1x16xf32>,
        %get3A_958 = vector.shape_cast %get3A_957 : vector<1x1x16xf32> to vector<16xf32>
        %add3A_959 = arith.addf %get3A_952, %get3A_958 : vector<16xf32>
        %swap3A_960 = arith.constant 0 : i32
        %swap3A_961 = arith.index_cast %swap3A_960 : i32 to index
        %swap3A_962 = arith.index_cast %scan3A_928 : i32 to index
        %swap3A_963 = arith.constant 16 : index
        %swap3A_964 = tpu.vector_load %arg10[%swap3A_961, %swap3A_962, %swap3A_963] {strides = array<i32>} : memref<2x100x64xf32, #tpu.memory_space<vmem>>, vector<1x1x16xf32>,
        %swap3A_965 = vector.shape_cast %swap3A_964 : vector<1x1x16xf32> to vector<16xf32>
        %swap3A_966 = vector.shape_cast %add3A_959 : vector<16xf32> to vector<1x1x16xf32>
        tpu.vector_store %arg10[%swap3A_961, %swap3A_962, %swap3A_963], %swap3A_966 {strides = array<i32>} : memref<2x100x64xf32, #tpu.memory_space<vmem>>, vector<1x1x16xf32>,
        %get3A_967 = arith.constant 0 : i32
        %get3A_968 = arith.index_cast %get3A_967 : i32 to index
        %get3A_969 = arith.index_cast %scan3A_928 : i32 to index
        %get3A_970 = arith.constant 32 : index
        %get3A_971 = tpu.vector_load %arg8[%get3A_968, %get3A_969, %get3A_970] {strides = array<i32>} : memref<2x100x128xf32, #tpu.memory_space<vmem>>, vector<1x1x16xf32>,
        %get3A_972 = vector.shape_cast %get3A_971 : vector<1x1x16xf32> to vector<16xf32>
        %get3A_973 = arith.constant 0 : i32
        %get3A_974 = arith.index_cast %get3A_973 : i32 to index
        %get3A_975 = arith.index_cast %scan3A_928 : i32 to index
        %get3A_976 = arith.constant 96 : index
        %get3A_977 = tpu.vector_load %arg9[%get3A_974, %get3A_975, %get3A_976] {strides = array<i32>} : memref<2x100x128xf32, #tpu.memory_space<vmem>>, vector<1x1x16xf32>,
        %get3A_978 = vector.shape_cast %get3A_977 : vector<1x1x16xf32> to vector<16xf32>
        %add3A_979 = arith.addf %get3A_972, %get3A_978 : vector<16xf32>
        %swap3A_980 = arith.constant 0 : i32
        %swap3A_981 = arith.index_cast %swap3A_980 : i32 to index
        %swap3A_982 = arith.index_cast %scan3A_928 : i32 to index
        %swap3A_983 = arith.constant 32 : index
        %swap3A_984 = tpu.vector_load %arg10[%swap3A_981, %swap3A_982, %swap3A_983] {strides = array<i32>} : memref<2x100x64xf32, #tpu.memory_space<vmem>>, vector<1x1x16xf32>,
        %swap3A_985 = vector.shape_cast %swap3A_984 : vector<1x1x16xf32> to vector<16xf32>
        %swap3A_986 = vector.shape_cast %add3A_979 : vector<16xf32> to vector<1x1x16xf32>
        tpu.vector_store %arg10[%swap3A_981, %swap3A_982, %swap3A_983], %swap3A_986 {strides = array<i32>} : memref<2x100x64xf32, #tpu.memory_space<vmem>>, vector<1x1x16xf32>,
        %get3A_987 = arith.constant 0 : i32
        %get3A_988 = arith.index_cast %get3A_987 : i32 to index
        %get3A_989 = arith.index_cast %scan3A_928 : i32 to index
        %get3A_990 = arith.constant 48 : index
        %get3A_991 = tpu.vector_load %arg8[%get3A_988, %get3A_989, %get3A_990] {strides = array<i32>} : memref<2x100x128xf32, #tpu.memory_space<vmem>>, vector<1x1x16xf32>,
        %get3A_992 = vector.shape_cast %get3A_991 : vector<1x1x16xf32> to vector<16xf32>
        %get3A_993 = arith.constant 0 : i32
        %get3A_994 = arith.index_cast %get3A_993 : i32 to index
        %get3A_995 = arith.index_cast %scan3A_928 : i32 to index
        %get3A_996 = arith.constant 112 : index
        %get3A_997 = tpu.vector_load %arg9[%get3A_994, %get3A_995, %get3A_996] {strides = array<i32>} : memref<2x100x128xf32, #tpu.memory_space<vmem>>, vector<1x1x16xf32>,
        %get3A_998 = vector.shape_cast %get3A_997 : vector<1x1x16xf32> to vector<16xf32>
        %add3A_999 = arith.addf %get3A_992, %get3A_998 : vector<16xf32>
        %swap3A_1000 = arith.constant 0 : i32
        %swap3A_1001 = arith.index_cast %swap3A_1000 : i32 to index
        %swap3A_1002 = arith.index_cast %scan3A_928 : i32 to index
        %swap3A_1003 = arith.constant 48 : index
        %swap3A_1004 = tpu.vector_load %arg10[%swap3A_1001, %swap3A_1002, %swap3A_1003] {strides = array<i32>} : memref<2x100x64xf32, #tpu.memory_space<vmem>>, vector<1x1x16xf32>,
        %swap3A_1005 = vector.shape_cast %swap3A_1004 : vector<1x1x16xf32> to vector<16xf32>
        %swap3A_1006 = vector.shape_cast %add3A_999 : vector<16xf32> to vector<1x1x16xf32>
        tpu.vector_store %arg10[%swap3A_1001, %swap3A_1002, %swap3A_1003], %swap3A_1006 {strides = array<i32>} : memref<2x100x64xf32, #tpu.memory_space<vmem>>, vector<1x1x16xf32>,
      }
      %scan3A_804 = arith.constant 100 : i32
      %mul3A_805 = arith.constant 10 : i32
      %mul3A_806 = arith.muli %add3A_9, %mul3A_805 : i32
      %add3A_807 = arith.constant 8 : i32
      %add3A_808 = arith.addi %mul3A_806, %add3A_807 : i32
      %dma_start3A_809 = arith.constant 0 : i32
      %dma_start3A_810 = arith.constant 0 : i32
      %dma_start3A_811 = arith.constant 0 : i32
      %dma_start3A_812 = tpu.memref_slice %arg10[%dma_start3A_809, %dma_start3A_810, %dma_start3A_811] : memref<2x100x64xf32, #tpu.memory_space<vmem>> -> memref<1x100x64xf32, #tpu.memory_space<vmem>>
      %dma_start3A_813 = tpu.memref_squeeze %dma_start3A_812 : memref<1x100x64xf32, #tpu.memory_space<vmem>> -> memref<100x64xf32, #tpu.memory_space<vmem>>
      %dma_start3A_814 = arith.constant 0 : i32
      %dma_start3A_815 = arith.constant 0 : i32
      %dma_start3A_816 = tpu.memref_slice %arg5[%add3A_808, %dma_start3A_814, %dma_start3A_815] : memref<1600x100x64xf32, #tpu.memory_space<hbm>> -> memref<1x100x64xf32, #tpu.memory_space<hbm>>
      %dma_start3A_817 = tpu.memref_squeeze %dma_start3A_816 : memref<1x100x64xf32, #tpu.memory_space<hbm>> -> memref<100x64xf32, #tpu.memory_space<hbm>>
      %dma_start3A_818 = arith.constant 0 : i32
      %dma_start3A_819 = arith.constant 0 : i32
      %dma_start3A_820 = tpu.memref_slice %arg5[%add3A_808, %dma_start3A_818, %dma_start3A_819] : memref<1600x100x64xf32, #tpu.memory_space<hbm>> -> memref<1x100x64xf32, #tpu.memory_space<hbm>>
      %dma_start3A_821 = tpu.memref_squeeze %dma_start3A_820 : memref<1x100x64xf32, #tpu.memory_space<hbm>> -> memref<100x64xf32, #tpu.memory_space<hbm>>
      %dma_start3A_822 = arith.constant 0 : i32
      %dma_start3A_823 = arith.constant 0 : i32
      %dma_start3A_824 = tpu.memref_slice %arg10[%dma_start3A_809, %dma_start3A_822, %dma_start3A_823] : memref<2x100x64xf32, #tpu.memory_space<vmem>> -> memref<1x100x64xf32, #tpu.memory_space<vmem>>
      %dma_start3A_825 = tpu.memref_squeeze %dma_start3A_824 : memref<1x100x64xf32, #tpu.memory_space<vmem>> -> memref<100x64xf32, #tpu.memory_space<vmem>>
      tpu.enqueue_dma source(%dma_start3A_825 : memref<100x64xf32, #tpu.memory_space<vmem>>) target(%dma_start3A_821 : memref<100x64xf32, #tpu.memory_space<hbm>>) target_semaphore(%arg15 : memref<!tpu.dma_semaphore, #tpu.memory_space<semaphore_mem>>)
      %dma_wait3A_826 = arith.constant 9 : i32
      %dma_wait3A_827 = arith.constant 1 : i32
      %dma_wait3A_828 = arith.constant 0 : i32
      %dma_wait3A_829 = arith.constant 0 : i32
      %dma_wait3A_830 = tpu.memref_slice %arg8[%dma_wait3A_827, %dma_wait3A_828, %dma_wait3A_829] : memref<2x100x128xf32, #tpu.memory_space<vmem>> -> memref<1x100x128xf32, #tpu.memory_space<vmem>>
      %dma_wait3A_831 = tpu.memref_squeeze %dma_wait3A_830 : memref<1x100x128xf32, #tpu.memory_space<vmem>> -> memref<100x128xf32, #tpu.memory_space<vmem>>
      %dma_wait3A_832 = arith.constant 0 : i32
      %dma_wait3A_833 = tpu.memref_slice %arg7[%dma_wait3A_826, %dma_wait3A_832] : memref<10x100xi32, #tpu.memory_space<vmem>> -> memref<1x100xi32, #tpu.memory_space<vmem>>
      %dma_wait3A_834 = tpu.memref_squeeze %dma_wait3A_833 : memref<1x100xi32, #tpu.memory_space<vmem>> -> memref<100xi32, #tpu.memory_space<vmem>>
      %dma_wait3A_835 = arith.constant 0 : i32
      %dma_wait3A_836 = arith.constant 0 : i32
      %dma_wait3A_837 = tpu.memref_slice %arg2[%dma_wait3A_835, %dma_wait3A_836] : memref<10000x128xf32, #tpu.memory_space<hbm>> -> memref<10000x128xf32, #tpu.memory_space<hbm>>
      tpu.wait_indirect_dma semaphore(%arg12 : memref<!tpu.dma_semaphore, #tpu.memory_space<semaphore_mem>>) src(%dma_wait3A_837 : memref<10000x128xf32, #tpu.memory_space<hbm>>) dst(%dma_wait3A_831 : memref<100x128xf32, #tpu.memory_space<vmem>>)
      %dma_wait3A_838 = arith.constant 9 : i32
      %dma_wait3A_839 = arith.constant 1 : i32
      %dma_wait3A_840 = arith.constant 0 : i32
      %dma_wait3A_841 = arith.constant 0 : i32
      %dma_wait3A_842 = tpu.memref_slice %arg9[%dma_wait3A_839, %dma_wait3A_840, %dma_wait3A_841] : memref<2x100x128xf32, #tpu.memory_space<vmem>> -> memref<1x100x128xf32, #tpu.memory_space<vmem>>
      %dma_wait3A_843 = tpu.memref_squeeze %dma_wait3A_842 : memref<1x100x128xf32, #tpu.memory_space<vmem>> -> memref<100x128xf32, #tpu.memory_space<vmem>>
      %dma_wait3A_844 = arith.constant 0 : i32
      %dma_wait3A_845 = tpu.memref_slice %arg6[%dma_wait3A_838, %dma_wait3A_844] : memref<10x100xi32, #tpu.memory_space<vmem>> -> memref<1x100xi32, #tpu.memory_space<vmem>>
      %dma_wait3A_846 = tpu.memref_squeeze %dma_wait3A_845 : memref<1x100xi32, #tpu.memory_space<vmem>> -> memref<100xi32, #tpu.memory_space<vmem>>
      %dma_wait3A_847 = arith.constant 0 : i32
      %dma_wait3A_848 = arith.constant 0 : i32
      %dma_wait3A_849 = tpu.memref_slice %arg2[%dma_wait3A_847, %dma_wait3A_848] : memref<10000x128xf32, #tpu.memory_space<hbm>> -> memref<10000x128xf32, #tpu.memory_space<hbm>>
      tpu.wait_indirect_dma semaphore(%arg14 : memref<!tpu.dma_semaphore, #tpu.memory_space<semaphore_mem>>) src(%dma_wait3A_849 : memref<10000x128xf32, #tpu.memory_space<hbm>>) dst(%dma_wait3A_843 : memref<100x128xf32, #tpu.memory_space<vmem>>)
      %dma_wait3A_850 = arith.constant 1 : i32
      %dma_wait3A_851 = arith.constant 0 : i32
      %dma_wait3A_852 = arith.constant 0 : i32
      %dma_wait3A_853 = tpu.memref_slice %arg10[%dma_wait3A_850, %dma_wait3A_851, %dma_wait3A_852] : memref<2x100x64xf32, #tpu.memory_space<vmem>> -> memref<1x100x64xf32, #tpu.memory_space<vmem>>
      %dma_wait3A_854 = tpu.memref_squeeze %dma_wait3A_853 : memref<1x100x64xf32, #tpu.memory_space<vmem>> -> memref<100x64xf32, #tpu.memory_space<vmem>>
      %dma_wait3A_855 = arith.constant 0 : i32
      %dma_wait3A_856 = arith.constant 0 : i32
      %dma_wait3A_857 = tpu.memref_slice %arg5[%add3A_716, %dma_wait3A_855, %dma_wait3A_856] : memref<1600x100x64xf32, #tpu.memory_space<hbm>> -> memref<1x100x64xf32, #tpu.memory_space<hbm>>
      %dma_wait3A_858 = tpu.memref_squeeze %dma_wait3A_857 : memref<1x100x64xf32, #tpu.memory_space<hbm>> -> memref<100x64xf32, #tpu.memory_space<hbm>>
      %dma_wait3A_859 = arith.constant 0 : i32
      %dma_wait3A_860 = arith.constant 0 : i32
      %dma_wait3A_861 = tpu.memref_slice %arg5[%add3A_716, %dma_wait3A_859, %dma_wait3A_860] : memref<1600x100x64xf32, #tpu.memory_space<hbm>> -> memref<1x100x64xf32, #tpu.memory_space<hbm>>
      %dma_wait3A_862 = tpu.memref_squeeze %dma_wait3A_861 : memref<1x100x64xf32, #tpu.memory_space<hbm>> -> memref<100x64xf32, #tpu.memory_space<hbm>>
      %dma_wait3A_863 = arith.constant 0 : i32
      %dma_wait3A_864 = arith.constant 0 : i32
      %dma_wait3A_865 = tpu.memref_slice %arg10[%dma_wait3A_850, %dma_wait3A_863, %dma_wait3A_864] : memref<2x100x64xf32, #tpu.memory_space<vmem>> -> memref<1x100x64xf32, #tpu.memory_space<vmem>>
      %dma_wait3A_866 = tpu.memref_squeeze %dma_wait3A_865 : memref<1x100x64xf32, #tpu.memory_space<vmem>> -> memref<100x64xf32, #tpu.memory_space<vmem>>
      tpu.wait_dma2 semaphore(%arg16 : memref<!tpu.dma_semaphore, #tpu.memory_space<semaphore_mem>>) src(%dma_wait3A_866 : memref<100x64xf32, #tpu.memory_space<vmem>>) dst(%dma_wait3A_862 : memref<100x64xf32, #tpu.memory_space<hbm>>)
      %scan3A_867 = arith.constant 0 : i32
      %scan3A_868 = arith.constant 0 : i32
      %scan3A_869 = arith.constant 100 : i32
      %scan3A_870 = arith.addi %scan3A_868, %scan3A_869 : i32
      %scan3A_871 = arith.constant 1 : i32
      scf.for %scan3A_928 = %scan3A_868 to %scan3A_870 step %scan3A_871  : i32 {
        %get3A = arith.constant 1 : i32
        %get3A_929 = arith.index_cast %get3A : i32 to index
        %get3A_930 = arith.index_cast %scan3A_928 : i32 to index
        %get3A_931 = arith.constant 0 : index
        %get3A_932 = tpu.vector_load %arg8[%get3A_929, %get3A_930, %get3A_931] {strides = array<i32>} : memref<2x100x128xf32, #tpu.memory_space<vmem>>, vector<1x1x16xf32>,
        %get3A_933 = vector.shape_cast %get3A_932 : vector<1x1x16xf32> to vector<16xf32>
        %get3A_934 = arith.constant 1 : i32
        %get3A_935 = arith.index_cast %get3A_934 : i32 to index
        %get3A_936 = arith.index_cast %scan3A_928 : i32 to index
        %get3A_937 = arith.constant 64 : index
        %get3A_938 = tpu.vector_load %arg9[%get3A_935, %get3A_936, %get3A_937] {strides = array<i32>} : memref<2x100x128xf32, #tpu.memory_space<vmem>>, vector<1x1x16xf32>,
        %get3A_939 = vector.shape_cast %get3A_938 : vector<1x1x16xf32> to vector<16xf32>
        %add3A_940 = arith.addf %get3A_933, %get3A_939 : vector<16xf32>
        %swap3A = arith.constant 1 : i32
        %swap3A_941 = arith.index_cast %swap3A : i32 to index
        %swap3A_942 = arith.index_cast %scan3A_928 : i32 to index
        %swap3A_943 = arith.constant 0 : index
        %swap3A_944 = tpu.vector_load %arg10[%swap3A_941, %swap3A_942, %swap3A_943] {strides = array<i32>} : memref<2x100x64xf32, #tpu.memory_space<vmem>>, vector<1x1x16xf32>,
        %swap3A_945 = vector.shape_cast %swap3A_944 : vector<1x1x16xf32> to vector<16xf32>
        %swap3A_946 = vector.shape_cast %add3A_940 : vector<16xf32> to vector<1x1x16xf32>
        tpu.vector_store %arg10[%swap3A_941, %swap3A_942, %swap3A_943], %swap3A_946 {strides = array<i32>} : memref<2x100x64xf32, #tpu.memory_space<vmem>>, vector<1x1x16xf32>,
        %get3A_947 = arith.constant 1 : i32
        %get3A_948 = arith.index_cast %get3A_947 : i32 to index
        %get3A_949 = arith.index_cast %scan3A_928 : i32 to index
        %get3A_950 = arith.constant 16 : index
        %get3A_951 = tpu.vector_load %arg8[%get3A_948, %get3A_949, %get3A_950] {strides = array<i32>} : memref<2x100x128xf32, #tpu.memory_space<vmem>>, vector<1x1x16xf32>,
        %get3A_952 = vector.shape_cast %get3A_951 : vector<1x1x16xf32> to vector<16xf32>
        %get3A_953 = arith.constant 1 : i32
        %get3A_954 = arith.index_cast %get3A_953 : i32 to index
        %get3A_955 = arith.index_cast %scan3A_928 : i32 to index
        %get3A_956 = arith.constant 80 : index
        %get3A_957 = tpu.vector_load %arg9[%get3A_954, %get3A_955, %get3A_956] {strides = array<i32>} : memref<2x100x128xf32, #tpu.memory_space<vmem>>, vector<1x1x16xf32>,
        %get3A_958 = vector.shape_cast %get3A_957 : vector<1x1x16xf32> to vector<16xf32>
        %add3A_959 = arith.addf %get3A_952, %get3A_958 : vector<16xf32>
        %swap3A_960 = arith.constant 1 : i32
        %swap3A_961 = arith.index_cast %swap3A_960 : i32 to index
        %swap3A_962 = arith.index_cast %scan3A_928 : i32 to index
        %swap3A_963 = arith.constant 16 : index
        %swap3A_964 = tpu.vector_load %arg10[%swap3A_961, %swap3A_962, %swap3A_963] {strides = array<i32>} : memref<2x100x64xf32, #tpu.memory_space<vmem>>, vector<1x1x16xf32>,
        %swap3A_965 = vector.shape_cast %swap3A_964 : vector<1x1x16xf32> to vector<16xf32>
        %swap3A_966 = vector.shape_cast %add3A_959 : vector<16xf32> to vector<1x1x16xf32>
        tpu.vector_store %arg10[%swap3A_961, %swap3A_962, %swap3A_963], %swap3A_966 {strides = array<i32>} : memref<2x100x64xf32, #tpu.memory_space<vmem>>, vector<1x1x16xf32>,
        %get3A_967 = arith.constant 1 : i32
        %get3A_968 = arith.index_cast %get3A_967 : i32 to index
        %get3A_969 = arith.index_cast %scan3A_928 : i32 to index
        %get3A_970 = arith.constant 32 : index
        %get3A_971 = tpu.vector_load %arg8[%get3A_968, %get3A_969, %get3A_970] {strides = array<i32>} : memref<2x100x128xf32, #tpu.memory_space<vmem>>, vector<1x1x16xf32>,
        %get3A_972 = vector.shape_cast %get3A_971 : vector<1x1x16xf32> to vector<16xf32>
        %get3A_973 = arith.constant 1 : i32
        %get3A_974 = arith.index_cast %get3A_973 : i32 to index
        %get3A_975 = arith.index_cast %scan3A_928 : i32 to index
        %get3A_976 = arith.constant 96 : index
        %get3A_977 = tpu.vector_load %arg9[%get3A_974, %get3A_975, %get3A_976] {strides = array<i32>} : memref<2x100x128xf32, #tpu.memory_space<vmem>>, vector<1x1x16xf32>,
        %get3A_978 = vector.shape_cast %get3A_977 : vector<1x1x16xf32> to vector<16xf32>
        %add3A_979 = arith.addf %get3A_972, %get3A_978 : vector<16xf32>
        %swap3A_980 = arith.constant 1 : i32
        %swap3A_981 = arith.index_cast %swap3A_980 : i32 to index
        %swap3A_982 = arith.index_cast %scan3A_928 : i32 to index
        %swap3A_983 = arith.constant 32 : index
        %swap3A_984 = tpu.vector_load %arg10[%swap3A_981, %swap3A_982, %swap3A_983] {strides = array<i32>} : memref<2x100x64xf32, #tpu.memory_space<vmem>>, vector<1x1x16xf32>,
        %swap3A_985 = vector.shape_cast %swap3A_984 : vector<1x1x16xf32> to vector<16xf32>
        %swap3A_986 = vector.shape_cast %add3A_979 : vector<16xf32> to vector<1x1x16xf32>
        tpu.vector_store %arg10[%swap3A_981, %swap3A_982, %swap3A_983], %swap3A_986 {strides = array<i32>} : memref<2x100x64xf32, #tpu.memory_space<vmem>>, vector<1x1x16xf32>,
        %get3A_987 = arith.constant 1 : i32
        %get3A_988 = arith.index_cast %get3A_987 : i32 to index
        %get3A_989 = arith.index_cast %scan3A_928 : i32 to index
        %get3A_990 = arith.constant 48 : index
        %get3A_991 = tpu.vector_load %arg8[%get3A_988, %get3A_989, %get3A_990] {strides = array<i32>} : memref<2x100x128xf32, #tpu.memory_space<vmem>>, vector<1x1x16xf32>,
        %get3A_992 = vector.shape_cast %get3A_991 : vector<1x1x16xf32> to vector<16xf32>
        %get3A_993 = arith.constant 1 : i32
        %get3A_994 = arith.index_cast %get3A_993 : i32 to index
        %get3A_995 = arith.index_cast %scan3A_928 : i32 to index
        %get3A_996 = arith.constant 112 : index
        %get3A_997 = tpu.vector_load %arg9[%get3A_994, %get3A_995, %get3A_996] {strides = array<i32>} : memref<2x100x128xf32, #tpu.memory_space<vmem>>, vector<1x1x16xf32>,
        %get3A_998 = vector.shape_cast %get3A_997 : vector<1x1x16xf32> to vector<16xf32>
        %add3A_999 = arith.addf %get3A_992, %get3A_998 : vector<16xf32>
        %swap3A_1000 = arith.constant 1 : i32
        %swap3A_1001 = arith.index_cast %swap3A_1000 : i32 to index
        %swap3A_1002 = arith.index_cast %scan3A_928 : i32 to index
        %swap3A_1003 = arith.constant 48 : index
        %swap3A_1004 = tpu.vector_load %arg10[%swap3A_1001, %swap3A_1002, %swap3A_1003] {strides = array<i32>} : memref<2x100x64xf32, #tpu.memory_space<vmem>>, vector<1x1x16xf32>,
        %swap3A_1005 = vector.shape_cast %swap3A_1004 : vector<1x1x16xf32> to vector<16xf32>
        %swap3A_1006 = vector.shape_cast %add3A_999 : vector<16xf32> to vector<1x1x16xf32>
        tpu.vector_store %arg10[%swap3A_1001, %swap3A_1002, %swap3A_1003], %swap3A_1006 {strides = array<i32>} : memref<2x100x64xf32, #tpu.memory_space<vmem>>, vector<1x1x16xf32>,
      }
      %scan3A_872 = arith.constant 100 : i32
      %mul3A_873 = arith.constant 10 : i32
      %mul3A_874 = arith.muli %add3A_9, %mul3A_873 : i32
      %add3A_875 = arith.constant 9 : i32
      %add3A_876 = arith.addi %mul3A_874, %add3A_875 : i32
      %dma_start3A_877 = arith.constant 1 : i32
      %dma_start3A_878 = arith.constant 0 : i32
      %dma_start3A_879 = arith.constant 0 : i32
      %dma_start3A_880 = tpu.memref_slice %arg10[%dma_start3A_877, %dma_start3A_878, %dma_start3A_879] : memref<2x100x64xf32, #tpu.memory_space<vmem>> -> memref<1x100x64xf32, #tpu.memory_space<vmem>>
      %dma_start3A_881 = tpu.memref_squeeze %dma_start3A_880 : memref<1x100x64xf32, #tpu.memory_space<vmem>> -> memref<100x64xf32, #tpu.memory_space<vmem>>
      %dma_start3A_882 = arith.constant 0 : i32
      %dma_start3A_883 = arith.constant 0 : i32
      %dma_start3A_884 = tpu.memref_slice %arg5[%add3A_876, %dma_start3A_882, %dma_start3A_883] : memref<1600x100x64xf32, #tpu.memory_space<hbm>> -> memref<1x100x64xf32, #tpu.memory_space<hbm>>
      %dma_start3A_885 = tpu.memref_squeeze %dma_start3A_884 : memref<1x100x64xf32, #tpu.memory_space<hbm>> -> memref<100x64xf32, #tpu.memory_space<hbm>>
      %dma_start3A_886 = arith.constant 0 : i32
      %dma_start3A_887 = arith.constant 0 : i32
      %dma_start3A_888 = tpu.memref_slice %arg5[%add3A_876, %dma_start3A_886, %dma_start3A_887] : memref<1600x100x64xf32, #tpu.memory_space<hbm>> -> memref<1x100x64xf32, #tpu.memory_space<hbm>>
      %dma_start3A_889 = tpu.memref_squeeze %dma_start3A_888 : memref<1x100x64xf32, #tpu.memory_space<hbm>> -> memref<100x64xf32, #tpu.memory_space<hbm>>
      %dma_start3A_890 = arith.constant 0 : i32
      %dma_start3A_891 = arith.constant 0 : i32
      %dma_start3A_892 = tpu.memref_slice %arg10[%dma_start3A_877, %dma_start3A_890, %dma_start3A_891] : memref<2x100x64xf32, #tpu.memory_space<vmem>> -> memref<1x100x64xf32, #tpu.memory_space<vmem>>
      %dma_start3A_893 = tpu.memref_squeeze %dma_start3A_892 : memref<1x100x64xf32, #tpu.memory_space<vmem>> -> memref<100x64xf32, #tpu.memory_space<vmem>>
      tpu.enqueue_dma source(%dma_start3A_893 : memref<100x64xf32, #tpu.memory_space<vmem>>) target(%dma_start3A_889 : memref<100x64xf32, #tpu.memory_space<hbm>>) target_semaphore(%arg16 : memref<!tpu.dma_semaphore, #tpu.memory_space<semaphore_mem>>)
      %dma_wait3A_894 = arith.constant 0 : i32
      %dma_wait3A_895 = arith.constant 0 : i32
      %dma_wait3A_896 = arith.constant 0 : i32
      %dma_wait3A_897 = tpu.memref_slice %arg10[%dma_wait3A_894, %dma_wait3A_895, %dma_wait3A_896] : memref<2x100x64xf32, #tpu.memory_space<vmem>> -> memref<1x100x64xf32, #tpu.memory_space<vmem>>
      %dma_wait3A_898 = tpu.memref_squeeze %dma_wait3A_897 : memref<1x100x64xf32, #tpu.memory_space<vmem>> -> memref<100x64xf32, #tpu.memory_space<vmem>>
      %dma_wait3A_899 = arith.constant 0 : i32
      %dma_wait3A_900 = arith.constant 0 : i32
      %dma_wait3A_901 = tpu.memref_slice %arg5[%add3A_808, %dma_wait3A_899, %dma_wait3A_900] : memref<1600x100x64xf32, #tpu.memory_space<hbm>> -> memref<1x100x64xf32, #tpu.memory_space<hbm>>
      %dma_wait3A_902 = tpu.memref_squeeze %dma_wait3A_901 : memref<1x100x64xf32, #tpu.memory_space<hbm>> -> memref<100x64xf32, #tpu.memory_space<hbm>>
      %dma_wait3A_903 = arith.constant 0 : i32
      %dma_wait3A_904 = arith.constant 0 : i32
      %dma_wait3A_905 = tpu.memref_slice %arg5[%add3A_808, %dma_wait3A_903, %dma_wait3A_904] : memref<1600x100x64xf32, #tpu.memory_space<hbm>> -> memref<1x100x64xf32, #tpu.memory_space<hbm>>
      %dma_wait3A_906 = tpu.memref_squeeze %dma_wait3A_905 : memref<1x100x64xf32, #tpu.memory_space<hbm>> -> memref<100x64xf32, #tpu.memory_space<hbm>>
      %dma_wait3A_907 = arith.constant 0 : i32
      %dma_wait3A_908 = arith.constant 0 : i32
      %dma_wait3A_909 = tpu.memref_slice %arg10[%dma_wait3A_894, %dma_wait3A_907, %dma_wait3A_908] : memref<2x100x64xf32, #tpu.memory_space<vmem>> -> memref<1x100x64xf32, #tpu.memory_space<vmem>>
      %dma_wait3A_910 = tpu.memref_squeeze %dma_wait3A_909 : memref<1x100x64xf32, #tpu.memory_space<vmem>> -> memref<100x64xf32, #tpu.memory_space<vmem>>
      tpu.wait_dma2 semaphore(%arg15 : memref<!tpu.dma_semaphore, #tpu.memory_space<semaphore_mem>>) src(%dma_wait3A_910 : memref<100x64xf32, #tpu.memory_space<vmem>>) dst(%dma_wait3A_906 : memref<100x64xf32, #tpu.memory_space<hbm>>)
      %dma_wait3A_911 = arith.constant 1 : i32
      %dma_wait3A_912 = arith.constant 0 : i32
      %dma_wait3A_913 = arith.constant 0 : i32
      %dma_wait3A_914 = tpu.memref_slice %arg10[%dma_wait3A_911, %dma_wait3A_912, %dma_wait3A_913] : memref<2x100x64xf32, #tpu.memory_space<vmem>> -> memref<1x100x64xf32, #tpu.memory_space<vmem>>
      %dma_wait3A_915 = tpu.memref_squeeze %dma_wait3A_914 : memref<1x100x64xf32, #tpu.memory_space<vmem>> -> memref<100x64xf32, #tpu.memory_space<vmem>>
      %dma_wait3A_916 = arith.constant 0 : i32
      %dma_wait3A_917 = arith.constant 0 : i32
      %dma_wait3A_918 = tpu.memref_slice %arg5[%add3A_876, %dma_wait3A_916, %dma_wait3A_917] : memref<1600x100x64xf32, #tpu.memory_space<hbm>> -> memref<1x100x64xf32, #tpu.memory_space<hbm>>
      %dma_wait3A_919 = tpu.memref_squeeze %dma_wait3A_918 : memref<1x100x64xf32, #tpu.memory_space<hbm>> -> memref<100x64xf32, #tpu.memory_space<hbm>>
      %dma_wait3A_920 = arith.constant 0 : i32
      %dma_wait3A_921 = arith.constant 0 : i32
      %dma_wait3A_922 = tpu.memref_slice %arg5[%add3A_876, %dma_wait3A_920, %dma_wait3A_921] : memref<1600x100x64xf32, #tpu.memory_space<hbm>> -> memref<1x100x64xf32, #tpu.memory_space<hbm>>
      %dma_wait3A_923 = tpu.memref_squeeze %dma_wait3A_922 : memref<1x100x64xf32, #tpu.memory_space<hbm>> -> memref<100x64xf32, #tpu.memory_space<hbm>>
      %dma_wait3A_924 = arith.constant 0 : i32
      %dma_wait3A_925 = arith.constant 0 : i32
      %dma_wait3A_926 = tpu.memref_slice %arg10[%dma_wait3A_911, %dma_wait3A_924, %dma_wait3A_925] : memref<2x100x64xf32, #tpu.memory_space<vmem>> -> memref<1x100x64xf32, #tpu.memory_space<vmem>>
      %dma_wait3A_927 = tpu.memref_squeeze %dma_wait3A_926 : memref<1x100x64xf32, #tpu.memory_space<vmem>> -> memref<100x64xf32, #tpu.memory_space<vmem>>
      tpu.wait_dma2 semaphore(%arg16 : memref<!tpu.dma_semaphore, #tpu.memory_space<semaphore_mem>>) src(%dma_wait3A_927 : memref<100x64xf32, #tpu.memory_space<vmem>>) dst(%dma_wait3A_923 : memref<100x64xf32, #tpu.memory_space<hbm>>)
    }
    %scan3A_7 = arith.constant 5 : i32
    return
  }
}

#map = affine_map<(d0, d1) -> (0, 0, 0)>
#map1 = affine_map<(d0, d1) -> (0, 0)>
module attributes {stable_mosaic.version = 14 : i64} {
  func.func @_scatter_body(%arg0: i32, %arg1: i32, %arg2: memref<1600x100x128xf32, #tpu.memory_space<hbm>>, %arg3: memref<800x2x100xi32, #tpu.memory_space<hbm>>, %arg4: memref<10240x128xf32, #tpu.memory_space<hbm>>, %arg5: memref<20480x128xf32, #tpu.memory_space<hbm>>, %arg6: memref<2x100xi32, #tpu.memory_space<vmem>>, %arg7: memref<2x100x128xf32, #tpu.memory_space<vmem>>, %arg8: memref<10240x128xf32, #tpu.memory_space<vmem_shared>>, %arg9: memref<!tpu.dma_semaphore, #tpu.memory_space<semaphore_mem>>) attributes {dimension_semantics = [#tpu.dimension_semantics<core_parallel>, #tpu.dimension_semantics<subcore_parallel>], iteration_bounds = array<i64: 2, 16>, scalar_prefetch = 0 : i64, scratch_operands = 4 : i64, tpu.core_type = #tpu.core_type<sc_vector_subcore>, window_params = [{transform_indices = #map}, {transform_indices = #map}, {transform_indices = #map1}, {transform_indices = #map1}]} {
    %mul3A = arith.constant 2 : i32
    %mul3A_0 = arith.muli %arg1, %mul3A : i32
    %add3A = arith.addi %mul3A_0, %arg0 : i32
    %mul3A_1 = arith.constant 640 : i32
    %mul3A_2 = arith.muli %arg1, %mul3A_1 : i32
    "tpu.region"() ({
      %run_scoped3A = tpu.sem_alloc : memref<!tpu.dma_semaphore, #tpu.memory_space<semaphore_mem>>
      %dma_start3A = arith.constant 0 : i32
      %dma_start3A_14 = tpu.memref_slice %arg8[%mul3A_2, %dma_start3A] : memref<10240x128xf32, #tpu.memory_space<vmem_shared>> -> memref<640x128xf32, #tpu.memory_space<vmem_shared>>
      %dma_start3A_15 = arith.constant 0 : i32
      %dma_start3A_16 = tpu.memref_slice %arg4[%mul3A_2, %dma_start3A_15] : memref<10240x128xf32, #tpu.memory_space<hbm>> -> memref<640x128xf32, #tpu.memory_space<hbm>>
      tpu.enqueue_dma source(%dma_start3A_16 : memref<640x128xf32, #tpu.memory_space<hbm>>) target(%dma_start3A_14 : memref<640x128xf32, #tpu.memory_space<vmem_shared>>) target_semaphore(%run_scoped3A : memref<!tpu.dma_semaphore, #tpu.memory_space<semaphore_mem>>)
      %dma_wait3A = arith.constant 0 : i32
      %dma_wait3A_17 = tpu.memref_slice %arg8[%mul3A_2, %dma_wait3A] : memref<10240x128xf32, #tpu.memory_space<vmem_shared>> -> memref<640x128xf32, #tpu.memory_space<vmem_shared>>
      %dma_wait3A_18 = arith.constant 0 : i32
      %dma_wait3A_19 = tpu.memref_slice %arg4[%mul3A_2, %dma_wait3A_18] : memref<10240x128xf32, #tpu.memory_space<hbm>> -> memref<640x128xf32, #tpu.memory_space<hbm>>
      tpu.wait_dma2 semaphore(%run_scoped3A : memref<!tpu.dma_semaphore, #tpu.memory_space<semaphore_mem>>) src(%dma_wait3A_19 : memref<640x128xf32, #tpu.memory_space<hbm>>) dst(%dma_wait3A_17 : memref<640x128xf32, #tpu.memory_space<vmem_shared>>)
      tpu.yield
    }) : () -> ()
    %barrier3A = arith.constant 0 : index
    tpu.barrier barrier_id(%barrier3A)
    %mul3A_3 = arith.constant 25 : i32
    %mul3A_4 = arith.muli %add3A, %mul3A_3 : i32
    %scan3A = arith.constant 0 : i32
    %scan3A_5 = arith.constant 0 : i32
    %scan3A_6 = arith.constant 25 : i32
    %scan3A_7 = arith.addi %scan3A_5, %scan3A_6 : i32
    %scan3A_8 = arith.constant 1 : i32
    scf.for %scan3A_14 = %scan3A_5 to %scan3A_7 step %scan3A_8  : i32 {
      %add3A_15 = arith.addi %mul3A_4, %scan3A_14 : i32
      "tpu.region"() ({
        %run_scoped3A_31 = tpu.sem_alloc : memref<!tpu.dma_semaphore, #tpu.memory_space<semaphore_mem>>
        %dma_start3A_32 = arith.constant 0 : i32
        %dma_start3A_33 = arith.constant 0 : i32
        %dma_start3A_34 = tpu.memref_slice %arg3[%add3A_15, %dma_start3A_32, %dma_start3A_33] : memref<800x2x100xi32, #tpu.memory_space<hbm>> -> memref<1x2x100xi32, #tpu.memory_space<hbm>>
        %dma_start3A_35 = tpu.memref_squeeze %dma_start3A_34 : memref<1x2x100xi32, #tpu.memory_space<hbm>> -> memref<2x100xi32, #tpu.memory_space<hbm>>
        %dma_start3A_36 = arith.constant 0 : i32
        %dma_start3A_37 = arith.constant 0 : i32
        %dma_start3A_38 = tpu.memref_slice %arg3[%add3A_15, %dma_start3A_36, %dma_start3A_37] : memref<800x2x100xi32, #tpu.memory_space<hbm>> -> memref<1x2x100xi32, #tpu.memory_space<hbm>>
        %dma_start3A_39 = tpu.memref_squeeze %dma_start3A_38 : memref<1x2x100xi32, #tpu.memory_space<hbm>> -> memref<2x100xi32, #tpu.memory_space<hbm>>
        tpu.enqueue_dma source(%dma_start3A_39 : memref<2x100xi32, #tpu.memory_space<hbm>>) target(%arg6 : memref<2x100xi32, #tpu.memory_space<vmem>>) target_semaphore(%run_scoped3A_31 : memref<!tpu.dma_semaphore, #tpu.memory_space<semaphore_mem>>)
        %dma_wait3A_40 = arith.constant 0 : i32
        %dma_wait3A_41 = arith.constant 0 : i32
        %dma_wait3A_42 = tpu.memref_slice %arg3[%add3A_15, %dma_wait3A_40, %dma_wait3A_41] : memref<800x2x100xi32, #tpu.memory_space<hbm>> -> memref<1x2x100xi32, #tpu.memory_space<hbm>>
        %dma_wait3A_43 = tpu.memref_squeeze %dma_wait3A_42 : memref<1x2x100xi32, #tpu.memory_space<hbm>> -> memref<2x100xi32, #tpu.memory_space<hbm>>
        %dma_wait3A_44 = arith.constant 0 : i32
        %dma_wait3A_45 = arith.constant 0 : i32
        %dma_wait3A_46 = tpu.memref_slice %arg3[%add3A_15, %dma_wait3A_44, %dma_wait3A_45] : memref<800x2x100xi32, #tpu.memory_space<hbm>> -> memref<1x2x100xi32, #tpu.memory_space<hbm>>
        %dma_wait3A_47 = tpu.memref_squeeze %dma_wait3A_46 : memref<1x2x100xi32, #tpu.memory_space<hbm>> -> memref<2x100xi32, #tpu.memory_space<hbm>>
        tpu.wait_dma2 semaphore(%run_scoped3A_31 : memref<!tpu.dma_semaphore, #tpu.memory_space<semaphore_mem>>) src(%dma_wait3A_47 : memref<2x100xi32, #tpu.memory_space<hbm>>) dst(%arg6 : memref<2x100xi32, #tpu.memory_space<vmem>>)
        tpu.yield
      }) : () -> ()
      %mul3A_16 = arith.constant 2 : i32
      %mul3A_17 = arith.muli %mul3A_16, %add3A_15 : i32
      %dma_start3A = arith.constant 0 : i32
      %dma_start3A_18 = arith.constant 0 : i32
      %dma_start3A_19 = tpu.memref_slice %arg2[%mul3A_17, %dma_start3A, %dma_start3A_18] : memref<1600x100x128xf32, #tpu.memory_space<hbm>> -> memref<2x100x128xf32, #tpu.memory_space<hbm>>
      %dma_start3A_20 = arith.constant 0 : i32
      %dma_start3A_21 = arith.constant 0 : i32
      %dma_start3A_22 = tpu.memref_slice %arg2[%mul3A_17, %dma_start3A_20, %dma_start3A_21] : memref<1600x100x128xf32, #tpu.memory_space<hbm>> -> memref<2x100x128xf32, #tpu.memory_space<hbm>>
      tpu.enqueue_dma source(%dma_start3A_22 : memref<2x100x128xf32, #tpu.memory_space<hbm>>) target(%arg7 : memref<2x100x128xf32, #tpu.memory_space<vmem>>) target_semaphore(%arg9 : memref<!tpu.dma_semaphore, #tpu.memory_space<semaphore_mem>>)
      %dma_wait3A = arith.constant 0 : i32
      %dma_wait3A_23 = arith.constant 0 : i32
      %dma_wait3A_24 = tpu.memref_slice %arg2[%mul3A_17, %dma_wait3A, %dma_wait3A_23] : memref<1600x100x128xf32, #tpu.memory_space<hbm>> -> memref<2x100x128xf32, #tpu.memory_space<hbm>>
      %dma_wait3A_25 = arith.constant 0 : i32
      %dma_wait3A_26 = arith.constant 0 : i32
      %dma_wait3A_27 = tpu.memref_slice %arg2[%mul3A_17, %dma_wait3A_25, %dma_wait3A_26] : memref<1600x100x128xf32, #tpu.memory_space<hbm>> -> memref<2x100x128xf32, #tpu.memory_space<hbm>>
      tpu.wait_dma2 semaphore(%arg9 : memref<!tpu.dma_semaphore, #tpu.memory_space<semaphore_mem>>) src(%dma_wait3A_27 : memref<2x100x128xf32, #tpu.memory_space<hbm>>) dst(%arg7 : memref<2x100x128xf32, #tpu.memory_space<vmem>>)
      %run_scoped3A = arith.constant 0 : i32
      %run_scoped3A_28 = arith.constant 0 : i32
      "tpu.region"() ({
        %run_scoped3A_31 = tpu.sem_alloc : memref<!tpu.dma_semaphore, #tpu.memory_space<semaphore_mem>>
        %dma_start3A_32 = arith.constant 0 : i32
        %dma_start3A_33 = arith.constant 0 : i32
        %dma_start3A_34 = tpu.memref_slice %arg7[%run_scoped3A, %dma_start3A_32, %dma_start3A_33] : memref<2x100x128xf32, #tpu.memory_space<vmem>> -> memref<1x100x128xf32, #tpu.memory_space<vmem>>
        %dma_start3A_35 = tpu.memref_squeeze %dma_start3A_34 : memref<1x100x128xf32, #tpu.memory_space<vmem>> -> memref<100x128xf32, #tpu.memory_space<vmem>>
        %dma_start3A_36 = arith.constant 0 : i32
        %dma_start3A_37 = tpu.memref_slice %arg6[%run_scoped3A_28, %dma_start3A_36] : memref<2x100xi32, #tpu.memory_space<vmem>> -> memref<1x100xi32, #tpu.memory_space<vmem>>
        %dma_start3A_38 = tpu.memref_squeeze %dma_start3A_37 : memref<1x100xi32, #tpu.memory_space<vmem>> -> memref<100xi32, #tpu.memory_space<vmem>>
        %dma_start3A_39 = arith.constant 0 : i32
        %dma_start3A_40 = arith.constant 0 : i32
        %dma_start3A_41 = tpu.memref_slice %arg8[%dma_start3A_39, %dma_start3A_40] : memref<10240x128xf32, #tpu.memory_space<vmem_shared>> -> memref<10240x128xf32, #tpu.memory_space<vmem_shared>>
        tpu.enqueue_indirect_dma source(%dma_start3A_35 : memref<100x128xf32, #tpu.memory_space<vmem>>) target(%dma_start3A_41 : memref<10240x128xf32, #tpu.memory_space<vmem_shared>>) offsets(%dma_start3A_38 : memref<100xi32, #tpu.memory_space<vmem>>) semaphore(%run_scoped3A_31 : memref<!tpu.dma_semaphore, #tpu.memory_space<semaphore_mem>>) {add = true}
        %dma_wait3A_42 = arith.constant 0 : i32
        %dma_wait3A_43 = arith.constant 0 : i32
        %dma_wait3A_44 = tpu.memref_slice %arg7[%run_scoped3A, %dma_wait3A_42, %dma_wait3A_43] : memref<2x100x128xf32, #tpu.memory_space<vmem>> -> memref<1x100x128xf32, #tpu.memory_space<vmem>>
        %dma_wait3A_45 = tpu.memref_squeeze %dma_wait3A_44 : memref<1x100x128xf32, #tpu.memory_space<vmem>> -> memref<100x128xf32, #tpu.memory_space<vmem>>
        %dma_wait3A_46 = arith.constant 0 : i32
        %dma_wait3A_47 = tpu.memref_slice %arg6[%run_scoped3A_28, %dma_wait3A_46] : memref<2x100xi32, #tpu.memory_space<vmem>> -> memref<1x100xi32, #tpu.memory_space<vmem>>
        %dma_wait3A_48 = tpu.memref_squeeze %dma_wait3A_47 : memref<1x100xi32, #tpu.memory_space<vmem>> -> memref<100xi32, #tpu.memory_space<vmem>>
        %dma_wait3A_49 = arith.constant 0 : i32
        %dma_wait3A_50 = arith.constant 0 : i32
        %dma_wait3A_51 = tpu.memref_slice %arg8[%dma_wait3A_49, %dma_wait3A_50] : memref<10240x128xf32, #tpu.memory_space<vmem_shared>> -> memref<10240x128xf32, #tpu.memory_space<vmem_shared>>
        tpu.wait_indirect_dma semaphore(%run_scoped3A_31 : memref<!tpu.dma_semaphore, #tpu.memory_space<semaphore_mem>>) src(%dma_wait3A_45 : memref<100x128xf32, #tpu.memory_space<vmem>>) dst(%dma_wait3A_51 : memref<10240x128xf32, #tpu.memory_space<vmem_shared>>)
        tpu.yield
      }) : () -> ()
      %run_scoped3A_29 = arith.constant 1 : i32
      %run_scoped3A_30 = arith.constant 1 : i32
      "tpu.region"() ({
        %run_scoped3A_31 = tpu.sem_alloc : memref<!tpu.dma_semaphore, #tpu.memory_space<semaphore_mem>>
        %dma_start3A_32 = arith.constant 0 : i32
        %dma_start3A_33 = arith.constant 0 : i32
        %dma_start3A_34 = tpu.memref_slice %arg7[%run_scoped3A_29, %dma_start3A_32, %dma_start3A_33] : memref<2x100x128xf32, #tpu.memory_space<vmem>> -> memref<1x100x128xf32, #tpu.memory_space<vmem>>
        %dma_start3A_35 = tpu.memref_squeeze %dma_start3A_34 : memref<1x100x128xf32, #tpu.memory_space<vmem>> -> memref<100x128xf32, #tpu.memory_space<vmem>>
        %dma_start3A_36 = arith.constant 0 : i32
        %dma_start3A_37 = tpu.memref_slice %arg6[%run_scoped3A_30, %dma_start3A_36] : memref<2x100xi32, #tpu.memory_space<vmem>> -> memref<1x100xi32, #tpu.memory_space<vmem>>
        %dma_start3A_38 = tpu.memref_squeeze %dma_start3A_37 : memref<1x100xi32, #tpu.memory_space<vmem>> -> memref<100xi32, #tpu.memory_space<vmem>>
        %dma_start3A_39 = arith.constant 0 : i32
        %dma_start3A_40 = arith.constant 0 : i32
        %dma_start3A_41 = tpu.memref_slice %arg8[%dma_start3A_39, %dma_start3A_40] : memref<10240x128xf32, #tpu.memory_space<vmem_shared>> -> memref<10240x128xf32, #tpu.memory_space<vmem_shared>>
        tpu.enqueue_indirect_dma source(%dma_start3A_35 : memref<100x128xf32, #tpu.memory_space<vmem>>) target(%dma_start3A_41 : memref<10240x128xf32, #tpu.memory_space<vmem_shared>>) offsets(%dma_start3A_38 : memref<100xi32, #tpu.memory_space<vmem>>) semaphore(%run_scoped3A_31 : memref<!tpu.dma_semaphore, #tpu.memory_space<semaphore_mem>>) {add = true}
        %dma_wait3A_42 = arith.constant 0 : i32
        %dma_wait3A_43 = arith.constant 0 : i32
        %dma_wait3A_44 = tpu.memref_slice %arg7[%run_scoped3A_29, %dma_wait3A_42, %dma_wait3A_43] : memref<2x100x128xf32, #tpu.memory_space<vmem>> -> memref<1x100x128xf32, #tpu.memory_space<vmem>>
        %dma_wait3A_45 = tpu.memref_squeeze %dma_wait3A_44 : memref<1x100x128xf32, #tpu.memory_space<vmem>> -> memref<100x128xf32, #tpu.memory_space<vmem>>
        %dma_wait3A_46 = arith.constant 0 : i32
        %dma_wait3A_47 = tpu.memref_slice %arg6[%run_scoped3A_30, %dma_wait3A_46] : memref<2x100xi32, #tpu.memory_space<vmem>> -> memref<1x100xi32, #tpu.memory_space<vmem>>
        %dma_wait3A_48 = tpu.memref_squeeze %dma_wait3A_47 : memref<1x100xi32, #tpu.memory_space<vmem>> -> memref<100xi32, #tpu.memory_space<vmem>>
        %dma_wait3A_49 = arith.constant 0 : i32
        %dma_wait3A_50 = arith.constant 0 : i32
        %dma_wait3A_51 = tpu.memref_slice %arg8[%dma_wait3A_49, %dma_wait3A_50] : memref<10240x128xf32, #tpu.memory_space<vmem_shared>> -> memref<10240x128xf32, #tpu.memory_space<vmem_shared>>
        tpu.wait_indirect_dma semaphore(%run_scoped3A_31 : memref<!tpu.dma_semaphore, #tpu.memory_space<semaphore_mem>>) src(%dma_wait3A_45 : memref<100x128xf32, #tpu.memory_space<vmem>>) dst(%dma_wait3A_51 : memref<10240x128xf32, #tpu.memory_space<vmem_shared>>)
        tpu.yield
      }) : () -> ()
    }
    %scan3A_9 = arith.constant 25 : i32
    %barrier3A_10 = arith.constant 0 : index
    tpu.barrier barrier_id(%barrier3A_10)
    %mul3A_11 = arith.constant 10240 : i32
    %mul3A_12 = arith.muli %arg0, %mul3A_11 : i32
    %add3A_13 = arith.addi %mul3A_12, %mul3A_2 : i32
    "tpu.region"() ({
      %run_scoped3A = tpu.sem_alloc : memref<!tpu.dma_semaphore, #tpu.memory_space<semaphore_mem>>
      %dma_start3A = arith.constant 0 : i32
      %dma_start3A_14 = tpu.memref_slice %arg5[%add3A_13, %dma_start3A] : memref<20480x128xf32, #tpu.memory_space<hbm>> -> memref<640x128xf32, #tpu.memory_space<hbm>>
      %dma_start3A_15 = arith.constant 0 : i32
      %dma_start3A_16 = tpu.memref_slice %arg8[%mul3A_2, %dma_start3A_15] : memref<10240x128xf32, #tpu.memory_space<vmem_shared>> -> memref<640x128xf32, #tpu.memory_space<vmem_shared>>
      tpu.enqueue_dma source(%dma_start3A_16 : memref<640x128xf32, #tpu.memory_space<vmem_shared>>) target(%dma_start3A_14 : memref<640x128xf32, #tpu.memory_space<hbm>>) target_semaphore(%run_scoped3A : memref<!tpu.dma_semaphore, #tpu.memory_space<semaphore_mem>>)
      %dma_wait3A = arith.constant 0 : i32
      %dma_wait3A_17 = tpu.memref_slice %arg5[%add3A_13, %dma_wait3A] : memref<20480x128xf32, #tpu.memory_space<hbm>> -> memref<640x128xf32, #tpu.memory_space<hbm>>
      %dma_wait3A_18 = arith.constant 0 : i32
      %dma_wait3A_19 = tpu.memref_slice %arg8[%mul3A_2, %dma_wait3A_18] : memref<10240x128xf32, #tpu.memory_space<vmem_shared>> -> memref<640x128xf32, #tpu.memory_space<vmem_shared>>
      tpu.wait_dma2 semaphore(%run_scoped3A : memref<!tpu.dma_semaphore, #tpu.memory_space<semaphore_mem>>) src(%dma_wait3A_19 : memref<640x128xf32, #tpu.memory_space<vmem_shared>>) dst(%dma_wait3A_17 : memref<640x128xf32, #tpu.memory_space<hbm>>)
      tpu.yield
    }) : () -> ()
    return
  }
}

module attributes {stable_mosaic.version = 14 : i64} {
  func.func @_node_mm_body(%arg0: i32, %arg1: memref<256x256xf32, #tpu.memory_space<vmem>>, %arg2: memref<256x64xf32, #tpu.memory_space<vmem>>, %arg3: memref<256x64xf32, #tpu.memory_space<vmem>>, %arg4: memref<1x64xf32, #tpu.memory_space<vmem>>, %arg5: memref<256x128xf32, #tpu.memory_space<vmem>>) attributes {dimension_semantics = [#tpu.dimension_semantics<arbitrary>], iteration_bounds = array<i64: 40>, scalar_prefetch = 0 : i64, scratch_operands = 0 : i64, tpu.core_type = #tpu.core_type<tc>, window_params = [{transform_indices = @transform_0, window_bounds = array<i64: 256, 256>}, {pipeline_mode = #tpu.pipeline_mode<synchronous>, transform_indices = @transform_1, window_bounds = array<i64: 256, 64>}, {pipeline_mode = #tpu.pipeline_mode<synchronous>, transform_indices = @transform_2, window_bounds = array<i64: 256, 64>}, {pipeline_mode = #tpu.pipeline_mode<synchronous>, transform_indices = @transform_3, window_bounds = array<i64: 1, 64>}, {transform_indices = @transform_4, window_bounds = array<i64: 256, 128>}]} {
    %get3A = arith.constant 0 : index
    %get3A_0 = arith.constant 0 : index
    %get3A_1 = vector.load %arg1[%get3A, %get3A_0] : memref<256x256xf32, #tpu.memory_space<vmem>>, vector<256x256xf32>
    %get3A_2 = arith.constant 0 : index
    %get3A_3 = arith.constant 0 : index
    %get3A_4 = vector.load %arg2[%get3A_2, %get3A_3] : memref<256x64xf32, #tpu.memory_space<vmem>>, vector<256x64xf32>
    %dot_general3A = arith.constant dense<0.000000e+00> : vector<256x64xf32>
    %dot_general3A_5 = tpu.matmul %get3A_1, %get3A_4, %dot_general3A {dimension_numbers = #tpu.dot_dimension_numbers<[1], [0], [0], [1], [0, 0, 1, 1], [], []>, transpose_lhs_hint = false} : vector<256x256xf32>, vector<256x64xf32>, vector<256x64xf32> -> vector<256x64xf32>
    %get3A_6 = arith.constant 0 : index
    %get3A_7 = arith.constant 0 : index
    %get3A_8 = vector.load %arg3[%get3A_6, %get3A_7] : memref<256x64xf32, #tpu.memory_space<vmem>>, vector<256x64xf32>
    %dot_general3A_9 = arith.constant dense<0.000000e+00> : vector<256x64xf32>
    %dot_general3A_10 = tpu.matmul %get3A_1, %get3A_8, %dot_general3A_9 {dimension_numbers = #tpu.dot_dimension_numbers<[1], [0], [0], [1], [0, 0, 1, 1], [], []>, transpose_lhs_hint = false} : vector<256x256xf32>, vector<256x64xf32>, vector<256x64xf32> -> vector<256x64xf32>
    %get3A_11 = arith.constant 0 : index
    %get3A_12 = arith.constant 0 : index
    %get3A_13 = vector.load %arg4[%get3A_11, %get3A_12] : memref<1x64xf32, #tpu.memory_space<vmem>>, vector<1x64xf32>
    %add3A = vector.broadcast %get3A_13 : vector<1x64xf32> to vector<256x64xf32>
    %add3A_14 = arith.addf %dot_general3A_5, %add3A : vector<256x64xf32>
    %concatenate3A = tpu.concatenate %add3A_14, %dot_general3A_10 in 1 : vector<256x64xf32>, vector<256x64xf32> -> vector<256x128xf32>
    %swap3A = arith.constant 0 : index
    %swap3A_15 = arith.constant 0 : index
    %swap3A_16 = vector.load %arg5[%swap3A, %swap3A_15] : memref<256x128xf32, #tpu.memory_space<vmem>>, vector<256x128xf32>
    tpu.vector_store %arg5[%swap3A, %swap3A_15], %concatenate3A {strides = array<i32>} : memref<256x128xf32, #tpu.memory_space<vmem>>, vector<256x128xf32>,
    return
  }
  func.func @transform_0(%arg0: i32) -> (i32, i32) {
    %c0_i32 = arith.constant 0 : i32
    %c0_i32_0 = arith.constant 0 : i32
    return %arg0, %c0_i32 : i32, i32
  }
  func.func @transform_1(%arg0: i32) -> (i32, i32) {
    %c0_i32 = arith.constant 0 : i32
    %c0_i32_0 = arith.constant 0 : i32
    %c0_i32_1 = arith.constant 0 : i32
    return %c0_i32, %c0_i32_0 : i32, i32
  }
  func.func @transform_2(%arg0: i32) -> (i32, i32) {
    %c0_i32 = arith.constant 0 : i32
    %c0_i32_0 = arith.constant 0 : i32
    %c0_i32_1 = arith.constant 0 : i32
    return %c0_i32, %c0_i32_0 : i32, i32
  }
  func.func @transform_3(%arg0: i32) -> (i32, i32) {
    %c0_i32 = arith.constant 0 : i32
    %c0_i32_0 = arith.constant 0 : i32
    %c0_i32_1 = arith.constant 0 : i32
    return %c0_i32, %c0_i32_0 : i32, i32
  }
  func.func @transform_4(%arg0: i32) -> (i32, i32) {
    %c0_i32 = arith.constant 0 : i32
    %c0_i32_0 = arith.constant 0 : i32
    return %arg0, %c0_i32 : i32, i32
  }
}

module attributes {stable_mosaic.version = 14 : i64} {
  func.func @_stats_body(%arg0: i32, %arg1: memref<20x100x64xf32, #tpu.memory_space<vmem>>, %arg2: memref<8x64xf32, #tpu.memory_space<vmem>>) attributes {dimension_semantics = [#tpu.dimension_semantics<arbitrary>], iteration_bounds = array<i64: 80>, scalar_prefetch = 0 : i64, scratch_operands = 0 : i64, tpu.core_type = #tpu.core_type<tc>, window_params = [{transform_indices = @transform_0, window_bounds = array<i64: 20, 100, 64>}, {pipeline_mode = #tpu.pipeline_mode<synchronous>, transform_indices = @transform_1, window_bounds = array<i64: 8, 64>}]} {
    %eq3A = arith.constant 0 : i32
    %eq3A_0 = arith.cmpi eq, %arg0, %eq3A : i32
    %convert_element_type3A = arith.extui %eq3A_0 : i1 to i32
    %cond3A = arith.constant 0 : i32
    %cond3A_1 = arith.cmpi ne, %convert_element_type3A, %cond3A : i32
    scf.if %cond3A_1 {
      %broadcast_in_dim3A_15 = arith.constant 0.000000e+00 : f32
      %broadcast_in_dim3A_16 = vector.broadcast %broadcast_in_dim3A_15 : f32 to vector<8x64xf32>
      %swap3A_17 = arith.constant 0 : index
      %swap3A_18 = arith.constant 0 : index
      %swap3A_19 = vector.load %arg2[%swap3A_17, %swap3A_18] : memref<8x64xf32, #tpu.memory_space<vmem>>, vector<8x64xf32>
      tpu.vector_store %arg2[%swap3A_17, %swap3A_18], %broadcast_in_dim3A_16 {strides = array<i32>} : memref<8x64xf32, #tpu.memory_space<vmem>>, vector<8x64xf32>,
    } else {
    }
    %get3A = arith.constant 0 : index
    %get3A_2 = arith.constant 0 : index
    %get3A_3 = arith.constant 0 : index
    %get3A_4 = vector.load %arg1[%get3A, %get3A_2, %get3A_3] : memref<20x100x64xf32, #tpu.memory_space<vmem>>, vector<20x100x64xf32>
    %reduce_sum3A = arith.constant dense<0.000000e+00> : vector<64xf32>
    %reduce_sum3A_5 = vector.multi_reduction <add>, %get3A_4, %reduce_sum3A [0, 1] : vector<20x100x64xf32> to vector<64xf32>
    %reshape3A = vector.shape_cast %reduce_sum3A_5 : vector<64xf32> to vector<1x64xf32>
    %mul3A = arith.mulf %get3A_4, %get3A_4 : vector<20x100x64xf32>
    %reduce_sum3A_6 = arith.constant dense<0.000000e+00> : vector<64xf32>
    %reduce_sum3A_7 = vector.multi_reduction <add>, %mul3A, %reduce_sum3A_6 [0, 1] : vector<20x100x64xf32> to vector<64xf32>
    %reshape3A_8 = vector.shape_cast %reduce_sum3A_7 : vector<64xf32> to vector<1x64xf32>
    %broadcast_in_dim3A = arith.constant 0.000000e+00 : f32
    %broadcast_in_dim3A_9 = vector.broadcast %broadcast_in_dim3A : f32 to vector<6x64xf32>
    %get3A_10 = arith.constant 0 : index
    %get3A_11 = arith.constant 0 : index
    %get3A_12 = vector.load %arg2[%get3A_10, %get3A_11] : memref<8x64xf32, #tpu.memory_space<vmem>>, vector<8x64xf32>
    %concatenate3A = tpu.concatenate %reshape3A, %reshape3A_8, %broadcast_in_dim3A_9 in 0 : vector<1x64xf32>, vector<1x64xf32>, vector<6x64xf32> -> vector<8x64xf32>
    %add3A = arith.addf %get3A_12, %concatenate3A : vector<8x64xf32>
    %swap3A = arith.constant 0 : index
    %swap3A_13 = arith.constant 0 : index
    %swap3A_14 = vector.load %arg2[%swap3A, %swap3A_13] : memref<8x64xf32, #tpu.memory_space<vmem>>, vector<8x64xf32>
    tpu.vector_store %arg2[%swap3A, %swap3A_13], %add3A {strides = array<i32>} : memref<8x64xf32, #tpu.memory_space<vmem>>, vector<8x64xf32>,
    return
  }
  func.func @transform_0(%arg0: i32) -> (i32, i32, i32) {
    %c0_i32 = arith.constant 0 : i32
    %c0_i32_0 = arith.constant 0 : i32
    %c0_i32_1 = arith.constant 0 : i32
    return %arg0, %c0_i32, %c0_i32_0 : i32, i32, i32
  }
  func.func @transform_1(%arg0: i32) -> (i32, i32) {
    %c0_i32 = arith.constant 0 : i32
    %c0_i32_0 = arith.constant 0 : i32
    %c0_i32_1 = arith.constant 0 : i32
    return %c0_i32, %c0_i32_0 : i32, i32
  }
}

module attributes {stable_mosaic.version = 14 : i64} {
  func.func @_mid_body(%arg0: i32, %arg1: memref<8x64xf32, #tpu.memory_space<vmem>>, %arg2: memref<20x100x64xf32, #tpu.memory_space<vmem>>, %arg3: memref<64x64xf32, #tpu.memory_space<vmem>>, %arg4: memref<1x64xf32, #tpu.memory_space<vmem>>, %arg5: memref<1x64xf32, #tpu.memory_space<vmem>>, %arg6: memref<1x64xf32, #tpu.memory_space<vmem>>, %arg7: memref<20x100x64xf32, #tpu.memory_space<vmem>>, %arg8: memref<8x64xf32, #tpu.memory_space<vmem>>) attributes {dimension_semantics = [#tpu.dimension_semantics<arbitrary>], iteration_bounds = array<i64: 80>, scalar_prefetch = 0 : i64, scratch_operands = 0 : i64, tpu.core_type = #tpu.core_type<tc>, window_params = [{pipeline_mode = #tpu.pipeline_mode<synchronous>, transform_indices = @transform_0, window_bounds = array<i64: 8, 64>}, {transform_indices = @transform_1, window_bounds = array<i64: 20, 100, 64>}, {pipeline_mode = #tpu.pipeline_mode<synchronous>, transform_indices = @transform_2, window_bounds = array<i64: 64, 64>}, {pipeline_mode = #tpu.pipeline_mode<synchronous>, transform_indices = @transform_3, window_bounds = array<i64: 1, 64>}, {pipeline_mode = #tpu.pipeline_mode<synchronous>, transform_indices = @transform_4, window_bounds = array<i64: 1, 64>}, {pipeline_mode = #tpu.pipeline_mode<synchronous>, transform_indices = @transform_5, window_bounds = array<i64: 1, 64>}, {transform_indices = @transform_6, window_bounds = array<i64: 20, 100, 64>}, {pipeline_mode = #tpu.pipeline_mode<synchronous>, transform_indices = @transform_7, window_bounds = array<i64: 8, 64>}]} {
    %get3A = arith.constant 0 : index
    %get3A_0 = arith.constant 0 : index
    %get3A_1 = vector.load %arg1[%get3A, %get3A_0] : memref<8x64xf32, #tpu.memory_space<vmem>>, vector<1x64xf32>
    %div3A = arith.constant 1.600000e+05 : f32
    %div3A_2 = vector.broadcast %div3A : f32 to vector<1x64xf32>
    %div3A_3 = arith.divf %get3A_1, %div3A_2 : vector<1x64xf32>
    %get3A_4 = arith.constant 1 : index
    %get3A_5 = arith.constant 0 : index
    %get3A_6 = vector.load %arg1[%get3A_4, %get3A_5] : memref<8x64xf32, #tpu.memory_space<vmem>>, vector<1x64xf32>
    %div3A_7 = arith.constant 1.600000e+05 : f32
    %div3A_8 = vector.broadcast %div3A_7 : f32 to vector<1x64xf32>
    %div3A_9 = arith.divf %get3A_6, %div3A_8 : vector<1x64xf32>
    %mul3A = arith.mulf %div3A_3, %div3A_3 : vector<1x64xf32>
    %sub3A = arith.subf %div3A_9, %mul3A : vector<1x64xf32>
    %get3A_10 = arith.constant 0 : index
    %get3A_11 = arith.constant 0 : index
    %get3A_12 = vector.load %arg5[%get3A_10, %get3A_11] : memref<1x64xf32, #tpu.memory_space<vmem>>, vector<1x64xf32>
    %add3A = arith.constant 9.99999974E-6 : f32
    %add3A_13 = vector.broadcast %add3A : f32 to vector<1x64xf32>
    %add3A_14 = arith.addf %sub3A, %add3A_13 : vector<1x64xf32>
    %rsqrt3A = math.rsqrt %add3A_14 : vector<1x64xf32>
    %mul3A_15 = arith.mulf %get3A_12, %rsqrt3A : vector<1x64xf32>
    %get3A_16 = arith.constant 0 : index
    %get3A_17 = arith.constant 0 : index
    %get3A_18 = vector.load %arg6[%get3A_16, %get3A_17] : memref<1x64xf32, #tpu.memory_space<vmem>>, vector<1x64xf32>
    %mul3A_19 = arith.mulf %div3A_3, %mul3A_15 : vector<1x64xf32>
    %sub3A_20 = arith.subf %get3A_18, %mul3A_19 : vector<1x64xf32>
    %get3A_21 = arith.constant 0 : index
    %get3A_22 = arith.constant 0 : index
    %get3A_23 = arith.constant 0 : index
    %get3A_24 = vector.load %arg2[%get3A_21, %get3A_22, %get3A_23] : memref<20x100x64xf32, #tpu.memory_space<vmem>>, vector<20x100x64xf32>
    %reshape3A = vector.shape_cast %mul3A_15 : vector<1x64xf32> to vector<1x1x64xf32>
    %mul3A_25 = vector.broadcast %reshape3A : vector<1x1x64xf32> to vector<20x100x64xf32>
    %mul3A_26 = arith.mulf %get3A_24, %mul3A_25 : vector<20x100x64xf32>
    %reshape3A_27 = vector.shape_cast %sub3A_20 : vector<1x64xf32> to vector<1x1x64xf32>
    %add3A_28 = vector.broadcast %reshape3A_27 : vector<1x1x64xf32> to vector<20x100x64xf32>
    %add3A_29 = arith.addf %mul3A_26, %add3A_28 : vector<20x100x64xf32>
    %max3A = arith.constant 0.000000e+00 : f32
    %max3A_30 = vector.broadcast %max3A : f32 to vector<20x100x64xf32>
    %max3A_31 = arith.maximumf %add3A_29, %max3A_30 : vector<20x100x64xf32>
    %get3A_32 = arith.constant 0 : index
    %get3A_33 = arith.constant 0 : index
    %get3A_34 = vector.load %arg3[%get3A_32, %get3A_33] : memref<64x64xf32, #tpu.memory_space<vmem>>, vector<64x64xf32>
    %dot_general3A = arith.constant dense<0.000000e+00> : vector<20x100x64xf32>
    %dot_general3A_35 = tpu.matmul %max3A_31, %get3A_34, %dot_general3A {dimension_numbers = #tpu.dot_dimension_numbers<[2], [0], [0, 1], [1], [0, 0, 0, 1, 1, 1], [], []>, transpose_lhs_hint = false} : vector<20x100x64xf32>, vector<64x64xf32>, vector<20x100x64xf32> -> vector<20x100x64xf32>
    %get3A_36 = arith.constant 0 : index
    %get3A_37 = arith.constant 0 : index
    %get3A_38 = vector.load %arg4[%get3A_36, %get3A_37] : memref<1x64xf32, #tpu.memory_space<vmem>>, vector<1x64xf32>
    %reshape3A_39 = vector.shape_cast %get3A_38 : vector<1x64xf32> to vector<1x1x64xf32>
    %add3A_40 = vector.broadcast %reshape3A_39 : vector<1x1x64xf32> to vector<20x100x64xf32>
    %add3A_41 = arith.addf %dot_general3A_35, %add3A_40 : vector<20x100x64xf32>
    %swap3A = arith.constant 0 : index
    %swap3A_42 = arith.constant 0 : index
    %swap3A_43 = arith.constant 0 : index
    %swap3A_44 = vector.load %arg7[%swap3A, %swap3A_42, %swap3A_43] : memref<20x100x64xf32, #tpu.memory_space<vmem>>, vector<20x100x64xf32>
    tpu.vector_store %arg7[%swap3A, %swap3A_42, %swap3A_43], %add3A_41 {strides = array<i32>} : memref<20x100x64xf32, #tpu.memory_space<vmem>>, vector<20x100x64xf32>,
    %eq3A = arith.constant 0 : i32
    %eq3A_45 = arith.cmpi eq, %arg0, %eq3A : i32
    %convert_element_type3A = arith.extui %eq3A_45 : i1 to i32
    %cond3A = arith.constant 0 : i32
    %cond3A_46 = arith.cmpi ne, %convert_element_type3A, %cond3A : i32
    scf.if %cond3A_46 {
      %broadcast_in_dim3A_61 = arith.constant 0.000000e+00 : f32
      %broadcast_in_dim3A_62 = vector.broadcast %broadcast_in_dim3A_61 : f32 to vector<8x64xf32>
      %swap3A_63 = arith.constant 0 : index
      %swap3A_64 = arith.constant 0 : index
      %swap3A_65 = vector.load %arg8[%swap3A_63, %swap3A_64] : memref<8x64xf32, #tpu.memory_space<vmem>>, vector<8x64xf32>
      tpu.vector_store %arg8[%swap3A_63, %swap3A_64], %broadcast_in_dim3A_62 {strides = array<i32>} : memref<8x64xf32, #tpu.memory_space<vmem>>, vector<8x64xf32>,
    } else {
    }
    %reduce_sum3A = arith.constant dense<0.000000e+00> : vector<64xf32>
    %reduce_sum3A_47 = vector.multi_reduction <add>, %add3A_41, %reduce_sum3A [0, 1] : vector<20x100x64xf32> to vector<64xf32>
    %reshape3A_48 = vector.shape_cast %reduce_sum3A_47 : vector<64xf32> to vector<1x64xf32>
    %mul3A_49 = arith.mulf %add3A_41, %add3A_41 : vector<20x100x64xf32>
    %reduce_sum3A_50 = arith.constant dense<0.000000e+00> : vector<64xf32>
    %reduce_sum3A_51 = vector.multi_reduction <add>, %mul3A_49, %reduce_sum3A_50 [0, 1] : vector<20x100x64xf32> to vector<64xf32>
    %reshape3A_52 = vector.shape_cast %reduce_sum3A_51 : vector<64xf32> to vector<1x64xf32>
    %broadcast_in_dim3A = arith.constant 0.000000e+00 : f32
    %broadcast_in_dim3A_53 = vector.broadcast %broadcast_in_dim3A : f32 to vector<6x64xf32>
    %get3A_54 = arith.constant 0 : index
    %get3A_55 = arith.constant 0 : index
    %get3A_56 = vector.load %arg8[%get3A_54, %get3A_55] : memref<8x64xf32, #tpu.memory_space<vmem>>, vector<8x64xf32>
    %concatenate3A = tpu.concatenate %reshape3A_48, %reshape3A_52, %broadcast_in_dim3A_53 in 0 : vector<1x64xf32>, vector<1x64xf32>, vector<6x64xf32> -> vector<8x64xf32>
    %add3A_57 = arith.addf %get3A_56, %concatenate3A : vector<8x64xf32>
    %swap3A_58 = arith.constant 0 : index
    %swap3A_59 = arith.constant 0 : index
    %swap3A_60 = vector.load %arg8[%swap3A_58, %swap3A_59] : memref<8x64xf32, #tpu.memory_space<vmem>>, vector<8x64xf32>
    tpu.vector_store %arg8[%swap3A_58, %swap3A_59], %add3A_57 {strides = array<i32>} : memref<8x64xf32, #tpu.memory_space<vmem>>, vector<8x64xf32>,
    return
  }
  func.func @transform_0(%arg0: i32) -> (i32, i32) {
    %c0_i32 = arith.constant 0 : i32
    %c0_i32_0 = arith.constant 0 : i32
    %c0_i32_1 = arith.constant 0 : i32
    return %c0_i32, %c0_i32_0 : i32, i32
  }
  func.func @transform_1(%arg0: i32) -> (i32, i32, i32) {
    %c0_i32 = arith.constant 0 : i32
    %c0_i32_0 = arith.constant 0 : i32
    %c0_i32_1 = arith.constant 0 : i32
    return %arg0, %c0_i32, %c0_i32_0 : i32, i32, i32
  }
  func.func @transform_2(%arg0: i32) -> (i32, i32) {
    %c0_i32 = arith.constant 0 : i32
    %c0_i32_0 = arith.constant 0 : i32
    %c0_i32_1 = arith.constant 0 : i32
    return %c0_i32, %c0_i32_0 : i32, i32
  }
  func.func @transform_3(%arg0: i32) -> (i32, i32) {
    %c0_i32 = arith.constant 0 : i32
    %c0_i32_0 = arith.constant 0 : i32
    %c0_i32_1 = arith.constant 0 : i32
    return %c0_i32, %c0_i32_0 : i32, i32
  }
  func.func @transform_4(%arg0: i32) -> (i32, i32) {
    %c0_i32 = arith.constant 0 : i32
    %c0_i32_0 = arith.constant 0 : i32
    %c0_i32_1 = arith.constant 0 : i32
    return %c0_i32, %c0_i32_0 : i32, i32
  }
  func.func @transform_5(%arg0: i32) -> (i32, i32) {
    %c0_i32 = arith.constant 0 : i32
    %c0_i32_0 = arith.constant 0 : i32
    %c0_i32_1 = arith.constant 0 : i32
    return %c0_i32, %c0_i32_0 : i32, i32
  }
  func.func @transform_6(%arg0: i32) -> (i32, i32, i32) {
    %c0_i32 = arith.constant 0 : i32
    %c0_i32_0 = arith.constant 0 : i32
    %c0_i32_1 = arith.constant 0 : i32
    return %arg0, %c0_i32, %c0_i32_0 : i32, i32, i32
  }
  func.func @transform_7(%arg0: i32) -> (i32, i32) {
    %c0_i32 = arith.constant 0 : i32
    %c0_i32_0 = arith.constant 0 : i32
    %c0_i32_1 = arith.constant 0 : i32
    return %c0_i32, %c0_i32_0 : i32, i32
  }
}

module attributes {stable_mosaic.version = 14 : i64} {
  func.func @_act_body(%arg0: i32, %arg1: memref<8x64xf32, #tpu.memory_space<vmem>>, %arg2: memref<20x100x64xf32, #tpu.memory_space<vmem>>, %arg3: memref<1x64xf32, #tpu.memory_space<vmem>>, %arg4: memref<1x64xf32, #tpu.memory_space<vmem>>, %arg5: memref<20x100x128xf32, #tpu.memory_space<vmem>>) attributes {dimension_semantics = [#tpu.dimension_semantics<arbitrary>], iteration_bounds = array<i64: 80>, scalar_prefetch = 0 : i64, scratch_operands = 0 : i64, tpu.core_type = #tpu.core_type<tc>, window_params = [{pipeline_mode = #tpu.pipeline_mode<synchronous>, transform_indices = @transform_0, window_bounds = array<i64: 8, 64>}, {transform_indices = @transform_1, window_bounds = array<i64: 20, 100, 64>}, {pipeline_mode = #tpu.pipeline_mode<synchronous>, transform_indices = @transform_2, window_bounds = array<i64: 1, 64>}, {pipeline_mode = #tpu.pipeline_mode<synchronous>, transform_indices = @transform_3, window_bounds = array<i64: 1, 64>}, {transform_indices = @transform_4, window_bounds = array<i64: 20, 100, 128>}]} {
    %get3A = arith.constant 0 : index
    %get3A_0 = arith.constant 0 : index
    %get3A_1 = vector.load %arg1[%get3A, %get3A_0] : memref<8x64xf32, #tpu.memory_space<vmem>>, vector<1x64xf32>
    %div3A = arith.constant 1.600000e+05 : f32
    %div3A_2 = vector.broadcast %div3A : f32 to vector<1x64xf32>
    %div3A_3 = arith.divf %get3A_1, %div3A_2 : vector<1x64xf32>
    %get3A_4 = arith.constant 1 : index
    %get3A_5 = arith.constant 0 : index
    %get3A_6 = vector.load %arg1[%get3A_4, %get3A_5] : memref<8x64xf32, #tpu.memory_space<vmem>>, vector<1x64xf32>
    %div3A_7 = arith.constant 1.600000e+05 : f32
    %div3A_8 = vector.broadcast %div3A_7 : f32 to vector<1x64xf32>
    %div3A_9 = arith.divf %get3A_6, %div3A_8 : vector<1x64xf32>
    %mul3A = arith.mulf %div3A_3, %div3A_3 : vector<1x64xf32>
    %sub3A = arith.subf %div3A_9, %mul3A : vector<1x64xf32>
    %get3A_10 = arith.constant 0 : index
    %get3A_11 = arith.constant 0 : index
    %get3A_12 = vector.load %arg3[%get3A_10, %get3A_11] : memref<1x64xf32, #tpu.memory_space<vmem>>, vector<1x64xf32>
    %add3A = arith.constant 9.99999974E-6 : f32
    %add3A_13 = vector.broadcast %add3A : f32 to vector<1x64xf32>
    %add3A_14 = arith.addf %sub3A, %add3A_13 : vector<1x64xf32>
    %rsqrt3A = math.rsqrt %add3A_14 : vector<1x64xf32>
    %mul3A_15 = arith.mulf %get3A_12, %rsqrt3A : vector<1x64xf32>
    %get3A_16 = arith.constant 0 : index
    %get3A_17 = arith.constant 0 : index
    %get3A_18 = vector.load %arg4[%get3A_16, %get3A_17] : memref<1x64xf32, #tpu.memory_space<vmem>>, vector<1x64xf32>
    %mul3A_19 = arith.mulf %div3A_3, %mul3A_15 : vector<1x64xf32>
    %sub3A_20 = arith.subf %get3A_18, %mul3A_19 : vector<1x64xf32>
    %get3A_21 = arith.constant 0 : index
    %get3A_22 = arith.constant 0 : index
    %get3A_23 = arith.constant 0 : index
    %get3A_24 = vector.load %arg2[%get3A_21, %get3A_22, %get3A_23] : memref<20x100x64xf32, #tpu.memory_space<vmem>>, vector<20x100x64xf32>
    %reshape3A = vector.shape_cast %mul3A_15 : vector<1x64xf32> to vector<1x1x64xf32>
    %mul3A_25 = vector.broadcast %reshape3A : vector<1x1x64xf32> to vector<20x100x64xf32>
    %mul3A_26 = arith.mulf %get3A_24, %mul3A_25 : vector<20x100x64xf32>
    %reshape3A_27 = vector.shape_cast %sub3A_20 : vector<1x64xf32> to vector<1x1x64xf32>
    %add3A_28 = vector.broadcast %reshape3A_27 : vector<1x1x64xf32> to vector<20x100x64xf32>
    %add3A_29 = arith.addf %mul3A_26, %add3A_28 : vector<20x100x64xf32>
    %max3A = arith.constant 0.000000e+00 : f32
    %max3A_30 = vector.broadcast %max3A : f32 to vector<20x100x64xf32>
    %max3A_31 = arith.maximumf %add3A_29, %max3A_30 : vector<20x100x64xf32>
    %broadcast_in_dim3A = arith.constant 1.000000e+00 : f32
    %broadcast_in_dim3A_32 = vector.broadcast %broadcast_in_dim3A : f32 to vector<20x100x1xf32>
    %broadcast_in_dim3A_33 = arith.constant 0.000000e+00 : f32
    %broadcast_in_dim3A_34 = vector.broadcast %broadcast_in_dim3A_33 : f32 to vector<20x100x63xf32>
    %concatenate3A = tpu.concatenate %max3A_31, %broadcast_in_dim3A_32, %broadcast_in_dim3A_34 in 2 : vector<20x100x64xf32>, vector<20x100x1xf32>, vector<20x100x63xf32> -> vector<20x100x128xf32>
    %swap3A = arith.constant 0 : index
    %swap3A_35 = arith.constant 0 : index
    %swap3A_36 = arith.constant 0 : index
    %swap3A_37 = vector.load %arg5[%swap3A, %swap3A_35, %swap3A_36] : memref<20x100x128xf32, #tpu.memory_space<vmem>>, vector<20x100x128xf32>
    tpu.vector_store %arg5[%swap3A, %swap3A_35, %swap3A_36], %concatenate3A {strides = array<i32>} : memref<20x100x128xf32, #tpu.memory_space<vmem>>, vector<20x100x128xf32>,
    return
  }
  func.func @transform_0(%arg0: i32) -> (i32, i32) {
    %c0_i32 = arith.constant 0 : i32
    %c0_i32_0 = arith.constant 0 : i32
    %c0_i32_1 = arith.constant 0 : i32
    return %c0_i32, %c0_i32_0 : i32, i32
  }
  func.func @transform_1(%arg0: i32) -> (i32, i32, i32) {
    %c0_i32 = arith.constant 0 : i32
    %c0_i32_0 = arith.constant 0 : i32
    %c0_i32_1 = arith.constant 0 : i32
    return %arg0, %c0_i32, %c0_i32_0 : i32, i32, i32
  }
  func.func @transform_2(%arg0: i32) -> (i32, i32) {
    %c0_i32 = arith.constant 0 : i32
    %c0_i32_0 = arith.constant 0 : i32
    %c0_i32_1 = arith.constant 0 : i32
    return %c0_i32, %c0_i32_0 : i32, i32
  }
  func.func @transform_3(%arg0: i32) -> (i32, i32) {
    %c0_i32 = arith.constant 0 : i32
    %c0_i32_0 = arith.constant 0 : i32
    %c0_i32_1 = arith.constant 0 : i32
    return %c0_i32, %c0_i32_0 : i32, i32
  }
  func.func @transform_4(%arg0: i32) -> (i32, i32, i32) {
    %c0_i32 = arith.constant 0 : i32
    %c0_i32_0 = arith.constant 0 : i32
    %c0_i32_1 = arith.constant 0 : i32
    return %arg0, %c0_i32, %c0_i32_0 : i32, i32, i32
  }
}

module attributes {stable_mosaic.version = 14 : i64} {
  func.func @_final_body(%arg0: i32, %arg1: memref<256x128xf32, #tpu.memory_space<vmem>>, %arg2: memref<256x128xf32, #tpu.memory_space<vmem>>, %arg3: memref<256x256xf32, #tpu.memory_space<vmem>>, %arg4: memref<1x1x256xi32, #tpu.memory_space<vmem>>, %arg5: memref<320x128xf32, #tpu.memory_space<vmem>>, %arg6: memref<1x128xf32, #tpu.memory_space<vmem>>, %arg7: memref<128x1xf32, #tpu.memory_space<vmem>>, %arg8: memref<1x1xf32, #tpu.memory_space<vmem>>, %arg9: memref<64x1xf32, #tpu.memory_space<vmem>>, %arg10: memref<64x384xf32, #tpu.memory_space<vmem>>) attributes {dimension_semantics = [#tpu.dimension_semantics<arbitrary>], iteration_bounds = array<i64: 40>, scalar_prefetch = 0 : i64, scratch_operands = 1 : i64, tpu.core_type = #tpu.core_type<tc>, window_params = [{transform_indices = @transform_0, window_bounds = array<i64: 256, 128>}, {transform_indices = @transform_1, window_bounds = array<i64: 256, 128>}, {transform_indices = @transform_2, window_bounds = array<i64: 256, 256>}, {transform_indices = @transform_3, window_bounds = array<i64: 1, 1, 256>}, {pipeline_mode = #tpu.pipeline_mode<synchronous>, transform_indices = @transform_4, window_bounds = array<i64: 320, 128>}, {pipeline_mode = #tpu.pipeline_mode<synchronous>, transform_indices = @transform_5, window_bounds = array<i64: 1, 128>}, {pipeline_mode = #tpu.pipeline_mode<synchronous>, transform_indices = @transform_6, window_bounds = array<i64: 128, 1>}, {pipeline_mode = #tpu.pipeline_mode<synchronous>, transform_indices = @transform_7, window_bounds = array<i64: 1, 1>}, {pipeline_mode = #tpu.pipeline_mode<synchronous>, transform_indices = @transform_8, window_bounds = array<i64: 64, 1>}]} {
    %eq3A = arith.constant 0 : i32
    %eq3A_0 = arith.cmpi eq, %arg0, %eq3A : i32
    %convert_element_type3A = arith.extui %eq3A_0 : i1 to i32
    %cond3A = arith.constant 0 : i32
    %cond3A_1 = arith.cmpi ne, %convert_element_type3A, %cond3A : i32
    scf.if %cond3A_1 {
      %broadcast_in_dim3A_49 = arith.constant 0.000000e+00 : f32
      %broadcast_in_dim3A_50 = vector.broadcast %broadcast_in_dim3A_49 : f32 to vector<64x384xf32>
      %swap3A_51 = arith.constant 0 : index
      %swap3A_52 = arith.constant 0 : index
      %swap3A_53 = vector.load %arg10[%swap3A_51, %swap3A_52] : memref<64x384xf32, #tpu.memory_space<vmem>>, vector<64x384xf32>
      tpu.vector_store %arg10[%swap3A_51, %swap3A_52], %broadcast_in_dim3A_50 {strides = array<i32>} : memref<64x384xf32, #tpu.memory_space<vmem>>, vector<64x384xf32>,
    } else {
    }
    %get3A = arith.constant 0 : index
    %get3A_2 = arith.constant 0 : index
    %get3A_3 = vector.load %arg1[%get3A, %get3A_2] : memref<256x128xf32, #tpu.memory_space<vmem>>, vector<256x128xf32>
    %get3A_4 = arith.constant 0 : index
    %get3A_5 = arith.constant 0 : index
    %get3A_6 = vector.load %arg2[%get3A_4, %get3A_5] : memref<256x128xf32, #tpu.memory_space<vmem>>, vector<256x128xf32>
    %add3A = arith.addf %get3A_3, %get3A_6 : vector<256x128xf32>
    %slice3A = vector.extract_strided_slice %add3A {offsets = [0, 64], sizes = [256, 1], strides = [1, 1]} : vector<256x128xf32> to vector<256x1xf32>
    %slice3A_7 = vector.extract_strided_slice %add3A {offsets = [0, 0], sizes = [256, 64], strides = [1, 1]} : vector<256x128xf32> to vector<256x64xf32>
    %max3A = arith.constant 1.000000e+00 : f32
    %max3A_8 = vector.broadcast %max3A : f32 to vector<256x1xf32>
    %max3A_9 = arith.maximumf %slice3A, %max3A_8 : vector<256x1xf32>
    %div3A = vector.broadcast %max3A_9 : vector<256x1xf32> to vector<256x64xf32>
    %div3A_10 = arith.divf %slice3A_7, %div3A : vector<256x64xf32>
    %get3A_11 = arith.constant 0 : index
    %get3A_12 = arith.constant 0 : index
    %get3A_13 = vector.load %arg3[%get3A_11, %get3A_12] : memref<256x256xf32, #tpu.memory_space<vmem>>, vector<256x256xf32>
    %iota3A = tpu.iota {dimensions = array<i32: 0>} : vector<256x1xi32>
    %mul3A = arith.constant 256 : i32
    %mul3A_14 = arith.muli %arg0, %mul3A : i32
    %add3A_15 = vector.broadcast %mul3A_14 : i32 to vector<256x1xi32>
    %add3A_16 = arith.addi %iota3A, %add3A_15 : vector<256x1xi32>
    %lt3A = arith.constant 10000 : i32
    %lt3A_17 = vector.broadcast %lt3A : i32 to vector<256x1xi32>
    %lt3A_18 = arith.cmpi slt, %add3A_16, %lt3A_17 : vector<256x1xi32>
    %convert_element_type3A_19 = arith.extui %lt3A_18 : vector<256x1xi1> to vector<256x1xi32>
    %convert_element_type3A_20 = arith.sitofp %convert_element_type3A_19 : vector<256x1xi32> to vector<256x1xf32>
    %broadcast_in_dim3A = arith.constant 0.000000e+00 : f32
    %broadcast_in_dim3A_21 = vector.broadcast %broadcast_in_dim3A : f32 to vector<256x63xf32>
    %concatenate3A = tpu.concatenate %div3A_10, %get3A_13, %convert_element_type3A_20, %broadcast_in_dim3A_21 in 1 : vector<256x64xf32>, vector<256x256xf32>, vector<256x1xf32>, vector<256x63xf32> -> vector<256x384xf32>
    %gt3A = arith.constant 0.000000e+00 : f32
    %gt3A_22 = vector.broadcast %gt3A : f32 to vector<256x1xf32>
    %gt3A_23 = arith.cmpf ogt, %convert_element_type3A_20, %gt3A_22 : vector<256x1xf32>
    %jit3A = arith.constant 0.000000e+00 : f32
    %broadcast_in_dim3A_24 = vector.shape_cast %gt3A_23 : vector<256x1xi1> to vector<256x1xi1>
    %broadcast_in_dim3A_25 = vector.broadcast %broadcast_in_dim3A_24 : vector<256x1xi1> to vector<256x384xi1>
    %broadcast_in_dim3A_26 = vector.broadcast %jit3A : f32 to vector<256x384xf32>
    %select_n3A = arith.select %broadcast_in_dim3A_25, %concatenate3A, %broadcast_in_dim3A_26 : vector<256x384xi1>, vector<256x384xf32>
    %get3A_27 = arith.constant 0 : index
    %get3A_28 = arith.constant 0 : index
    %get3A_29 = arith.constant 0 : index
    %get3A_30 = vector.load %arg4[%get3A_27, %get3A_28, %get3A_29] : memref<1x1x256xi32, #tpu.memory_space<vmem>>, vector<1x1x256xi32>
    %get3A_31 = vector.shape_cast %get3A_30 : vector<1x1x256xi32> to vector<1x256xi32>
    %iota3A_32 = tpu.iota {dimensions = array<i32: 0>} : vector<64x256xi32>
    %eq3A_33 = vector.broadcast %get3A_31 : vector<1x256xi32> to vector<64x256xi32>
    %eq3A_34 = arith.cmpi eq, %eq3A_33, %iota3A_32 : vector<64x256xi32>
    %convert_element_type3A_35 = arith.extui %eq3A_34 : vector<64x256xi1> to vector<64x256xi32>
    %convert_element_type3A_36 = arith.sitofp %convert_element_type3A_35 : vector<64x256xi32> to vector<64x256xf32>
    %get3A_37 = arith.constant 0 : index
    %get3A_38 = arith.constant 0 : index
    %get3A_39 = vector.load %arg10[%get3A_37, %get3A_38] : memref<64x384xf32, #tpu.memory_space<vmem>>, vector<64x384xf32>
    %dot_general3A = arith.constant dense<0.000000e+00> : vector<64x384xf32>
    %dot_general3A_40 = tpu.matmul %convert_element_type3A_36, %select_n3A, %dot_general3A {dimension_numbers = #tpu.dot_dimension_numbers<[1], [0], [0], [1], [0, 0, 1, 1], [], []>, transpose_lhs_hint = false} : vector<64x256xf32>, vector<256x384xf32>, vector<64x384xf32> -> vector<64x384xf32>
    %add3A_41 = arith.addf %get3A_39, %dot_general3A_40 : vector<64x384xf32>
    %swap3A = arith.constant 0 : index
    %swap3A_42 = arith.constant 0 : index
    %swap3A_43 = vector.load %arg10[%swap3A, %swap3A_42] : memref<64x384xf32, #tpu.memory_space<vmem>>, vector<64x384xf32>
    tpu.vector_store %arg10[%swap3A, %swap3A_42], %add3A_41 {strides = array<i32>} : memref<64x384xf32, #tpu.memory_space<vmem>>, vector<64x384xf32>,
    %eq3A_44 = arith.constant 39 : i32
    %eq3A_45 = arith.cmpi eq, %arg0, %eq3A_44 : i32
    %convert_element_type3A_46 = arith.extui %eq3A_45 : i1 to i32
    %cond3A_47 = arith.constant 0 : i32
    %cond3A_48 = arith.cmpi ne, %convert_element_type3A_46, %cond3A_47 : i32
    scf.if %cond3A_48 {
      %get3A_49 = arith.constant 0 : index
      %get3A_50 = arith.constant 0 : index
      %get3A_51 = vector.load %arg10[%get3A_49, %get3A_50] : memref<64x384xf32, #tpu.memory_space<vmem>>, vector<64x384xf32>
      %slice3A_52 = vector.extract_strided_slice %get3A_51 {offsets = [0, 0], sizes = [64, 320], strides = [1, 1]} : vector<64x384xf32> to vector<64x320xf32>
      %slice3A_53 = vector.extract_strided_slice %get3A_51 {offsets = [0, 320], sizes = [64, 1], strides = [1, 1]} : vector<64x384xf32> to vector<64x1xf32>
      %max3A_54 = arith.constant 1.000000e+00 : f32
      %max3A_55 = vector.broadcast %max3A_54 : f32 to vector<64x1xf32>
      %max3A_56 = arith.maximumf %slice3A_53, %max3A_55 : vector<64x1xf32>
      %div3A_57 = vector.broadcast %max3A_56 : vector<64x1xf32> to vector<64x320xf32>
      %div3A_58 = arith.divf %slice3A_52, %div3A_57 : vector<64x320xf32>
      %get3A_59 = arith.constant 0 : index
      %get3A_60 = arith.constant 0 : index
      %get3A_61 = vector.load %arg5[%get3A_59, %get3A_60] : memref<320x128xf32, #tpu.memory_space<vmem>>, vector<320x128xf32>
      %dot_general3A_62 = arith.constant dense<0.000000e+00> : vector<64x128xf32>
      %dot_general3A_63 = tpu.matmul %div3A_58, %get3A_61, %dot_general3A_62 {dimension_numbers = #tpu.dot_dimension_numbers<[1], [0], [0], [1], [0, 0, 1, 1], [], []>, transpose_lhs_hint = false} : vector<64x320xf32>, vector<320x128xf32>, vector<64x128xf32> -> vector<64x128xf32>
      %get3A_64 = arith.constant 0 : index
      %get3A_65 = arith.constant 0 : index
      %get3A_66 = vector.load %arg6[%get3A_64, %get3A_65] : memref<1x128xf32, #tpu.memory_space<vmem>>, vector<1x128xf32>
      %add3A_67 = vector.broadcast %get3A_66 : vector<1x128xf32> to vector<64x128xf32>
      %add3A_68 = arith.addf %dot_general3A_63, %add3A_67 : vector<64x128xf32>
      %max3A_69 = arith.constant 0.000000e+00 : f32
      %max3A_70 = vector.broadcast %max3A_69 : f32 to vector<64x128xf32>
      %max3A_71 = arith.maximumf %add3A_68, %max3A_70 : vector<64x128xf32>
      %get3A_72 = arith.constant 0 : index
      %get3A_73 = arith.constant 0 : index
      %get3A_74 = vector.load %arg7[%get3A_72, %get3A_73] : memref<128x1xf32, #tpu.memory_space<vmem>>, vector<128x1xf32>
      %dot_general3A_75 = arith.constant dense<0.000000e+00> : vector<64x1xf32>
      %dot_general3A_76 = tpu.matmul %max3A_71, %get3A_74, %dot_general3A_75 {dimension_numbers = #tpu.dot_dimension_numbers<[1], [0], [0], [1], [0, 0, 1, 1], [], []>, transpose_lhs_hint = false} : vector<64x128xf32>, vector<128x1xf32>, vector<64x1xf32> -> vector<64x1xf32>
      %get3A_77 = arith.constant 0 : index
      %get3A_78 = arith.constant 0 : index
      %get3A_79 = vector.load %arg8[%get3A_77, %get3A_78] : memref<1x1xf32, #tpu.memory_space<vmem>>, vector<1x1xf32>
      %add3A_80 = vector.broadcast %get3A_79 : vector<1x1xf32> to vector<64x1xf32>
      %add3A_81 = arith.addf %dot_general3A_76, %add3A_80 : vector<64x1xf32>
      %neg3A = arith.constant 0.000000e+00 : f32
      %neg3A_82 = vector.broadcast %neg3A : f32 to vector<64x1xf32>
      %neg3A_83 = arith.subf %neg3A_82, %add3A_81 : vector<64x1xf32>
      %exp3A = math.exp %neg3A_83 : vector<64x1xf32>
      %add3A_84 = arith.constant 1.000000e+00 : f32
      %add3A_85 = vector.broadcast %add3A_84 : f32 to vector<64x1xf32>
      %add3A_86 = arith.addf %add3A_85, %exp3A : vector<64x1xf32>
      %div3A_87 = arith.constant 1.000000e+00 : f32
      %div3A_88 = vector.broadcast %div3A_87 : f32 to vector<64x1xf32>
      %div3A_89 = arith.divf %div3A_88, %add3A_86 : vector<64x1xf32>
      %swap3A_90 = arith.constant 0 : index
      %swap3A_91 = arith.constant 0 : index
      %swap3A_92 = vector.load %arg9[%swap3A_90, %swap3A_91] : memref<64x1xf32, #tpu.memory_space<vmem>>, vector<64x1xf32>
      tpu.vector_store %arg9[%swap3A_90, %swap3A_91], %div3A_89 {strides = array<i32>} : memref<64x1xf32, #tpu.memory_space<vmem>>, vector<64x1xf32>,
    } else {
    }
    return
  }
  func.func @transform_0(%arg0: i32) -> (i32, i32) {
    %c0_i32 = arith.constant 0 : i32
    %c0_i32_0 = arith.constant 0 : i32
    return %arg0, %c0_i32 : i32, i32
  }
  func.func @transform_1(%arg0: i32) -> (i32, i32) {
    %c0_i32 = arith.constant 0 : i32
    %c0_i32_0 = arith.constant 0 : i32
    return %arg0, %c0_i32 : i32, i32
  }
  func.func @transform_2(%arg0: i32) -> (i32, i32) {
    %c0_i32 = arith.constant 0 : i32
    %c0_i32_0 = arith.constant 0 : i32
    return %arg0, %c0_i32 : i32, i32
  }
  func.func @transform_3(%arg0: i32) -> (i32, i32, i32) {
    %c0_i32 = arith.constant 0 : i32
    %c0_i32_0 = arith.constant 0 : i32
    %c0_i32_1 = arith.constant 0 : i32
    return %arg0, %c0_i32, %c0_i32_0 : i32, i32, i32
  }
  func.func @transform_4(%arg0: i32) -> (i32, i32) {
    %c0_i32 = arith.constant 0 : i32
    %c0_i32_0 = arith.constant 0 : i32
    %c0_i32_1 = arith.constant 0 : i32
    return %c0_i32, %c0_i32_0 : i32, i32
  }
  func.func @transform_5(%arg0: i32) -> (i32, i32) {
    %c0_i32 = arith.constant 0 : i32
    %c0_i32_0 = arith.constant 0 : i32
    %c0_i32_1 = arith.constant 0 : i32
    return %c0_i32, %c0_i32_0 : i32, i32
  }
  func.func @transform_6(%arg0: i32) -> (i32, i32) {
    %c0_i32 = arith.constant 0 : i32
    %c0_i32_0 = arith.constant 0 : i32
    %c0_i32_1 = arith.constant 0 : i32
    return %c0_i32, %c0_i32_0 : i32, i32
  }
  func.func @transform_7(%arg0: i32) -> (i32, i32) {
    %c0_i32 = arith.constant 0 : i32
    %c0_i32_0 = arith.constant 0 : i32
    %c0_i32_1 = arith.constant 0 : i32
    return %c0_i32, %c0_i32_0 : i32, i32
  }
  func.func @transform_8(%arg0: i32) -> (i32, i32) {
    %c0_i32 = arith.constant 0 : i32
    %c0_i32_0 = arith.constant 0 : i32
    %c0_i32_1 = arith.constant 0 : i32
    return %c0_i32, %c0_i32_0 : i32, i32
  }
}

</mosaic_0001>

<sc_bundles>
// kernel: kernel.10.cloned.1.call-start
scs
__scs_entry_jumppad:
0x0: {  	(pc) =	sbr.rel $0x88, $3  }
0x1: {  	(tag) =	ssettag $0x0;
	lr =	simm.s32 $0x1  }
0x2: {  	[smem:$0x3F8E] =	sst lr;
	_ =	strace $0xD0000000  }
0x3: {  	_ = 	snop  }
0x4: {  	_ = 	snop  }
0x5: {  	_ = 	snop  }
0x6: {  	_ = 	snop  }
0x7: {  	_ = 	snop  }
__scs_overlays_trampoline_lowered:
0x8: {  	[smem:$0x3F9D] =	sst s0  }
0x9: {  	[smem:$0x3F9E] =	sst s1  }
0xa: {  	[smem:$0x3F9F] =	sst s2  }
0xb: {  	[smem:$0x3FA0] =	sst s3  }
0xc: {  	[smem:$0x3FA1] =	sst s4  }
0xd: {  	[smem:$0x3FA2] =	sst s5  }
0xe: {  	[smem:$0x3FA3] =	sst s6  }
0xf: {  	[smem:$0x3FA4] =	sst s7  }
0x10: {  	[smem:$0x3FA5] =	sst s8  }
0x11: {  	[smem:$0x3FA6] =	sst s9;
	s0 =	simm.s32 @!p0 $0x0  }
0x12: {  	s1 =	sld [smem:$0x3F8C];
	s0 =	simm.s32 @p0 $0x1  }
0x13: {  	[smem:$0x3FA7] =	sst s0;
	s0 =	simm.s32 @!p1 $0x0  }
0x14: {  	s2 =	sld [smem:$0x3F8B];
	s0 =	simm.s32 @p1 $0x1  }
0x15: {  	[smem:$0x3FA8] =	sst s0;
	s0 =	simm.s32 @!p2 $0x0  }
0x16: {  	s3 =	sld [smem:$0x3FDB];
	s0 =	simm.s32 @p2 $0x1  }
0x17: {  	s4 =	simm.s32 $0x1BF5;
	[smem:$0x3FAA] =	sst s0  }
0x18: {  	s0 =	sld [smem:$0x3F8D];
	_ =	swait.ge [sflag:s4], $0x0  }
0x19: {  	s7 =	sld [smem:$0x3F8E]  }
0x1a: {  	s8 =	sadd.s32 $0xFFFFE003, lr  }
0x1b: {  	s9 =	sadd.s32 $0xFFFFFEF7, lr;
	s5 =	simm.s32 $0xFFFFFFFF;
	p2 =	slt.u32 s8, $0xFFFFF086  }
0x1c: {  	p1 =	slt.u32 s9, $0xF7A;
	s5 =	simm.s32 @!p2 $0x0  }
0x1d: {  	s5 =	simm.s32 @p1 $0x1;
	p0 =	seq.s32 s7, s2  }
0x1e: {  	s7 =	smul.u32 @!p0 $0xF7A, s2;
	p2 =	seq.s32 @!p0 s5, $0x0  }
0x1f: {  	s9 =	smul.u32 $0xF7A, s1;
	s8 =	simm.s32 @!p0 $0x1BF5;
	p2 =	por !p2, p0  }
0x20: {  	[sflag:s8] =	ssyncset.s32 @!p0 $0xFFFFF086;
	s6 =	sadd.s32 @!p0 s3, s7;
	s7 =	simm.s32 @!p0 $0x108  }
0x21: {  	s3 =	sadd.s32 s3, s9;
	s6 =	sadd.s32 @!p0 $0x88, s6;
	s7 =	simm.s32 @p2 $0x1082  }
0x22: {  	[simem:s7], [sflag:s8] =	dma.local @!p0 [hbm:s6], $0xF7A  }
0x23: {  	s9 =	sor.u32 $0xD0000000, s2;
	s6 =	simm.s32 $0x108;
	_ =	swait.ge @!p0 [sflag:s8], $0x0  }
0x24: {  	s3 =	sadd.s32 $0x88, s3;
	s6 =	simm.s32 @!p1 $0x1082;
	[sflag:s4] =	ssyncset.s32 $0xFFFFF086  }
0x25: {  	[simem:s6], [sflag:s4] =	dma.local [hbm:s3], $0xF7A  }
0x26: {  	[smem:$0x3F8E] =	sst s1;
	(tag) =	ssettag s2;
	_ =	strace s9  }
0x27: {  	s1 =	sld [smem:$0x3F9E]  }
0x28: {  	s2 =	sld [smem:$0x3F9F]  }
0x29: {  	s4 =	sld [smem:$0x3FA1]  }
0x2a: {  	p0 =	seq.s32 s5, $0x0;
	s5 =	sld [smem:$0x3FA2]  }
0x2b: {  	s6 =	sld [smem:$0x3FA3]  }
0x2c: {  	s7 =	sld [smem:$0x3FA4]  }
0x2d: {  	s3 =	simm.s32 $0x108;
	s8 =	sld [smem:$0x3FA5]  }
0x2e: {  	s3 =	simm.s32 @!p0 $0x1082;
	s9 =	sld [smem:$0x3FA6]  }
0x2f: {  	lr =	sadd.s32 s0, s3;
	s0 =	sld [smem:$0x3F9D]  }
0x30: {  	s3 =	sld [smem:$0x3FA0]  }
0x31: {  	[smem:$0x3FA9] =	sst s10  }
0x32: {  	s10 =	sld [smem:$0x3FA7];
	_ =	sdelay $0x3  }
0x33: {  	p0 =	seq.s32 s10, $0x1;
	s10 =	sld [smem:$0x3FA9];
	_ =	sdelay $0x3  }
0x34: {  	[smem:$0x3FA9] =	sst s10  }
0x35: {  	s10 =	sld [smem:$0x3FA8];
	_ =	sdelay $0x3  }
0x36: {  	p1 =	seq.s32 s10, $0x1;
	s10 =	sld [smem:$0x3FA9];
	_ =	sdelay $0x3  }
0x37: {  	[smem:$0x3FA9] =	sst s10  }
0x38: {  	s10 =	sld [smem:$0x3FAA]  }
0x39: {  	_ = 	snop;
	(pc) =	sbr.ind lr, $3  }
0x3a: {  	_ = 	snop  }
0x3b: {  	_ = 	snop  }
0x3c: {  	p2 =	seq.s32 s10, $0x1;
	s10 =	sld [smem:$0x3FA9]  }
0x3d: {  	_ =	shalt  }
0x3e: {  	_ =	shalt  }
0x3f: {  	_ =	shalt  }
0x40: {  	_ =	shalt  }
0x41: {  	_ =	shalt  }
0x42: {  	_ =	shalt  }
0x43: {  	_ =	shalt  }
0x44: {  	_ =	shalt  }
0x45: {  	_ =	shalt  }
0x46: {  	_ =	shalt  }
0x47: {  	_ =	shalt  }
0x48: {  	_ =	shalt  }
0x49: {  	_ =	shalt  }
0x4a: {  	_ =	shalt  }
0x4b: {  	_ =	shalt  }
0x4c: {  	_ =	shalt  }
0x4d: {  	_ =	shalt  }
0x4e: {  	_ =	shalt  }
0x4f: {  	_ =	shalt  }
0x50: {  	_ =	shalt  }
0x51: {  	_ =	shalt  }
0x52: {  	_ =	shalt  }
0x53: {  	_ =	shalt  }
0x54: {  	_ =	shalt  }
0x55: {  	_ =	shalt  }
0x56: {  	_ =	shalt  }
0x57: {  	_ =	shalt  }
0x58: {  	_ =	shalt  }
0x59: {  	_ =	shalt  }
0x5a: {  	_ =	shalt  }
0x5b: {  	_ =	shalt  }
0x5c: {  	_ =	shalt  }
0x5d: {  	_ =	shalt  }
0x5e: {  	_ =	shalt  }
0x5f: {  	_ =	shalt  }
0x60: {  	_ =	shalt  }
0x61: {  	_ =	shalt  }
0x62: {  	_ =	shalt  }
0x63: {  	_ =	shalt  }
0x64: {  	_ =	shalt  }
0x65: {  	_ =	shalt  }
0x66: {  	_ =	shalt  }
0x67: {  	_ =	shalt  }
0x68: {  	_ =	shalt  }
0x69: {  	_ =	shalt  }
0x6a: {  	_ =	shalt  }
0x6b: {  	_ =	shalt  }
0x6c: {  	_ =	shalt  }
0x6d: {  	_ =	shalt  }
0x6e: {  	_ =	shalt  }
0x6f: {  	_ =	shalt  }
0x70: {  	_ =	shalt  }
0x71: {  	_ =	shalt  }
0x72: {  	_ =	shalt  }
0x73: {  	_ =	shalt  }
0x74: {  	_ =	shalt  }
0x75: {  	_ =	shalt  }
0x76: {  	_ =	shalt  }
0x77: {  	_ =	shalt  }
0x78: {  	_ =	shalt  }
0x79: {  	_ =	shalt  }
0x7a: {  	_ =	shalt  }
0x7b: {  	_ =	shalt  }
0x7c: {  	_ =	shalt  }
0x7d: {  	_ =	shalt  }
0x7e: {  	_ =	shalt  }
0x7f: {  	_ =	shalt  }
0x80: {  	_ =	shalt  }
0x81: {  	_ =	shalt  }
0x82: {  	_ =	shalt  }
0x83: {  	_ =	shalt  }
0x84: {  	_ =	shalt  }
0x85: {  	_ =	shalt  }
0x86: {  	_ =	shalt  }
0x87: {  	_ =	shalt  }
.Lfunc_end0:
.L_simem_size_0:
called_computation_lowered:
.L_overlay_start_0:
0x88: {  	s2 =	sld [smem:$0x3FD9]  }
0x89: {  	s3 =	sld [smem:$0x3FFE];
	_ =	sdelay $0x1  }
0x8a: {  	s1 =	srdreg.scid  }
0x8b: {  	s0 =	sand.u32 $0x1, s1  }
0x8c: {  	s16 =	sshll.u32 s0, $0xA;
	s2 =	sadd.s32 s3, s2  }
0x8d: {  	s2 =	sadd.s32 s2, s16  }
0x8e: {  	[smem:$0x3FB5] =	sst s2  }
0x8f: {  	_ = 	snop  }
0x90: {  	(tm) =	ssettm $0x1  }
0x91: {  	s17 =	sld [smem:$0x3FFB];
	_ =	sdelay $0x3  }
0x92: {  	_ =	strace s17  }
0x93: {  	s2 =	sld [smem:$0x3FFC];
	_ =	sdelay $0x3  }
0x94: {  	_ =	strace s2  }
0x95: {  	s2 =	sld [smem:$0x3FFD];
	_ =	sdelay $0x3  }
0x96: {  	_ =	strace s2  }
0x97: {  	_ =	strace $0x8FFFFFFF  }
0x98: {  	s18 =	sld [smem:$0x3FDB];
	_ =	sdelay $0x1  }
0x99: {  	s19 =	simm.s32 $_scs_section_size  }
0x9a: {  	s4 =	simm.s32 $_size__tile_overlayer_lowered;
	s5 =	simm.s32 $_tile_overlayer_lowered  }
0x9b: {  	s22 =	simm.s32 $0x1BFF;
	s21 =	sshll.u32 s5, $0x1;
	s2 =	sadd.s32 s19, s18  }
0x9c: {  	s6 =	simm.s32 $0x0;
	s20 =	sshll.u32 s4, $0x1;
	s4 =	sadd.s32 s21, s2  }
0x9d: {  	[timem:s6], [sflag:s22] =	dma.local [hbm:s4], s20  }
0x9e: {  	_ =	swait.ge [sflag:s22], s20  }
0x9f: {  	s3 =	ssub.s32 $0x0, s20;
	[sflag:s22] =	ssyncset.done $0x0  }
0xa0: {  	[sflag:s22] =	ssyncadd.s32 s3;
	_ =	sdelay $0x1  }
0xa1: {  	s23 =	simm.s32 $0x1B8B  }
0xa2: {  	_ =	swait.ge [sflag:s23], $0x1  }
0xa3: {  	[sflag:s23] =	ssyncset.done $0x0  }
0xa4: {  	s25 =	simm.s32 $0x1B8E;
	s24 =	sld [smem:$0x3FFE];
	[sflag:s23] =	ssyncadd.s32 $0xFFFFFFFF  }
0xa5: {  	s26 =	simm.s32 $execute0_lowered;
	[smem:$0x3FD2] =	sst s25  }
0xa6: {  	s4 =	sshll.u32 s26, $0x1;
	_ =	strace $0x80000046;
	[dreg:$0x1] =	wrdreg $0xFFFFFFFF  }
0xa7: {  	s28 =	simm.s32 $_size_execute0_lowered;
	s2 =	sadd.s32 s2, s4;
	[dreg:$0x0] =	wrdreg $0x0  }
0xa8: {  	s4 =	sshll.u32 s28, $0x1;
	[dreg:$0x2] =	wrdreg s2  }
0xa9: {  	[dreg:$0x3] =	wrdreg s4  }
0xaa: {  	[dreg:$0x4] =	wrdreg $0xC0  }
0xab: {  	_ =	task [dreg:s6], $0x5FFFF  }
0xac: {  	[dreg:$0x1] =	wrdreg $0xFFFFFFFF  }
0xad: {  	[dreg:$0x0] =	wrdreg $0x60  }
0xae: {  	[dreg:$0x2] =	wrdreg s24  }
0xaf: {  	[dreg:$0x3] =	wrdreg $0x9  }
0xb0: {  	_ =	task.clear_ibuf [dreg:s6], $0x4FFFF;
	_ =	strace $0x90000046  }
0xb1: {  	s29 =	simm.s32 $0x9;
	_ =	strace $0x80000048  }
0xb2: {  	_ =	swait.ge [sflag:s29], $0x1  }
0xb3: {  	[sflag:s29] =	ssyncadd.s32 $0xFFFFFFFF  }
0xb4: {  	_ =	strace $0x90000048  }
0xb5: {  	_ =	sfence  }
0xb6: {  	s30 =	sld [smem:$0x0];
	_ =	sdelay $0x2  }
0xb7: {  	s31 =	sshll.u32 s1, $0xD;
	s1 =	sshrl.u32 s1, $0x2  }
0xb8: {  	s3 =	sand.u32 $0x4000, s31;
	s1 =	sadd.s32 s1, s30  }
0xb9: {  	s0 =	sor.u32 s3, s0;
	s1 =	sshll.u32 s1, $0x11  }
0xba: {  	s0 =	sor.u32 s1, s0  }
0xbb: {  	s0 =	sadd.s32 $0x8F2B, s0  }
0xbc: {  	[sflag:s0] =	ssyncadd.remote.s32 $0x1  }
0xbd: {  	_ =	sfence.sel $0xFFFF  }
0xbe: {  	[dreg:$0x0] =	wrdreg $0xFFFFFFFF;
	(pc) =	sbr.abs _section_cstart, $3  }
0xbf: {  	[dreg:$0x1] =	wrdreg $0xFFFFFFFF  }
0xc0: {  	_ =	task.clear_ibuf [dreg:s6], $0x2FFFF;
	_ =	strace $0x9FFFFFFF  }
0xc1: {  	(tm) =	ssettm $0x7FFFFFFF  }
tec
execute0_lowered:
.L_overlay_start_1:
0x0: {  	(tag) =	ssettag $0x1  }
0x1: {  	s0 =	rddreg [dreg:$0x0];
	s1 =	simm.s32 $0x0  }
0x2: {  	s26 =	srdreg.scid;
	s6 =	stileid.u32;
	s9 =	simm.s32 $0x800  }
0x3: {  	s10 =	simm.s32 $0x7;
	s11 =	simm.s32 $0x64;
	s12 =	simm.s32 $0x1000  }
0x4: {  	s13 =	simm.s32 $0x7800;
	s15 =	simm.s32 $0x4400;
	s17 =	simm.s32 $0xAC00  }
0x5: {  	s18 =	simm.s32 $0x1;
	s19 =	simm.s32 $0x3;
	s20 =	simm.s32 $0xE000  }
0x6: {  	s23 =	simm.s32 $0x2;
	s24 =	simm.s32 $0x4;
	s25 =	simm.s32 $0x11400  }
0x7: {  	s29 =	simm.s32 $0x5;
	s16 =	simm.s32 $0xB80;
	s21 =	simm.s32 $0x380  }
0x8: {  	s22 =	simm.s32 $0xC00;
	s28 =	simm.s32 $0xC80;
	s30 =	simm.s32 $0x480  }
0x9: {  	[smem:$0x7FF] =	sst s1;
	s3 =	sadd.s32 $0x17600, s0;
	s1 =	sand.u32 $0x1, s26  }
0xa: {  	s4 =	sadd.s32 $0xD600, s0;
	s5 =	sadd.s32 $0x3600, s0;
	s2 =	ssub.s32 $0x2, s1  }
0xb: {  	s8 =	sshll.u32 s6, $0x1;
	s6 =	sadd.s32 $0x3E800, s0;
	s7 =	sshrl.u32 s2, $0x1  }
0xc: {  	s26 =	simm.s32 $0x400;
	s1 =	sor.u32 s1, s8;
	s31 =	ssub.s32 s2, s7  }
0xd: {  	_ =	strace $0x80000047;
	s7 =	smul.u32 $0x5, s1;
	s0 =	smax.u32 s31, $0x1  }
0xe: {  	s2 =	simm.s32 $0x0;
	[dreg:$0x2] =	wrdreg s0;
	s0 =	simm.s32 $0x6  }
.LBB2_1:
0xf: {  	[dreg:$0x3] =	wrdreg s2;
	s31 =	simm.s32 $0x0  }
.LBB2_2:
0x10: {  	s2 =	sadd.s32 s7, s31  }
0x11: {  	s1 =	sshll.u32 s2, $0x8  }
0x12: {  	s14 =	simm.s32 $0x0;
	s8 =	sadd.s32 s5, s1  }
0x13: {  	[tilespmem:s9], [sflag:$0x7] =	stream.linear.gather [hbm4b:s8+s14], $0x500, $0x38;
	[tilespmem:$0x14800] =	vst v63  }
0x14: {  	_ =	swait.ge [sflag:s10], $0x500  }
0x15: {  	[sflag:s10] =	ssyncset.done $0x0  }
0x16: {  	s1 =	sadd.s32 s4, s1;
	[sflag:s10] =	ssyncadd.s32 $0xFFFFFB00  }
0x17: {  	[tilespmem:s14], [sflag:$0x7] =	stream.linear.gather [hbm4b:s1+s14], $0x500, $0x38;
	[tilespmem:$0x14800] =	vst v63  }
0x18: {  	_ =	swait.ge [sflag:s10], $0x500  }
0x19: {  	[sflag:s10] =	ssyncset.done $0x0  }
0x1a: {  	[sflag:s10] =	ssyncadd.s32 $0xFFFFFB00  }
0x1b: {  	[tilespmem:s12], [sflag:$0x1] =	stream.indirect.gather [hbm4b:s3+s11], $0x80, s9, s11, $0xb8;
	[tilespmem:$0x14800] =	vst v63  }
0x1c: {  	_ = 	snop  }
0x1d: {  	[tilespmem:s13], [sflag:$0x3] =	stream.indirect.gather [hbm4b:s3+s11], $0x80, s14, s11, $0xb8;
	[tilespmem:$0x14800] =	vst v63  }
0x1e: {  	s8 =	simm.s32 $0x880  }
0x1f: {  	[tilespmem:s15], [sflag:$0x2] =	stream.indirect.gather [hbm4b:s3+s11], $0x80, s8, s11, $0xb8;
	[tilespmem:$0x14800] =	vst v63  }
0x20: {  	s14 =	simm.s32 $0x80  }
0x21: {  	[tilespmem:s17], [sflag:$0x4] =	stream.indirect.gather [hbm4b:s3+s11], $0x80, s14, s11, $0xb8;
	[tilespmem:$0x14800] =	vst v63  }
0x22: {  	_ =	swait.ge [sflag:s18], $0x3200  }
0x23: {  	[sflag:s18] =	ssyncset.done $0x0  }
0x24: {  	[sflag:s18] =	ssyncadd.s32 $0xFFFFCE00  }
0x25: {  	_ =	swait.ge [sflag:s19], $0x3200  }
0x26: {  	[sflag:s19] =	ssyncset.done $0x0  }
0x27: {  	s8 =	simm.s32 $0x0;
	[sflag:s19] =	ssyncadd.s32 $0xFFFFCE00  }
0x28: {  	v2 =	vld [tilespmem:s8+$0x1030]  }
0x29: {  	v4 =	vld [tilespmem:s8+$0x7870]  }
0x2a: {  	v5 =	vld [tilespmem:s8+$0x1000]  }
0x2b: {  	v6 =	vld [tilespmem:s8+$0x7840]  }
0x2c: {  	v1 =	vld [tilespmem:s8+$0x1010]  }
0x2d: {  	v3 =	vld [tilespmem:s8+$0x7850]  }
0x2e: {  	v0 =	vld [tilespmem:s8+$0x1020];
	v7 =	vadd.f32 v4, v2  }
0x2f: {  	s1 =	simm.s32 $0x80;
	v4 =	vld [tilespmem:s8+$0x7860]  }
0x30: {  	s14 =	simm.s32 $0x400;
	v2 =	vld [tilespmem:s1+$0x1030];
	v5 =	vadd.f32 v6, v5;
	[tilespmem:s8+$0xE030] =	vst v7  }
.LBB2_3:
0x31: {  	p0 =	sne.s32 s14, $0xC600;
	v6 =	vld [tilespmem:s1+$0x7870]  }
0x32: {  	v7 =	vld [tilespmem:s1+$0x1000];
	[tilespmem:s8+$0xE000] =	vst v5;
	v3 =	vadd.f32 v3, v1  }
0x33: {  	v5 =	vld [tilespmem:s1+$0x7840]  }
.Ltmp0:
0x34: {  	v1 =	vld [tilespmem:s1+$0x1010];
	[tilespmem:s8+$0xE010] =	vst v3;
	v4 =	vadd.f32 v4, v0;
	(pc) =	sbr.rel @p0 .LBB2_3-.Ltmp0, $4  }
0x35: {  	v3 =	vld [tilespmem:s1+$0x7850]  }
0x36: {  	v0 =	vld [tilespmem:s1+$0x1020];
	v6 =	vadd.f32 v6, v2;
	[tilespmem:s8+$0xE020] =	vst v4;
	s8 =	smov.u32 s1  }
0x37: {  	s1 =	sshra.s32 s14, $0x2;
	v4 =	vld [tilespmem:s8+$0x7860]  }
0x38: {  	s14 =	sadd.s32 $0x200, s14;
	v2 =	vld [tilespmem:s1+$0x1030];
	v5 =	vadd.f32 v5, v7;
	[tilespmem:s8+$0xE030] =	vst v6  }
0x39: {  	v6 =	vld [tilespmem:s1+$0x7870]  }
0x3a: {  	v7 =	vld [tilespmem:s1+$0x1000];
	[tilespmem:s8+$0xE000] =	vst v5;
	v1 =	vadd.f32 v3, v1  }
0x3b: {  	v3 =	vld [tilespmem:s1+$0x7840]  }
0x3c: {  	v5 =	vld [tilespmem:s1+$0x1010];
	[tilespmem:s8+$0xE010] =	vst v1;
	v0 =	vadd.f32 v4, v0  }
0x3d: {  	v1 =	vld [tilespmem:s1+$0x7850]  }
0x3e: {  	v4 =	vld [tilespmem:s1+$0x1020];
	[tilespmem:s8+$0xE020] =	vst v0  }
0x3f: {  	v0 =	vld [tilespmem:s1+$0x7860];
	_ =	sdelay $0x1  }
0x40: {  	v2 =	vadd.f32 v6, v2  }
0x41: {  	v3 =	vadd.f32 v3, v7  }
0x42: {  	[tilespmem:s1+$0xE030] =	vst v2;
	v1 =	vadd.f32 v1, v5  }
0x43: {  	s14 =	smul.u32 $0x4100, s2;
	[tilespmem:s1+$0xE000] =	vst v3;
	v0 =	vadd.f32 v0, v4  }
0x44: {  	[tilespmem:s1+$0xE010] =	vst v1  }
0x45: {  	s8 =	sadd.s32 s6, s14;
	s14 =	simm.s32 $0x0;
	[tilespmem:s1+$0xE020] =	vst v0  }
0x46: {  	[hbm4b:s8+s14] =	stream.linear.scatter [tilespmem:s20], [sflag:$0x5], $0x3200, $0x38;
	[tilespmem:$0x14800] =	vst v63  }
0x47: {  	s8 =	simm.s32 $0x900  }
0x48: {  	[tilespmem:s12], [sflag:$0x1] =	stream.indirect.gather [hbm4b:s3+s11], $0x80, s8, s11, $0xb8;
	[tilespmem:$0x14800] =	vst v63  }
0x49: {  	s14 =	simm.s32 $0x100  }
0x4a: {  	[tilespmem:s13], [sflag:$0x3] =	stream.indirect.gather [hbm4b:s3+s11], $0x80, s14, s11, $0xb8;
	[tilespmem:$0x14800] =	vst v63  }
0x4b: {  	_ =	swait.ge [sflag:s23], $0x3200  }
0x4c: {  	[sflag:s23] =	ssyncset.done $0x0  }
0x4d: {  	[sflag:s23] =	ssyncadd.s32 $0xFFFFCE00  }
0x4e: {  	_ =	swait.ge [sflag:s24], $0x3200  }
0x4f: {  	[sflag:s24] =	ssyncset.done $0x0  }
0x50: {  	s1 =	simm.s32 $0x0;
	[sflag:s24] =	ssyncadd.s32 $0xFFFFCE00  }
0x51: {  	v2 =	vld [tilespmem:s1+$0x4430]  }
0x52: {  	v4 =	vld [tilespmem:s1+$0xAC70]  }
0x53: {  	v5 =	vld [tilespmem:s1+$0x4400]  }
0x54: {  	v6 =	vld [tilespmem:s1+$0xAC40]  }
0x55: {  	v1 =	vld [tilespmem:s1+$0x4410]  }
0x56: {  	v3 =	vld [tilespmem:s1+$0xAC50]  }
0x57: {  	v0 =	vld [tilespmem:s1+$0x4420];
	v7 =	vadd.f32 v4, v2  }
0x58: {  	s8 =	simm.s32 $0x80;
	v4 =	vld [tilespmem:s1+$0xAC60]  }
0x59: {  	s14 =	simm.s32 $0x400;
	v2 =	vld [tilespmem:s8+$0x4430];
	v5 =	vadd.f32 v6, v5;
	[tilespmem:s1+$0x11430] =	vst v7  }
.LBB2_5:
0x5a: {  	p0 =	sne.s32 s14, $0xC600;
	v6 =	vld [tilespmem:s8+$0xAC70]  }
0x5b: {  	v7 =	vld [tilespmem:s8+$0x4400];
	[tilespmem:s1+$0x11400] =	vst v5;
	v3 =	vadd.f32 v3, v1  }
0x5c: {  	v5 =	vld [tilespmem:s8+$0xAC40]  }
.Ltmp1:
0x5d: {  	v1 =	vld [tilespmem:s8+$0x4410];
	[tilespmem:s1+$0x11410] =	vst v3;
	v4 =	vadd.f32 v4, v0;
	(pc) =	sbr.rel @p0 .LBB2_5-.Ltmp1, $4  }
0x5e: {  	v3 =	vld [tilespmem:s8+$0xAC50]  }
0x5f: {  	v0 =	vld [tilespmem:s8+$0x4420];
	v6 =	vadd.f32 v6, v2;
	[tilespmem:s1+$0x11420] =	vst v4;
	s1 =	smov.u32 s8  }
0x60: {  	s8 =	sshra.s32 s14, $0x2;
	v4 =	vld [tilespmem:s1+$0xAC60]  }
0x61: {  	s14 =	sadd.s32 $0x200, s14;
	v2 =	vld [tilespmem:s8+$0x4430];
	v5 =	vadd.f32 v5, v7;
	[tilespmem:s1+$0x11430] =	vst v6  }
0x62: {  	v6 =	vld [tilespmem:s8+$0xAC70]  }
0x63: {  	v7 =	vld [tilespmem:s8+$0x4400];
	[tilespmem:s1+$0x11400] =	vst v5;
	v1 =	vadd.f32 v3, v1  }
0x64: {  	v3 =	vld [tilespmem:s8+$0xAC40]  }
0x65: {  	v5 =	vld [tilespmem:s8+$0x4410];
	[tilespmem:s1+$0x11410] =	vst v1;
	v0 =	vadd.f32 v4, v0  }
0x66: {  	v1 =	vld [tilespmem:s8+$0xAC50]  }
0x67: {  	v4 =	vld [tilespmem:s8+$0x4420];
	[tilespmem:s1+$0x11420] =	vst v0  }
0x68: {  	v0 =	vld [tilespmem:s8+$0xAC60];
	_ =	sdelay $0x1  }
0x69: {  	v2 =	vadd.f32 v6, v2  }
0x6a: {  	s2 =	smul.u32 $0x20800, s2;
	v3 =	vadd.f32 v3, v7  }
0x6b: {  	[tilespmem:s8+$0x11430] =	vst v2;
	v1 =	vadd.f32 v1, v5  }
0x6c: {  	s1 =	sshrl.u32 s2, $0x3;
	[tilespmem:s8+$0x11400] =	vst v3;
	v0 =	vadd.f32 v0, v4  }
0x6d: {  	s2 =	sadd.s32 s6, s1;
	[tilespmem:s8+$0x11410] =	vst v1  }
0x6e: {  	s14 =	simm.s32 $0x0;
	s1 =	sadd.s32 $0x680, s2;
	[tilespmem:s8+$0x11420] =	vst v0  }
0x6f: {  	[hbm4b:s1+s14] =	stream.linear.scatter [tilespmem:s25], [sflag:$0x6], $0x3200, $0x38;
	[tilespmem:$0x14800] =	vst v63  }
0x70: {  	s8 =	simm.s32 $0x980  }
0x71: {  	[tilespmem:s15], [sflag:$0x2] =	stream.indirect.gather [hbm4b:s3+s11], $0x80, s8, s11, $0xb8;
	[tilespmem:$0x14800] =	vst v63  }
0x72: {  	s14 =	simm.s32 $0x180  }
0x73: {  	[tilespmem:s17], [sflag:$0x4] =	stream.indirect.gather [hbm4b:s3+s11], $0x80, s14, s11, $0xb8;
	[tilespmem:$0x14800] =	vst v63  }
0x74: {  	_ =	swait.ge [sflag:s18], $0x3200  }
0x75: {  	[sflag:s18] =	ssyncset.done $0x0  }
0x76: {  	[sflag:s18] =	ssyncadd.s32 $0xFFFFCE00  }
0x77: {  	_ =	swait.ge [sflag:s19], $0x3200  }
0x78: {  	[sflag:s19] =	ssyncset.done $0x0  }
0x79: {  	[sflag:s19] =	ssyncadd.s32 $0xFFFFCE00  }
0x7a: {  	_ =	swait.ge [sflag:s29], $0x3200  }
0x7b: {  	[sflag:s29] =	ssyncset.done $0x0  }
0x7c: {  	s1 =	simm.s32 $0x0;
	[sflag:s29] =	ssyncadd.s32 $0xFFFFCE00  }
0x7d: {  	v2 =	vld [tilespmem:s1+$0x1030]  }
0x7e: {  	v4 =	vld [tilespmem:s1+$0x7870]  }
0x7f: {  	v5 =	vld [tilespmem:s1+$0x1000]  }
0x80: {  	v6 =	vld [tilespmem:s1+$0x7840]  }
0x81: {  	v1 =	vld [tilespmem:s1+$0x1010]  }
0x82: {  	v3 =	vld [tilespmem:s1+$0x7850]  }
0x83: {  	v0 =	vld [tilespmem:s1+$0x1020];
	v7 =	vadd.f32 v4, v2  }
0x84: {  	s8 =	simm.s32 $0x80;
	v4 =	vld [tilespmem:s1+$0x7860]  }
0x85: {  	s14 =	simm.s32 $0x400;
	v2 =	vld [tilespmem:s8+$0x1030];
	v5 =	vadd.f32 v6, v5;
	[tilespmem:s1+$0xE030] =	vst v7  }
.LBB2_7:
0x86: {  	p0 =	sne.s32 s14, $0xC600;
	v6 =	vld [tilespmem:s8+$0x7870]  }
0x87: {  	v7 =	vld [tilespmem:s8+$0x1000];
	[tilespmem:s1+$0xE000] =	vst v5;
	v3 =	vadd.f32 v3, v1  }
0x88: {  	v5 =	vld [tilespmem:s8+$0x7840]  }
.Ltmp2:
0x89: {  	v1 =	vld [tilespmem:s8+$0x1010];
	[tilespmem:s1+$0xE010] =	vst v3;
	v4 =	vadd.f32 v4, v0;
	(pc) =	sbr.rel @p0 .LBB2_7-.Ltmp2, $4  }
0x8a: {  	v3 =	vld [tilespmem:s8+$0x7850]  }
0x8b: {  	v0 =	vld [tilespmem:s8+$0x1020];
	v6 =	vadd.f32 v6, v2;
	[tilespmem:s1+$0xE020] =	vst v4;
	s1 =	smov.u32 s8  }
0x8c: {  	s8 =	sshra.s32 s14, $0x2;
	v4 =	vld [tilespmem:s1+$0x7860]  }
0x8d: {  	s14 =	sadd.s32 $0x200, s14;
	v2 =	vld [tilespmem:s8+$0x1030];
	v5 =	vadd.f32 v5, v7;
	[tilespmem:s1+$0xE030] =	vst v6  }
0x8e: {  	v6 =	vld [tilespmem:s8+$0x7870]  }
0x8f: {  	v7 =	vld [tilespmem:s8+$0x1000];
	[tilespmem:s1+$0xE000] =	vst v5;
	v1 =	vadd.f32 v3, v1  }
0x90: {  	v3 =	vld [tilespmem:s8+$0x7840]  }
0x91: {  	v5 =	vld [tilespmem:s8+$0x1010];
	[tilespmem:s1+$0xE010] =	vst v1;
	v0 =	vadd.f32 v4, v0  }
0x92: {  	v1 =	vld [tilespmem:s8+$0x7850]  }
0x93: {  	v4 =	vld [tilespmem:s8+$0x1020];
	[tilespmem:s1+$0xE020] =	vst v0  }
0x94: {  	v0 =	vld [tilespmem:s8+$0x7860];
	_ =	sdelay $0x1  }
0x95: {  	v2 =	vadd.f32 v6, v2  }
0x96: {  	v3 =	vadd.f32 v3, v7  }
0x97: {  	[tilespmem:s8+$0xE030] =	vst v2;
	v1 =	vadd.f32 v1, v5  }
0x98: {  	[tilespmem:s8+$0xE000] =	vst v3;
	v0 =	vadd.f32 v0, v4  }
0x99: {  	[tilespmem:s8+$0xE010] =	vst v1  }
0x9a: {  	s14 =	simm.s32 $0x0;
	[tilespmem:s8+$0xE020] =	vst v0;
	s8 =	sadd.s32 $0xD00, s2  }
0x9b: {  	[hbm4b:s8+s14] =	stream.linear.scatter [tilespmem:s20], [sflag:$0x5], $0x3200, $0x38;
	[tilespmem:$0x14800] =	vst v63  }
0x9c: {  	s8 =	simm.s32 $0xA00  }
0x9d: {  	[tilespmem:s12], [sflag:$0x1] =	stream.indirect.gather [hbm4b:s3+s11], $0x80, s8, s11, $0xb8;
	[tilespmem:$0x14800] =	vst v63  }
0x9e: {  	s14 =	simm.s32 $0x200  }
0x9f: {  	[tilespmem:s13], [sflag:$0x3] =	stream.indirect.gather [hbm4b:s3+s11], $0x80, s14, s11, $0xb8;
	[tilespmem:$0x14800] =	vst v63  }
0xa0: {  	_ =	swait.ge [sflag:s23], $0x3200  }
0xa1: {  	[sflag:s23] =	ssyncset.done $0x0  }
0xa2: {  	[sflag:s23] =	ssyncadd.s32 $0xFFFFCE00  }
0xa3: {  	_ =	swait.ge [sflag:s24], $0x3200  }
0xa4: {  	[sflag:s24] =	ssyncset.done $0x0  }
0xa5: {  	[sflag:s24] =	ssyncadd.s32 $0xFFFFCE00  }
0xa6: {  	_ =	swait.ge [sflag:s0], $0x3200  }
0xa7: {  	[sflag:s0] =	ssyncset.done $0x0  }
0xa8: {  	s1 =	simm.s32 $0x0;
	[sflag:s0] =	ssyncadd.s32 $0xFFFFCE00  }
0xa9: {  	v2 =	vld [tilespmem:s1+$0x4430]  }
0xaa: {  	v4 =	vld [tilespmem:s1+$0xAC70]  }
0xab: {  	v5 =	vld [tilespmem:s1+$0x4400]  }
0xac: {  	v6 =	vld [tilespmem:s1+$0xAC40]  }
0xad: {  	v1 =	vld [tilespmem:s1+$0x4410]  }
0xae: {  	v3 =	vld [tilespmem:s1+$0xAC50]  }
0xaf: {  	v0 =	vld [tilespmem:s1+$0x4420];
	v7 =	vadd.f32 v4, v2  }
0xb0: {  	s8 =	simm.s32 $0x80;
	v4 =	vld [tilespmem:s1+$0xAC60]  }
0xb1: {  	s14 =	simm.s32 $0x400;
	v2 =	vld [tilespmem:s8+$0x4430];
	v5 =	vadd.f32 v6, v5;
	[tilespmem:s1+$0x11430] =	vst v7  }
.LBB2_9:
0xb2: {  	p0 =	sne.s32 s14, $0xC600;
	v6 =	vld [tilespmem:s8+$0xAC70]  }
0xb3: {  	v7 =	vld [tilespmem:s8+$0x4400];
	[tilespmem:s1+$0x11400] =	vst v5;
	v3 =	vadd.f32 v3, v1  }
0xb4: {  	v5 =	vld [tilespmem:s8+$0xAC40]  }
.Ltmp3:
0xb5: {  	v1 =	vld [tilespmem:s8+$0x4410];
	[tilespmem:s1+$0x11410] =	vst v3;
	v4 =	vadd.f32 v4, v0;
	(pc) =	sbr.rel @p0 .LBB2_9-.Ltmp3, $4  }
0xb6: {  	v3 =	vld [tilespmem:s8+$0xAC50]  }
0xb7: {  	v0 =	vld [tilespmem:s8+$0x4420];
	v6 =	vadd.f32 v6, v2;
	[tilespmem:s1+$0x11420] =	vst v4;
	s1 =	smov.u32 s8  }
0xb8: {  	s8 =	sshra.s32 s14, $0x2;
	v4 =	vld [tilespmem:s1+$0xAC60]  }
0xb9: {  	s14 =	sadd.s32 $0x200, s14;
	v2 =	vld [tilespmem:s8+$0x4430];
	v5 =	vadd.f32 v5, v7;
	[tilespmem:s1+$0x11430] =	vst v6  }
0xba: {  	v6 =	vld [tilespmem:s8+$0xAC70]  }
0xbb: {  	v7 =	vld [tilespmem:s8+$0x4400];
	[tilespmem:s1+$0x11400] =	vst v5;
	v1 =	vadd.f32 v3, v1  }
0xbc: {  	v3 =	vld [tilespmem:s8+$0xAC40]  }
0xbd: {  	v5 =	vld [tilespmem:s8+$0x4410];
	[tilespmem:s1+$0x11410] =	vst v1;
	v0 =	vadd.f32 v4, v0  }
0xbe: {  	v1 =	vld [tilespmem:s8+$0xAC50]  }
0xbf: {  	v4 =	vld [tilespmem:s8+$0x4420];
	[tilespmem:s1+$0x11420] =	vst v0  }
0xc0: {  	v0 =	vld [tilespmem:s8+$0xAC60];
	_ =	sdelay $0x1  }
0xc1: {  	v2 =	vadd.f32 v6, v2  }
0xc2: {  	v3 =	vadd.f32 v3, v7  }
0xc3: {  	[tilespmem:s8+$0x11430] =	vst v2;
	v1 =	vadd.f32 v1, v5  }
0xc4: {  	[tilespmem:s8+$0x11400] =	vst v3;
	v0 =	vadd.f32 v0, v4  }
0xc5: {  	[tilespmem:s8+$0x11410] =	vst v1  }
0xc6: {  	s14 =	simm.s32 $0x0;
	[tilespmem:s8+$0x11420] =	vst v0;
	s8 =	sadd.s32 $0x1380, s2  }
0xc7: {  	[hbm4b:s8+s14] =	stream.linear.scatter [tilespmem:s25], [sflag:$0x6], $0x3200, $0x38;
	[tilespmem:$0x14800] =	vst v63  }
0xc8: {  	s8 =	simm.s32 $0xA80  }
0xc9: {  	[tilespmem:s15], [sflag:$0x2] =	stream.indirect.gather [hbm4b:s3+s11], $0x80, s8, s11, $0xb8;
	[tilespmem:$0x14800] =	vst v63  }
0xca: {  	s14 =	simm.s32 $0x280  }
0xcb: {  	[tilespmem:s17], [sflag:$0x4] =	stream.indirect.gather [hbm4b:s3+s11], $0x80, s14, s11, $0xb8;
	[tilespmem:$0x14800] =	vst v63  }
0xcc: {  	_ =	swait.ge [sflag:s18], $0x3200  }
0xcd: {  	[sflag:s18] =	ssyncset.done $0x0  }
0xce: {  	[sflag:s18] =	ssyncadd.s32 $0xFFFFCE00  }
0xcf: {  	_ =	swait.ge [sflag:s19], $0x3200  }
0xd0: {  	[sflag:s19] =	ssyncset.done $0x0  }
0xd1: {  	[sflag:s19] =	ssyncadd.s32 $0xFFFFCE00  }
0xd2: {  	_ =	swait.ge [sflag:s29], $0x3200  }
0xd3: {  	[sflag:s29] =	ssyncset.done $0x0  }
0xd4: {  	s1 =	simm.s32 $0x0;
	[sflag:s29] =	ssyncadd.s32 $0xFFFFCE00  }
0xd5: {  	v2 =	vld [tilespmem:s1+$0x1030]  }
0xd6: {  	v4 =	vld [tilespmem:s1+$0x7870]  }
0xd7: {  	v5 =	vld [tilespmem:s1+$0x1000]  }
0xd8: {  	v6 =	vld [tilespmem:s1+$0x7840]  }
0xd9: {  	v1 =	vld [tilespmem:s1+$0x1010]  }
0xda: {  	v3 =	vld [tilespmem:s1+$0x7850]  }
0xdb: {  	v0 =	vld [tilespmem:s1+$0x1020];
	v7 =	vadd.f32 v4, v2  }
0xdc: {  	s8 =	simm.s32 $0x80;
	v4 =	vld [tilespmem:s1+$0x7860]  }
0xdd: {  	s14 =	simm.s32 $0x400;
	v2 =	vld [tilespmem:s8+$0x1030];
	v5 =	vadd.f32 v6, v5;
	[tilespmem:s1+$0xE030] =	vst v7  }
.LBB2_11:
0xde: {  	p0 =	sne.s32 s14, $0xC600;
	v6 =	vld [tilespmem:s8+$0x7870]  }
0xdf: {  	v7 =	vld [tilespmem:s8+$0x1000];
	[tilespmem:s1+$0xE000] =	vst v5;
	v3 =	vadd.f32 v3, v1  }
0xe0: {  	v5 =	vld [tilespmem:s8+$0x7840]  }
.Ltmp4:
0xe1: {  	v1 =	vld [tilespmem:s8+$0x1010];
	[tilespmem:s1+$0xE010] =	vst v3;
	v4 =	vadd.f32 v4, v0;
	(pc) =	sbr.rel @p0 .LBB2_11-.Ltmp4, $4  }
0xe2: {  	v3 =	vld [tilespmem:s8+$0x7850]  }
0xe3: {  	v0 =	vld [tilespmem:s8+$0x1020];
	v6 =	vadd.f32 v6, v2;
	[tilespmem:s1+$0xE020] =	vst v4;
	s1 =	smov.u32 s8  }
0xe4: {  	s8 =	sshra.s32 s14, $0x2;
	v4 =	vld [tilespmem:s1+$0x7860]  }
0xe5: {  	s14 =	sadd.s32 $0x200, s14;
	v2 =	vld [tilespmem:s8+$0x1030];
	v5 =	vadd.f32 v5, v7;
	[tilespmem:s1+$0xE030] =	vst v6  }
0xe6: {  	v6 =	vld [tilespmem:s8+$0x7870]  }
0xe7: {  	v7 =	vld [tilespmem:s8+$0x1000];
	[tilespmem:s1+$0xE000] =	vst v5;
	v1 =	vadd.f32 v3, v1  }
0xe8: {  	v3 =	vld [tilespmem:s8+$0x7840]  }
0xe9: {  	v5 =	vld [tilespmem:s8+$0x1010];
	[tilespmem:s1+$0xE010] =	vst v1;
	v0 =	vadd.f32 v4, v0  }
0xea: {  	v1 =	vld [tilespmem:s8+$0x7850]  }
0xeb: {  	v4 =	vld [tilespmem:s8+$0x1020];
	[tilespmem:s1+$0xE020] =	vst v0  }
0xec: {  	v0 =	vld [tilespmem:s8+$0x7860];
	_ =	sdelay $0x1  }
0xed: {  	v2 =	vadd.f32 v6, v2  }
0xee: {  	v3 =	vadd.f32 v3, v7  }
0xef: {  	[tilespmem:s8+$0xE030] =	vst v2;
	v1 =	vadd.f32 v1, v5  }
0xf0: {  	[tilespmem:s8+$0xE000] =	vst v3;
	v0 =	vadd.f32 v0, v4  }
0xf1: {  	[tilespmem:s8+$0xE010] =	vst v1  }
0xf2: {  	s14 =	simm.s32 $0x0;
	[tilespmem:s8+$0xE020] =	vst v0;
	s8 =	sadd.s32 $0x1A00, s2  }
0xf3: {  	[hbm4b:s8+s14] =	stream.linear.scatter [tilespmem:s20], [sflag:$0x5], $0x3200, $0x38;
	[tilespmem:$0x14800] =	vst v63  }
0xf4: {  	s8 =	simm.s32 $0xB00  }
0xf5: {  	[tilespmem:s12], [sflag:$0x1] =	stream.indirect.gather [hbm4b:s3+s11], $0x80, s8, s11, $0xb8;
	[tilespmem:$0x14800] =	vst v63  }
0xf6: {  	s14 =	simm.s32 $0x300  }
0xf7: {  	[tilespmem:s13], [sflag:$0x3] =	stream.indirect.gather [hbm4b:s3+s11], $0x80, s14, s11, $0xb8;
	[tilespmem:$0x14800] =	vst v63  }
0xf8: {  	_ =	swait.ge [sflag:s23], $0x3200  }
0xf9: {  	[sflag:s23] =	ssyncset.done $0x0  }
0xfa: {  	[sflag:s23] =	ssyncadd.s32 $0xFFFFCE00  }
0xfb: {  	_ =	swait.ge [sflag:s24], $0x3200  }
0xfc: {  	[sflag:s24] =	ssyncset.done $0x0  }
0xfd: {  	[sflag:s24] =	ssyncadd.s32 $0xFFFFCE00  }
0xfe: {  	_ =	swait.ge [sflag:s0], $0x3200  }
0xff: {  	[sflag:s0] =	ssyncset.done $0x0  }
0x100: {  	s1 =	simm.s32 $0x0;
	[sflag:s0] =	ssyncadd.s32 $0xFFFFCE00  }
0x101: {  	v2 =	vld [tilespmem:s1+$0x4430]  }
0x102: {  	v4 =	vld [tilespmem:s1+$0xAC70]  }
0x103: {  	v5 =	vld [tilespmem:s1+$0x4400]  }
0x104: {  	v6 =	vld [tilespmem:s1+$0xAC40]  }
0x105: {  	v1 =	vld [tilespmem:s1+$0x4410]  }
0x106: {  	v3 =	vld [tilespmem:s1+$0xAC50]  }
0x107: {  	v0 =	vld [tilespmem:s1+$0x4420];
	v7 =	vadd.f32 v4, v2  }
0x108: {  	s8 =	simm.s32 $0x80;
	v4 =	vld [tilespmem:s1+$0xAC60]  }
0x109: {  	s14 =	simm.s32 $0x400;
	v2 =	vld [tilespmem:s8+$0x4430];
	v5 =	vadd.f32 v6, v5;
	[tilespmem:s1+$0x11430] =	vst v7  }
.LBB2_13:
0x10a: {  	p0 =	sne.s32 s14, $0xC600;
	v6 =	vld [tilespmem:s8+$0xAC70]  }
0x10b: {  	v7 =	vld [tilespmem:s8+$0x4400];
	[tilespmem:s1+$0x11400] =	vst v5;
	v3 =	vadd.f32 v3, v1  }
0x10c: {  	v5 =	vld [tilespmem:s8+$0xAC40]  }
.Ltmp5:
0x10d: {  	v1 =	vld [tilespmem:s8+$0x4410];
	[tilespmem:s1+$0x11410] =	vst v3;
	v4 =	vadd.f32 v4, v0;
	(pc) =	sbr.rel @p0 .LBB2_13-.Ltmp5, $4  }
0x10e: {  	v3 =	vld [tilespmem:s8+$0xAC50]  }
0x10f: {  	v0 =	vld [tilespmem:s8+$0x4420];
	v6 =	vadd.f32 v6, v2;
	[tilespmem:s1+$0x11420] =	vst v4;
	s1 =	smov.u32 s8  }
0x110: {  	s8 =	sshra.s32 s14, $0x2;
	v4 =	vld [tilespmem:s1+$0xAC60]  }
0x111: {  	s14 =	sadd.s32 $0x200, s14;
	v2 =	vld [tilespmem:s8+$0x4430];
	v5 =	vadd.f32 v5, v7;
	[tilespmem:s1+$0x11430] =	vst v6  }
0x112: {  	v6 =	vld [tilespmem:s8+$0xAC70]  }
0x113: {  	v7 =	vld [tilespmem:s8+$0x4400];
	[tilespmem:s1+$0x11400] =	vst v5;
	v1 =	vadd.f32 v3, v1  }
0x114: {  	v3 =	vld [tilespmem:s8+$0xAC40]  }
0x115: {  	v5 =	vld [tilespmem:s8+$0x4410];
	[tilespmem:s1+$0x11410] =	vst v1;
	v0 =	vadd.f32 v4, v0  }
0x116: {  	v1 =	vld [tilespmem:s8+$0xAC50]  }
0x117: {  	v4 =	vld [tilespmem:s8+$0x4420];
	[tilespmem:s1+$0x11420] =	vst v0  }
0x118: {  	v0 =	vld [tilespmem:s8+$0xAC60];
	_ =	sdelay $0x1  }
0x119: {  	v2 =	vadd.f32 v6, v2  }
0x11a: {  	v3 =	vadd.f32 v3, v7  }
0x11b: {  	[tilespmem:s8+$0x11430] =	vst v2;
	v1 =	vadd.f32 v1, v5  }
0x11c: {  	[tilespmem:s8+$0x11400] =	vst v3;
	v0 =	vadd.f32 v0, v4  }
0x11d: {  	[tilespmem:s8+$0x11410] =	vst v1  }
0x11e: {  	s14 =	simm.s32 $0x0;
	[tilespmem:s8+$0x11420] =	vst v0;
	s8 =	sadd.s32 $0x2080, s2  }
0x11f: {  	[hbm4b:s8+s14] =	stream.linear.scatter [tilespmem:s25], [sflag:$0x6], $0x3200, $0x38;
	[tilespmem:$0x14800] =	vst v63  }
0x120: {  	_ = 	snop  }
0x121: {  	[tilespmem:s15], [sflag:$0x2] =	stream.indirect.gather [hbm4b:s3+s11], $0x80, s16, s11, $0xb8;
	[tilespmem:$0x14800] =	vst v63  }
0x122: {  	_ = 	snop  }
0x123: {  	[tilespmem:s17], [sflag:$0x4] =	stream.indirect.gather [hbm4b:s3+s11], $0x80, s21, s11, $0xb8;
	[tilespmem:$0x14800] =	vst v63  }
0x124: {  	_ =	swait.ge [sflag:s18], $0x3200  }
0x125: {  	[sflag:s18] =	ssyncset.done $0x0  }
0x126: {  	[sflag:s18] =	ssyncadd.s32 $0xFFFFCE00  }
0x127: {  	_ =	swait.ge [sflag:s19], $0x3200  }
0x128: {  	[sflag:s19] =	ssyncset.done $0x0  }
0x129: {  	[sflag:s19] =	ssyncadd.s32 $0xFFFFCE00  }
0x12a: {  	_ =	swait.ge [sflag:s29], $0x3200  }
0x12b: {  	[sflag:s29] =	ssyncset.done $0x0  }
0x12c: {  	s1 =	simm.s32 $0x0;
	[sflag:s29] =	ssyncadd.s32 $0xFFFFCE00  }
0x12d: {  	v2 =	vld [tilespmem:s1+$0x1030]  }
0x12e: {  	v4 =	vld [tilespmem:s1+$0x7870]  }
0x12f: {  	v5 =	vld [tilespmem:s1+$0x1000]  }
0x130: {  	v6 =	vld [tilespmem:s1+$0x7840]  }
0x131: {  	v1 =	vld [tilespmem:s1+$0x1010]  }
0x132: {  	v3 =	vld [tilespmem:s1+$0x7850]  }
0x133: {  	v0 =	vld [tilespmem:s1+$0x1020];
	v7 =	vadd.f32 v4, v2  }
0x134: {  	s8 =	simm.s32 $0x80;
	v4 =	vld [tilespmem:s1+$0x7860]  }
0x135: {  	s14 =	simm.s32 $0x400;
	v2 =	vld [tilespmem:s8+$0x1030];
	v5 =	vadd.f32 v6, v5;
	[tilespmem:s1+$0xE030] =	vst v7  }
.LBB2_15:
0x136: {  	p0 =	sne.s32 s14, $0xC600;
	v6 =	vld [tilespmem:s8+$0x7870]  }
0x137: {  	v7 =	vld [tilespmem:s8+$0x1000];
	[tilespmem:s1+$0xE000] =	vst v5;
	v3 =	vadd.f32 v3, v1  }
0x138: {  	v5 =	vld [tilespmem:s8+$0x7840]  }
.Ltmp6:
0x139: {  	v1 =	vld [tilespmem:s8+$0x1010];
	[tilespmem:s1+$0xE010] =	vst v3;
	v4 =	vadd.f32 v4, v0;
	(pc) =	sbr.rel @p0 .LBB2_15-.Ltmp6, $4  }
0x13a: {  	v3 =	vld [tilespmem:s8+$0x7850]  }
0x13b: {  	v0 =	vld [tilespmem:s8+$0x1020];
	v6 =	vadd.f32 v6, v2;
	[tilespmem:s1+$0xE020] =	vst v4;
	s1 =	smov.u32 s8  }
0x13c: {  	s8 =	sshra.s32 s14, $0x2;
	v4 =	vld [tilespmem:s1+$0x7860]  }
0x13d: {  	s14 =	sadd.s32 $0x200, s14;
	v2 =	vld [tilespmem:s8+$0x1030];
	v5 =	vadd.f32 v5, v7;
	[tilespmem:s1+$0xE030] =	vst v6  }
0x13e: {  	v6 =	vld [tilespmem:s8+$0x7870]  }
0x13f: {  	v7 =	vld [tilespmem:s8+$0x1000];
	[tilespmem:s1+$0xE000] =	vst v5;
	v1 =	vadd.f32 v3, v1  }
0x140: {  	v3 =	vld [tilespmem:s8+$0x7840]  }
0x141: {  	v5 =	vld [tilespmem:s8+$0x1010];
	[tilespmem:s1+$0xE010] =	vst v1;
	v0 =	vadd.f32 v4, v0  }
0x142: {  	v1 =	vld [tilespmem:s8+$0x7850]  }
0x143: {  	v4 =	vld [tilespmem:s8+$0x1020];
	[tilespmem:s1+$0xE020] =	vst v0  }
0x144: {  	v0 =	vld [tilespmem:s8+$0x7860];
	_ =	sdelay $0x1  }
0x145: {  	v2 =	vadd.f32 v6, v2  }
0x146: {  	v3 =	vadd.f32 v3, v7  }
0x147: {  	[tilespmem:s8+$0xE030] =	vst v2;
	v1 =	vadd.f32 v1, v5  }
0x148: {  	[tilespmem:s8+$0xE000] =	vst v3;
	v0 =	vadd.f32 v0, v4  }
0x149: {  	[tilespmem:s8+$0xE010] =	vst v1  }
0x14a: {  	s14 =	simm.s32 $0x0;
	[tilespmem:s8+$0xE020] =	vst v0;
	s8 =	sadd.s32 $0x2700, s2  }
0x14b: {  	[hbm4b:s8+s14] =	stream.linear.scatter [tilespmem:s20], [sflag:$0x5], $0x3200, $0x38;
	[tilespmem:$0x14800] =	vst v63  }
0x14c: {  	_ = 	snop  }
0x14d: {  	[tilespmem:s12], [sflag:$0x1] =	stream.indirect.gather [hbm4b:s3+s11], $0x80, s22, s11, $0xb8;
	[tilespmem:$0x14800] =	vst v63  }
0x14e: {  	_ = 	snop  }
0x14f: {  	[tilespmem:s13], [sflag:$0x3] =	stream.indirect.gather [hbm4b:s3+s11], $0x80, s26, s11, $0xb8;
	[tilespmem:$0x14800] =	vst v63  }
0x150: {  	_ =	swait.ge [sflag:s23], $0x3200  }
0x151: {  	[sflag:s23] =	ssyncset.done $0x0  }
0x152: {  	[sflag:s23] =	ssyncadd.s32 $0xFFFFCE00  }
0x153: {  	_ =	swait.ge [sflag:s24], $0x3200  }
0x154: {  	[sflag:s24] =	ssyncset.done $0x0  }
0x155: {  	[sflag:s24] =	ssyncadd.s32 $0xFFFFCE00  }
0x156: {  	_ =	swait.ge [sflag:s0], $0x3200  }
0x157: {  	[sflag:s0] =	ssyncset.done $0x0  }
0x158: {  	s1 =	simm.s32 $0x0;
	[sflag:s0] =	ssyncadd.s32 $0xFFFFCE00  }
0x159: {  	v2 =	vld [tilespmem:s1+$0x4430]  }
0x15a: {  	v4 =	vld [tilespmem:s1+$0xAC70]  }
0x15b: {  	v5 =	vld [tilespmem:s1+$0x4400]  }
0x15c: {  	v6 =	vld [tilespmem:s1+$0xAC40]  }
0x15d: {  	v1 =	vld [tilespmem:s1+$0x4410]  }
0x15e: {  	v3 =	vld [tilespmem:s1+$0xAC50]  }
0x15f: {  	v0 =	vld [tilespmem:s1+$0x4420];
	v7 =	vadd.f32 v4, v2  }
0x160: {  	s8 =	simm.s32 $0x80;
	v4 =	vld [tilespmem:s1+$0xAC60]  }
0x161: {  	s14 =	simm.s32 $0x400;
	v2 =	vld [tilespmem:s8+$0x4430];
	v5 =	vadd.f32 v6, v5;
	[tilespmem:s1+$0x11430] =	vst v7  }
.LBB2_17:
0x162: {  	p0 =	sne.s32 s14, $0xC600;
	v6 =	vld [tilespmem:s8+$0xAC70]  }
0x163: {  	v7 =	vld [tilespmem:s8+$0x4400];
	[tilespmem:s1+$0x11400] =	vst v5;
	v3 =	vadd.f32 v3, v1  }
0x164: {  	v5 =	vld [tilespmem:s8+$0xAC40]  }
.Ltmp7:
0x165: {  	v1 =	vld [tilespmem:s8+$0x4410];
	[tilespmem:s1+$0x11410] =	vst v3;
	v4 =	vadd.f32 v4, v0;
	(pc) =	sbr.rel @p0 .LBB2_17-.Ltmp7, $4  }
0x166: {  	v3 =	vld [tilespmem:s8+$0xAC50]  }
0x167: {  	v0 =	vld [tilespmem:s8+$0x4420];
	v6 =	vadd.f32 v6, v2;
	[tilespmem:s1+$0x11420] =	vst v4;
	s1 =	smov.u32 s8  }
0x168: {  	s8 =	sshra.s32 s14, $0x2;
	v4 =	vld [tilespmem:s1+$0xAC60]  }
0x169: {  	s14 =	sadd.s32 $0x200, s14;
	v2 =	vld [tilespmem:s8+$0x4430];
	v5 =	vadd.f32 v5, v7;
	[tilespmem:s1+$0x11430] =	vst v6  }
0x16a: {  	v6 =	vld [tilespmem:s8+$0xAC70]  }
0x16b: {  	v7 =	vld [tilespmem:s8+$0x4400];
	[tilespmem:s1+$0x11400] =	vst v5;
	v1 =	vadd.f32 v3, v1  }
0x16c: {  	v3 =	vld [tilespmem:s8+$0xAC40]  }
0x16d: {  	v5 =	vld [tilespmem:s8+$0x4410];
	[tilespmem:s1+$0x11410] =	vst v1;
	v0 =	vadd.f32 v4, v0  }
0x16e: {  	v1 =	vld [tilespmem:s8+$0xAC50]  }
0x16f: {  	v4 =	vld [tilespmem:s8+$0x4420];
	[tilespmem:s1+$0x11420] =	vst v0  }
0x170: {  	v0 =	vld [tilespmem:s8+$0xAC60];
	_ =	sdelay $0x1  }
0x171: {  	v2 =	vadd.f32 v6, v2  }
0x172: {  	v3 =	vadd.f32 v3, v7  }
0x173: {  	[tilespmem:s8+$0x11430] =	vst v2;
	v1 =	vadd.f32 v1, v5  }
0x174: {  	[tilespmem:s8+$0x11400] =	vst v3;
	v0 =	vadd.f32 v0, v4  }
0x175: {  	[tilespmem:s8+$0x11410] =	vst v1  }
0x176: {  	s14 =	simm.s32 $0x0;
	[tilespmem:s8+$0x11420] =	vst v0;
	s8 =	sadd.s32 $0x2D80, s2  }
0x177: {  	[hbm4b:s8+s14] =	stream.linear.scatter [tilespmem:s25], [sflag:$0x6], $0x3200, $0x38;
	[tilespmem:$0x14800] =	vst v63  }
0x178: {  	_ = 	snop  }
0x179: {  	[tilespmem:s15], [sflag:$0x2] =	stream.indirect.gather [hbm4b:s3+s11], $0x80, s28, s11, $0xb8;
	[tilespmem:$0x14800] =	vst v63  }
0x17a: {  	_ = 	snop  }
0x17b: {  	[tilespmem:s17], [sflag:$0x4] =	stream.indirect.gather [hbm4b:s3+s11], $0x80, s30, s11, $0xb8;
	[tilespmem:$0x14800] =	vst v63  }
0x17c: {  	_ =	swait.ge [sflag:s18], $0x3200  }
0x17d: {  	[sflag:s18] =	ssyncset.done $0x0  }
0x17e: {  	[sflag:s18] =	ssyncadd.s32 $0xFFFFCE00  }
0x17f: {  	_ =	swait.ge [sflag:s19], $0x3200  }
0x180: {  	[sflag:s19] =	ssyncset.done $0x0  }
0x181: {  	[sflag:s19] =	ssyncadd.s32 $0xFFFFCE00  }
0x182: {  	_ =	swait.ge [sflag:s29], $0x3200  }
0x183: {  	[sflag:s29] =	ssyncset.done $0x0  }
0x184: {  	s1 =	simm.s32 $0x0;
	[sflag:s29] =	ssyncadd.s32 $0xFFFFCE00  }
0x185: {  	v2 =	vld [tilespmem:s1+$0x1030]  }
0x186: {  	v4 =	vld [tilespmem:s1+$0x7870]  }
0x187: {  	v5 =	vld [tilespmem:s1+$0x1000]  }
0x188: {  	v6 =	vld [tilespmem:s1+$0x7840]  }
0x189: {  	v1 =	vld [tilespmem:s1+$0x1010]  }
0x18a: {  	v3 =	vld [tilespmem:s1+$0x7850]  }
0x18b: {  	v0 =	vld [tilespmem:s1+$0x1020];
	v7 =	vadd.f32 v4, v2  }
0x18c: {  	s8 =	simm.s32 $0x80;
	v4 =	vld [tilespmem:s1+$0x7860]  }
0x18d: {  	s14 =	simm.s32 $0x400;
	v2 =	vld [tilespmem:s8+$0x1030];
	v5 =	vadd.f32 v6, v5;
	[tilespmem:s1+$0xE030] =	vst v7  }
.LBB2_19:
0x18e: {  	p0 =	sne.s32 s14, $0xC600;
	v6 =	vld [tilespmem:s8+$0x7870]  }
0x18f: {  	v7 =	vld [tilespmem:s8+$0x1000];
	[tilespmem:s1+$0xE000] =	vst v5;
	v3 =	vadd.f32 v3, v1  }
0x190: {  	v5 =	vld [tilespmem:s8+$0x7840]  }
.Ltmp8:
0x191: {  	v1 =	vld [tilespmem:s8+$0x1010];
	[tilespmem:s1+$0xE010] =	vst v3;
	v4 =	vadd.f32 v4, v0;
	(pc) =	sbr.rel @p0 .LBB2_19-.Ltmp8, $4  }
0x192: {  	v3 =	vld [tilespmem:s8+$0x7850]  }
0x193: {  	v0 =	vld [tilespmem:s8+$0x1020];
	v6 =	vadd.f32 v6, v2;
	[tilespmem:s1+$0xE020] =	vst v4;
	s1 =	smov.u32 s8  }
0x194: {  	s8 =	sshra.s32 s14, $0x2;
	v4 =	vld [tilespmem:s1+$0x7860]  }
0x195: {  	s14 =	sadd.s32 $0x200, s14;
	v2 =	vld [tilespmem:s8+$0x1030];
	v5 =	vadd.f32 v5, v7;
	[tilespmem:s1+$0xE030] =	vst v6  }
0x196: {  	v6 =	vld [tilespmem:s8+$0x7870]  }
0x197: {  	v7 =	vld [tilespmem:s8+$0x1000];
	[tilespmem:s1+$0xE000] =	vst v5;
	v1 =	vadd.f32 v3, v1  }
0x198: {  	v3 =	vld [tilespmem:s8+$0x7840]  }
0x199: {  	v5 =	vld [tilespmem:s8+$0x1010];
	[tilespmem:s1+$0xE010] =	vst v1;
	v0 =	vadd.f32 v4, v0  }
0x19a: {  	v1 =	vld [tilespmem:s8+$0x7850]  }
0x19b: {  	v4 =	vld [tilespmem:s8+$0x1020];
	[tilespmem:s1+$0xE020] =	vst v0  }
0x19c: {  	v0 =	vld [tilespmem:s8+$0x7860];
	_ =	sdelay $0x1  }
0x19d: {  	v2 =	vadd.f32 v6, v2  }
0x19e: {  	v3 =	vadd.f32 v3, v7  }
0x19f: {  	[tilespmem:s8+$0xE030] =	vst v2;
	v1 =	vadd.f32 v1, v5  }
0x1a0: {  	[tilespmem:s8+$0xE000] =	vst v3;
	v0 =	vadd.f32 v0, v4  }
0x1a1: {  	[tilespmem:s8+$0xE010] =	vst v1  }
0x1a2: {  	s14 =	simm.s32 $0x0;
	[tilespmem:s8+$0xE020] =	vst v0;
	s8 =	sadd.s32 $0x3400, s2  }
0x1a3: {  	[hbm4b:s8+s14] =	stream.linear.scatter [tilespmem:s20], [sflag:$0x5], $0x3200, $0x38;
	[tilespmem:$0x14800] =	vst v63  }
0x1a4: {  	_ =	swait.ge [sflag:s23], $0x3200  }
0x1a5: {  	[sflag:s23] =	ssyncset.done $0x0  }
0x1a6: {  	[sflag:s23] =	ssyncadd.s32 $0xFFFFCE00  }
0x1a7: {  	_ =	swait.ge [sflag:s24], $0x3200  }
0x1a8: {  	[sflag:s24] =	ssyncset.done $0x0  }
0x1a9: {  	[sflag:s24] =	ssyncadd.s32 $0xFFFFCE00  }
0x1aa: {  	_ =	swait.ge [sflag:s0], $0x3200  }
0x1ab: {  	[sflag:s0] =	ssyncset.done $0x0  }
0x1ac: {  	s1 =	simm.s32 $0x0;
	[sflag:s0] =	ssyncadd.s32 $0xFFFFCE00  }
0x1ad: {  	v2 =	vld [tilespmem:s1+$0x4430]  }
0x1ae: {  	v4 =	vld [tilespmem:s1+$0xAC70]  }
0x1af: {  	v5 =	vld [tilespmem:s1+$0x4400]  }
0x1b0: {  	v6 =	vld [tilespmem:s1+$0xAC40]  }
0x1b1: {  	v1 =	vld [tilespmem:s1+$0x4410]  }
0x1b2: {  	v3 =	vld [tilespmem:s1+$0xAC50]  }
0x1b3: {  	v0 =	vld [tilespmem:s1+$0x4420];
	v7 =	vadd.f32 v4, v2  }
0x1b4: {  	s8 =	simm.s32 $0x80;
	v4 =	vld [tilespmem:s1+$0xAC60]  }
0x1b5: {  	s14 =	simm.s32 $0x400;
	v2 =	vld [tilespmem:s8+$0x4430];
	v5 =	vadd.f32 v6, v5;
	[tilespmem:s1+$0x11430] =	vst v7  }
.LBB2_21:
0x1b6: {  	p0 =	sne.s32 s14, $0xC600;
	v6 =	vld [tilespmem:s8+$0xAC70]  }
0x1b7: {  	v7 =	vld [tilespmem:s8+$0x4400];
	[tilespmem:s1+$0x11400] =	vst v5;
	v3 =	vadd.f32 v3, v1  }
0x1b8: {  	v5 =	vld [tilespmem:s8+$0xAC40]  }
.Ltmp9:
0x1b9: {  	v1 =	vld [tilespmem:s8+$0x4410];
	[tilespmem:s1+$0x11410] =	vst v3;
	v4 =	vadd.f32 v4, v0;
	(pc) =	sbr.rel @p0 .LBB2_21-.Ltmp9, $4  }
0x1ba: {  	v3 =	vld [tilespmem:s8+$0xAC50]  }
0x1bb: {  	v0 =	vld [tilespmem:s8+$0x4420];
	v6 =	vadd.f32 v6, v2;
	[tilespmem:s1+$0x11420] =	vst v4;
	s1 =	smov.u32 s8  }
0x1bc: {  	s8 =	sshra.s32 s14, $0x2;
	v4 =	vld [tilespmem:s1+$0xAC60]  }
0x1bd: {  	s14 =	sadd.s32 $0x200, s14;
	v2 =	vld [tilespmem:s8+$0x4430];
	v5 =	vadd.f32 v5, v7;
	[tilespmem:s1+$0x11430] =	vst v6  }
0x1be: {  	v6 =	vld [tilespmem:s8+$0xAC70]  }
0x1bf: {  	v7 =	vld [tilespmem:s8+$0x4400];
	[tilespmem:s1+$0x11400] =	vst v5;
	v1 =	vadd.f32 v3, v1  }
0x1c0: {  	v62 =	vld [tilespmem:s8+$0xAC40]  }
0x1c1: {  	v5 =	vld [tilespmem:s8+$0x4410];
	[tilespmem:s1+$0x11410] =	vst v1;
	v0 =	vadd.f32 v4, v0  }
0x1c2: {  	v1 =	vld [tilespmem:s8+$0xAC50]  }
0x1c3: {  	v63 =	vld [tilespmem:s8+$0x4420];
	[tilespmem:s1+$0x11420] =	vst v0  }
0x1c4: {  	v0 =	vld [tilespmem:s8+$0xAC60];
	_ =	sdelay $0x1  }
0x1c5: {  	v2 =	vadd.f32 v6, v2  }
0x1c6: {  	v3 =	vadd.f32 v62, v7  }
0x1c7: {  	[tilespmem:s8+$0x11430] =	vst v2;
	v1 =	vadd.f32 v1, v5  }
0x1c8: {  	[tilespmem:s8+$0x11400] =	vst v3;
	v0 =	vadd.f32 v0, v63  }
0x1c9: {  	[tilespmem:s8+$0x11410] =	vst v1  }
0x1ca: {  	s14 =	simm.s32 $0x0;
	s31 =	sadd.s32 $0x1, s31;
	[tilespmem:s8+$0x11420] =	vst v0;
	s8 =	sadd.s32 $0x3A80, s2  }
0x1cb: {  	[hbm4b:s8+s14] =	stream.linear.scatter [tilespmem:s25], [sflag:$0x6], $0x3200, $0x38;
	[tilespmem:$0x14800] =	vst v63  }
0x1cc: {  	p0 =	sne.s32 s31, $0x5;
	_ =	swait.ge [sflag:s29], $0x3200  }
.Ltmp10:
0x1cd: {  	[sflag:s29] =	ssyncset.done $0x0;
	(pc) =	sbr.rel @p0 .LBB2_2-.Ltmp10, $4  }
0x1ce: {  	[sflag:s29] =	ssyncadd.s32 $0xFFFFCE00  }
0x1cf: {  	_ =	swait.ge [sflag:s0], $0x3200  }
0x1d0: {  	[sflag:s0] =	ssyncset.done $0x0  }
0x1d1: {  	[sflag:s0] =	ssyncadd.s32 $0xFFFFCE00  }
0x1d2: {  	s2 =	rddreg [dreg:$0x3]  }
0x1d3: {  	s1 =	rddreg [dreg:$0x2];
	s2 =	sadd.s32 $0x1, s2  }
0x1d4: {  	p0 =	sne.s32 s2, s1  }
.Ltmp11:
0x1d5: {  	_ = 	snop;
	(pc) =	sbr.rel @p0 .LBB2_1-.Ltmp11, $1  }
0x1d6: {  	_ =	sdelay $0x3  }
0x1d7: {  	_ =	sfence.sel $0x180000  }
0x1d8: {  	[bflag:$0x0] =	sbarrier.arrive $0xFFFF  }
0x1d9: {  	_ =	strace $0x90000047  }
0x1da: {  	s0 =	stileid.u32;
	[bflag:$0x2] =	sbarrier.arrive $0xFFFF  }
0x1db: {  	p0 =	sne.s32 s0, $0x0;
	s0 =	rddreg [dreg:$0x1]  }
0x1dc: {  	s0 =	sadd.s32 @!p0 $0x100000, s0  }
0x1dd: {  	[sflag:s0] =	ssyncadd.tile.s32 @!p0 $0x1;
	_ =	shalt  }
.Lfunc_end2:
_tile_overlayer_lowered:
.L_overlay_start_2:
0x1de: {  	(tag) =	ssettag $0x2  }
0x1df: {  	s0 =	rddreg [dreg:$0x0];
	s2 =	stileid.u32  }
0x1e0: {  	s1 =	rddreg [dreg:$0x1];
	p0 =	sne.s32 s2, $0x0  }
0x1e1: {  	s3 =	rddreg [dreg:$0x2];
	[bflag:$0x3] =	sbarrier.arrive $0xFFFF;
	s2 =	simm.s32 @!p0 $0x1C07  }
0x1e2: {  	[timem:s3], [sflag:s2] =	dma.local @!p0 [hbm:s0], s1  }
0x1e3: {  	s0 =	simm.s32 @!p0 $0x7  }
0x1e4: {  	_ =	swait.ge @!p0 [sflag:s0], s1  }
0x1e5: {  	s1 =	ssub.s32 @!p0 $0x0, s1;
	[sflag:s0] =	ssyncset.done @!p0 $0x0  }
0x1e6: {  	[sflag:s0] =	ssyncadd.s32 @!p0 s1  }
0x1e7: {  	[bflag:$0x3] =	sbarrier.arrive $0xFFFF  }
0x1e8: {  	_ =	shalt  }

// kernel: kernel.13.cloned.1.call-start
scs
__scs_entry_jumppad:
0x0: {  	(pc) =	sbr.rel $0x88, $3  }
0x1: {  	(tag) =	ssettag $0x0;
	lr =	simm.s32 $0x1  }
0x2: {  	[smem:$0x3F8E] =	sst lr;
	_ =	strace $0xD0000000  }
0x3: {  	_ = 	snop  }
0x4: {  	_ = 	snop  }
0x5: {  	_ = 	snop  }
0x6: {  	_ = 	snop  }
0x7: {  	_ = 	snop  }
__scs_overlays_trampoline_lowered:
0x8: {  	[smem:$0x3F9D] =	sst s0  }
0x9: {  	[smem:$0x3F9E] =	sst s1  }
0xa: {  	[smem:$0x3F9F] =	sst s2  }
0xb: {  	[smem:$0x3FA0] =	sst s3  }
0xc: {  	[smem:$0x3FA1] =	sst s4  }
0xd: {  	[smem:$0x3FA2] =	sst s5  }
0xe: {  	[smem:$0x3FA3] =	sst s6  }
0xf: {  	[smem:$0x3FA4] =	sst s7  }
0x10: {  	[smem:$0x3FA5] =	sst s8  }
0x11: {  	[smem:$0x3FA6] =	sst s9;
	s0 =	simm.s32 @!p0 $0x0  }
0x12: {  	s1 =	sld [smem:$0x3F8C];
	s0 =	simm.s32 @p0 $0x1  }
0x13: {  	[smem:$0x3FA7] =	sst s0;
	s0 =	simm.s32 @!p1 $0x0  }
0x14: {  	s2 =	sld [smem:$0x3F8B];
	s0 =	simm.s32 @p1 $0x1  }
0x15: {  	[smem:$0x3FA8] =	sst s0;
	s0 =	simm.s32 @!p2 $0x0  }
0x16: {  	s3 =	sld [smem:$0x3FDB];
	s0 =	simm.s32 @p2 $0x1  }
0x17: {  	s4 =	simm.s32 $0x1BF5;
	[smem:$0x3FAA] =	sst s0  }
0x18: {  	s0 =	sld [smem:$0x3F8D];
	_ =	swait.ge [sflag:s4], $0x0  }
0x19: {  	s7 =	sld [smem:$0x3F8E]  }
0x1a: {  	s8 =	sadd.s32 $0xFFFFE003, lr  }
0x1b: {  	s9 =	sadd.s32 $0xFFFFFEF7, lr;
	s5 =	simm.s32 $0xFFFFFFFF;
	p2 =	slt.u32 s8, $0xFFFFF086  }
0x1c: {  	p1 =	slt.u32 s9, $0xF7A;
	s5 =	simm.s32 @!p2 $0x0  }
0x1d: {  	s5 =	simm.s32 @p1 $0x1;
	p0 =	seq.s32 s7, s2  }
0x1e: {  	s7 =	smul.u32 @!p0 $0xF7A, s2;
	p2 =	seq.s32 @!p0 s5, $0x0  }
0x1f: {  	s9 =	smul.u32 $0xF7A, s1;
	s8 =	simm.s32 @!p0 $0x1BF5;
	p2 =	por !p2, p0  }
0x20: {  	[sflag:s8] =	ssyncset.s32 @!p0 $0xFFFFF086;
	s6 =	sadd.s32 @!p0 s3, s7;
	s7 =	simm.s32 @!p0 $0x108  }
0x21: {  	s3 =	sadd.s32 s3, s9;
	s6 =	sadd.s32 @!p0 $0x88, s6;
	s7 =	simm.s32 @p2 $0x1082  }
0x22: {  	[simem:s7], [sflag:s8] =	dma.local @!p0 [hbm:s6], $0xF7A  }
0x23: {  	s9 =	sor.u32 $0xD0000000, s2;
	s6 =	simm.s32 $0x108;
	_ =	swait.ge @!p0 [sflag:s8], $0x0  }
0x24: {  	s3 =	sadd.s32 $0x88, s3;
	s6 =	simm.s32 @!p1 $0x1082;
	[sflag:s4] =	ssyncset.s32 $0xFFFFF086  }
0x25: {  	[simem:s6], [sflag:s4] =	dma.local [hbm:s3], $0xF7A  }
0x26: {  	[smem:$0x3F8E] =	sst s1;
	(tag) =	ssettag s2;
	_ =	strace s9  }
0x27: {  	s1 =	sld [smem:$0x3F9E]  }
0x28: {  	s2 =	sld [smem:$0x3F9F]  }
0x29: {  	s4 =	sld [smem:$0x3FA1]  }
0x2a: {  	p0 =	seq.s32 s5, $0x0;
	s5 =	sld [smem:$0x3FA2]  }
0x2b: {  	s6 =	sld [smem:$0x3FA3]  }
0x2c: {  	s7 =	sld [smem:$0x3FA4]  }
0x2d: {  	s3 =	simm.s32 $0x108;
	s8 =	sld [smem:$0x3FA5]  }
0x2e: {  	s3 =	simm.s32 @!p0 $0x1082;
	s9 =	sld [smem:$0x3FA6]  }
0x2f: {  	lr =	sadd.s32 s0, s3;
	s0 =	sld [smem:$0x3F9D]  }
0x30: {  	s3 =	sld [smem:$0x3FA0]  }
0x31: {  	[smem:$0x3FA9] =	sst s10  }
0x32: {  	s10 =	sld [smem:$0x3FA7];
	_ =	sdelay $0x3  }
0x33: {  	p0 =	seq.s32 s10, $0x1;
	s10 =	sld [smem:$0x3FA9];
	_ =	sdelay $0x3  }
0x34: {  	[smem:$0x3FA9] =	sst s10  }
0x35: {  	s10 =	sld [smem:$0x3FA8];
	_ =	sdelay $0x3  }
0x36: {  	p1 =	seq.s32 s10, $0x1;
	s10 =	sld [smem:$0x3FA9];
	_ =	sdelay $0x3  }
0x37: {  	[smem:$0x3FA9] =	sst s10  }
0x38: {  	s10 =	sld [smem:$0x3FAA]  }
0x39: {  	_ = 	snop;
	(pc) =	sbr.ind lr, $3  }
0x3a: {  	_ = 	snop  }
0x3b: {  	_ = 	snop  }
0x3c: {  	p2 =	seq.s32 s10, $0x1;
	s10 =	sld [smem:$0x3FA9]  }
0x3d: {  	_ =	shalt  }
0x3e: {  	_ =	shalt  }
0x3f: {  	_ =	shalt  }
0x40: {  	_ =	shalt  }
0x41: {  	_ =	shalt  }
0x42: {  	_ =	shalt  }
0x43: {  	_ =	shalt  }
0x44: {  	_ =	shalt  }
0x45: {  	_ =	shalt  }
0x46: {  	_ =	shalt  }
0x47: {  	_ =	shalt  }
0x48: {  	_ =	shalt  }
0x49: {  	_ =	shalt  }
0x4a: {  	_ =	shalt  }
0x4b: {  	_ =	shalt  }
0x4c: {  	_ =	shalt  }
0x4d: {  	_ =	shalt  }
0x4e: {  	_ =	shalt  }
0x4f: {  	_ =	shalt  }
0x50: {  	_ =	shalt  }
0x51: {  	_ =	shalt  }
0x52: {  	_ =	shalt  }
0x53: {  	_ =	shalt  }
0x54: {  	_ =	shalt  }
0x55: {  	_ =	shalt  }
0x56: {  	_ =	shalt  }
0x57: {  	_ =	shalt  }
0x58: {  	_ =	shalt  }
0x59: {  	_ =	shalt  }
0x5a: {  	_ =	shalt  }
0x5b: {  	_ =	shalt  }
0x5c: {  	_ =	shalt  }
0x5d: {  	_ =	shalt  }
0x5e: {  	_ =	shalt  }
0x5f: {  	_ =	shalt  }
0x60: {  	_ =	shalt  }
0x61: {  	_ =	shalt  }
0x62: {  	_ =	shalt  }
0x63: {  	_ =	shalt  }
0x64: {  	_ =	shalt  }
0x65: {  	_ =	shalt  }
0x66: {  	_ =	shalt  }
0x67: {  	_ =	shalt  }
0x68: {  	_ =	shalt  }
0x69: {  	_ =	shalt  }
0x6a: {  	_ =	shalt  }
0x6b: {  	_ =	shalt  }
0x6c: {  	_ =	shalt  }
0x6d: {  	_ =	shalt  }
0x6e: {  	_ =	shalt  }
0x6f: {  	_ =	shalt  }
0x70: {  	_ =	shalt  }
0x71: {  	_ =	shalt  }
0x72: {  	_ =	shalt  }
0x73: {  	_ =	shalt  }
0x74: {  	_ =	shalt  }
0x75: {  	_ =	shalt  }
0x76: {  	_ =	shalt  }
0x77: {  	_ =	shalt  }
0x78: {  	_ =	shalt  }
0x79: {  	_ =	shalt  }
0x7a: {  	_ =	shalt  }
0x7b: {  	_ =	shalt  }
0x7c: {  	_ =	shalt  }
0x7d: {  	_ =	shalt  }
0x7e: {  	_ =	shalt  }
0x7f: {  	_ =	shalt  }
0x80: {  	_ =	shalt  }
0x81: {  	_ =	shalt  }
0x82: {  	_ =	shalt  }
0x83: {  	_ =	shalt  }
0x84: {  	_ =	shalt  }
0x85: {  	_ =	shalt  }
0x86: {  	_ =	shalt  }
0x87: {  	_ =	shalt  }
.Lfunc_end0:
.L_simem_size_0:
called_computation.1_lowered:
.L_overlay_start_0:
0x88: {  	s2 =	sld [smem:$0x3FD9]  }
0x89: {  	s3 =	sld [smem:$0x3FFE];
	_ =	sdelay $0x1  }
0x8a: {  	s1 =	srdreg.scid  }
0x8b: {  	s0 =	sand.u32 $0x1, s1  }
0x8c: {  	s16 =	sshll.u32 s0, $0xA;
	s2 =	sadd.s32 s3, s2  }
0x8d: {  	s2 =	sadd.s32 s2, s16  }
0x8e: {  	[smem:$0x3FB5] =	sst s2  }
0x8f: {  	_ = 	snop  }
0x90: {  	(tm) =	ssettm $0x1  }
0x91: {  	s17 =	sld [smem:$0x3FFB];
	_ =	sdelay $0x3  }
0x92: {  	_ =	strace s17  }
0x93: {  	s2 =	sld [smem:$0x3FFC];
	_ =	sdelay $0x3  }
0x94: {  	_ =	strace s2  }
0x95: {  	s2 =	sld [smem:$0x3FFD];
	_ =	sdelay $0x3  }
0x96: {  	_ =	strace s2  }
0x97: {  	_ =	strace $0x8FFFFFFF  }
0x98: {  	s18 =	sld [smem:$0x3FDB];
	_ =	sdelay $0x1  }
0x99: {  	s19 =	simm.s32 $_scs_section_size  }
0x9a: {  	s4 =	simm.s32 $_size__tile_overlayer_lowered;
	s5 =	simm.s32 $_tile_overlayer_lowered  }
0x9b: {  	s22 =	simm.s32 $0x1BFF;
	s21 =	sshll.u32 s5, $0x1;
	s2 =	sadd.s32 s19, s18  }
0x9c: {  	s6 =	simm.s32 $0x0;
	s20 =	sshll.u32 s4, $0x1;
	s4 =	sadd.s32 s21, s2  }
0x9d: {  	[timem:s6], [sflag:s22] =	dma.local [hbm:s4], s20  }
0x9e: {  	_ =	swait.ge [sflag:s22], s20  }
0x9f: {  	s3 =	ssub.s32 $0x0, s20;
	[sflag:s22] =	ssyncset.done $0x0  }
0xa0: {  	[sflag:s22] =	ssyncadd.s32 s3;
	_ =	sdelay $0x1  }
0xa1: {  	s23 =	simm.s32 $0x1B8B  }
0xa2: {  	_ =	swait.ge [sflag:s23], $0x1  }
0xa3: {  	[sflag:s23] =	ssyncset.done $0x0  }
0xa4: {  	s25 =	simm.s32 $0x1B8E;
	s24 =	sld [smem:$0x3FFE];
	[sflag:s23] =	ssyncadd.s32 $0xFFFFFFFF  }
0xa5: {  	s26 =	simm.s32 $execute0_lowered;
	[smem:$0x3FD2] =	sst s25  }
0xa6: {  	s4 =	sshll.u32 s26, $0x1;
	_ =	strace $0x80000049;
	[dreg:$0x1] =	wrdreg $0xFFFFFFFF  }
0xa7: {  	s28 =	simm.s32 $_size_execute0_lowered;
	s2 =	sadd.s32 s2, s4;
	[dreg:$0x0] =	wrdreg $0x0  }
0xa8: {  	s4 =	sshll.u32 s28, $0x1;
	[dreg:$0x2] =	wrdreg s2  }
0xa9: {  	[dreg:$0x3] =	wrdreg s4  }
0xaa: {  	[dreg:$0x4] =	wrdreg $0xC0  }
0xab: {  	_ =	task [dreg:s6], $0x5FFFF  }
0xac: {  	[dreg:$0x1] =	wrdreg $0xFFFFFFFF  }
0xad: {  	[dreg:$0x0] =	wrdreg $0x60  }
0xae: {  	[dreg:$0x2] =	wrdreg s24  }
0xaf: {  	[dreg:$0x3] =	wrdreg $0x69000  }
0xb0: {  	[dreg:$0x4] =	wrdreg $0x9  }
0xb1: {  	_ =	task.clear_ibuf [dreg:s6], $0x5FFFF;
	_ =	strace $0x90000049  }
0xb2: {  	s29 =	simm.s32 $0x9;
	_ =	strace $0x8000004B  }
0xb3: {  	_ =	swait.ge [sflag:s29], $0x1  }
0xb4: {  	[sflag:s29] =	ssyncadd.s32 $0xFFFFFFFF  }
0xb5: {  	_ =	strace $0x9000004B  }
0xb6: {  	_ =	sfence  }
0xb7: {  	s30 =	sld [smem:$0x0];
	_ =	sdelay $0x2  }
0xb8: {  	s31 =	sshll.u32 s1, $0xD;
	s1 =	sshrl.u32 s1, $0x2  }
0xb9: {  	s3 =	sand.u32 $0x4000, s31;
	s1 =	sadd.s32 s1, s30  }
0xba: {  	s0 =	sor.u32 s3, s0;
	s1 =	sshll.u32 s1, $0x11  }
0xbb: {  	s0 =	sor.u32 s1, s0  }
0xbc: {  	s0 =	sadd.s32 $0x8F2B, s0  }
0xbd: {  	[sflag:s0] =	ssyncadd.remote.s32 $0x1  }
0xbe: {  	_ =	sfence.sel $0xFFFF  }
0xbf: {  	[dreg:$0x0] =	wrdreg $0xFFFFFFFF;
	(pc) =	sbr.abs _section_cstart, $3  }
0xc0: {  	[dreg:$0x1] =	wrdreg $0xFFFFFFFF  }
0xc1: {  	_ =	task.clear_ibuf [dreg:s6], $0x2FFFF;
	_ =	strace $0x9FFFFFFF  }
0xc2: {  	(tm) =	ssettm $0x7FFFFFFF  }
0xc3: {  	_ =	shalt  }
tec
execute0_lowered:
.L_overlay_start_1:
0x0: {  	(tag) =	ssettag $0x1  }
0x1: {  	s4 =	rddreg [dreg:$0x0];
	s1 =	stileid.u32  }
0x2: {  	s2 =	rddreg [dreg:$0x1];
	s5 =	smul.u32 $0x28A00, s1  }
0x3: {  	s0 =	rddreg [dreg:$0x2];
	s3 =	simm.s32 $0x0;
	s6 =	smul.u32 $0x640, s1  }
0x4: {  	s7 =	srdreg.scid;
	s15 =	simm.s32 $0x64;
	s8 =	smul.u32 $0x2800, s1  }
0x5: {  	s16 =	simm.s32 $0x80;
	s7 =	sand.u32 $0x1, s7;
	s24 =	smul.u32 $0x50000, s1  }
0x6: {  	s17 =	simm.s32 $0x0;
	[smem:$0x7FF] =	sst s3;
	s9 =	smul.u32 $0x28000, s7  }
0x7: {  	s29 =	sshll.u32 s1, $0x6;
	_ =	strace $0x8000004A;
	s13 =	smul.u32 $0x14500, s7  }
0x8: {  	s26 =	ssub.s32 $0x2, s7;
	s14 =	smul.u32 $0x320, s7;
	s10 =	sadd.s32 s5, s4  }
0x9: {  	s11 =	sadd.s32 s6, s4;
	s25 =	sadd.s32 s8, s4;
	s28 =	sshrl.u32 s26, $0x1  }
0xa: {  	s5 =	sshrl.u32 s24, $0x2;
	s8 =	sadd.s32 s8, s9;
	s9 =	ssub.s32 s26, s28  }
0xb: {  	s12 =	sadd.s32 s5, s2;
	s5 =	sor.u32 $0x1C02, s29;
	s30 =	sadd.s32 s13, s10  }
0xc: {  	s31 =	sadd.s32 s14, s11;
	s11 =	simm.s32 $0x2;
	s13 =	simm.s32 $0x3500  }
0xd: {  	s14 =	simm.s32 $0x1;
	s8 =	sadd.s32 s8, s4;
	s4 =	sadd.s32 $0x3600, s25  }
0xe: {  	s7 =	smax.u32 s9, $0x1;
	s9 =	sadd.s32 $0x2C8800, s31;
	s10 =	sshrl.u32 s12, $0x3  }
0xf: {  	s12 =	simm.s32 $0x100;
	s6 =	sadd.s32 $0x2B600, s8;
	s8 =	sadd.s32 $0x2CEC00, s30  }
.LBB2_1:
0x10: {  	[spmem:s10], [sflag:s5] =	dma.local [hbm:s4], $0x2800  }
0x11: {  	_ =	swait.ge [sflag:s11], $0x2800  }
0x12: {  	[sflag:s11] =	ssyncset.done $0x0  }
0x13: {  	[sflag:s11] =	ssyncadd.s32 $0xFFFFD800  }
0x14: {  	s18 =	sadd.s32 $0x0, s9;
	[bflag:$0x0] =	sbarrier.arrive $0xFFFF  }
0x15: {  	[tilespmem:s3], [sflag:$0x2] =	stream.linear.gather [hbm4b:s18+s3], $0x100, $0x38;
	[tilespmem:$0x1A900] =	vst v63  }
0x16: {  	_ =	swait.ge [sflag:s11], $0x100  }
0x17: {  	[sflag:s11] =	ssyncset.done $0x0  }
0x18: {  	[sflag:s11] =	ssyncadd.s32 $0xFFFFFF00  }
0x19: {  	[tilespmem:s12], [sflag:$0x1] =	stream.linear.gather [hbm4b:s8+s3], $0x3200, $0x38;
	[tilespmem:$0x1A900] =	vst v63  }
0x1a: {  	s31 =	sadd.s32 $0x680, s8  }
0x1b: {  	[tilespmem:s13], [sflag:$0x1] =	stream.linear.gather [hbm4b:s31+s3], $0x3200, $0x38;
	[tilespmem:$0x1A900] =	vst v63  }
0x1c: {  	_ =	swait.ge [sflag:s14], $0x6400  }
0x1d: {  	[sflag:s14] =	ssyncset.done $0x0  }
0x1e: {  	[sflag:s14] =	ssyncadd.s32 $0xFFFF9C00  }
0x1f: {  	[spmem:s2] =	stream.indirect.scatter.add.f32 [tilespmem:s12], [sflag:$0x2], $0x80, s3, s15, $0xb8;
	[tilespmem:$0x1A900] =	vst v63  }
0x20: {  	_ =	swait.ge [sflag:s11], $0x3200  }
0x21: {  	[sflag:s11] =	ssyncset.done $0x0  }
0x22: {  	[sflag:s11] =	ssyncadd.s32 $0xFFFFCE00  }
0x23: {  	[spmem:s2] =	stream.indirect.scatter.add.f32 [tilespmem:s13], [sflag:$0x2], $0x80, s16, s15, $0xb8;
	[tilespmem:$0x1A900] =	vst v63  }
0x24: {  	s19 =	simm.s32 $0x20;
	_ =	swait.ge [sflag:s11], $0x3200  }
0x25: {  	s20 =	simm.s32 $0x40;
	s18 =	sadd.s32 $0xD00, s8;
	[sflag:s11] =	ssyncset.done $0x0  }
.LBB2_2:
0x26: {  	s21 =	sadd.s32 s19, s9  }
0x27: {  	[sflag:s11] =	ssyncadd.s32 $0xFFFFCE00;
	s19 =	smov.u32 s20;
	s22 =	sadd.s32 $0x20, s20  }
0x28: {  	[tilespmem:s3], [sflag:$0x2] =	stream.linear.gather [hbm4b:s21+s3], $0x100, $0x38;
	[tilespmem:$0x1A900] =	vst v63  }
0x29: {  	p0 =	sne.s32 s20, $0x300;
	_ =	swait.ge [sflag:s11], $0x100  }
0x2a: {  	[sflag:s11] =	ssyncset.done $0x0  }
0x2b: {  	[sflag:s11] =	ssyncadd.s32 $0xFFFFFF00  }
0x2c: {  	[tilespmem:s12], [sflag:$0x1] =	stream.linear.gather [hbm4b:s18+s3], $0x3200, $0x38;
	[tilespmem:$0x1A900] =	vst v63  }
0x2d: {  	s20 =	sadd.s32 $0x680, s18  }
0x2e: {  	[tilespmem:s13], [sflag:$0x1] =	stream.linear.gather [hbm4b:s20+s3], $0x3200, $0x38;
	[tilespmem:$0x1A900] =	vst v63  }
0x2f: {  	_ =	swait.ge [sflag:s14], $0x6400  }
0x30: {  	[sflag:s14] =	ssyncset.done $0x0  }
0x31: {  	[sflag:s14] =	ssyncadd.s32 $0xFFFF9C00  }
0x32: {  	[spmem:s2] =	stream.indirect.scatter.add.f32 [tilespmem:s12], [sflag:$0x2], $0x80, s3, s15, $0xb8;
	[tilespmem:$0x1A900] =	vst v63  }
0x33: {  	_ =	swait.ge [sflag:s11], $0x3200  }
.Ltmp0:
0x34: {  	[sflag:s11] =	ssyncset.done $0x0;
	(pc) =	sbr.rel @p0 .LBB2_2-.Ltmp0, $4  }
0x35: {  	[sflag:s11] =	ssyncadd.s32 $0xFFFFCE00  }
0x36: {  	[spmem:s2] =	stream.indirect.scatter.add.f32 [tilespmem:s13], [sflag:$0x2], $0x80, s16, s15, $0xb8;
	[tilespmem:$0x1A900] =	vst v63  }
0x37: {  	_ =	swait.ge [sflag:s11], $0x3200  }
0x38: {  	s18 =	sadd.s32 $0xD00, s18;
	s20 =	smov.u32 s22;
	[sflag:s11] =	ssyncset.done $0x0  }
0x39: {  	s19 =	sadd.s32 s19, s9;
	[sflag:s11] =	ssyncadd.s32 $0xFFFFCE00  }
0x3a: {  	[tilespmem:s3], [sflag:$0x2] =	stream.linear.gather [hbm4b:s19+s3], $0x100, $0x38;
	[tilespmem:$0x1A900] =	vst v63  }
0x3b: {  	_ =	swait.ge [sflag:s11], $0x100  }
0x3c: {  	[sflag:s11] =	ssyncset.done $0x0  }
0x3d: {  	[sflag:s11] =	ssyncadd.s32 $0xFFFFFF00  }
0x3e: {  	[tilespmem:s12], [sflag:$0x1] =	stream.linear.gather [hbm4b:s18+s3], $0x3200, $0x38;
	[tilespmem:$0x1A900] =	vst v63  }
0x3f: {  	s31 =	sadd.s32 $0x680, s18  }
0x40: {  	[tilespmem:s13], [sflag:$0x1] =	stream.linear.gather [hbm4b:s31+s3], $0x3200, $0x38;
	[tilespmem:$0x1A900] =	vst v63  }
0x41: {  	_ =	swait.ge [sflag:s14], $0x6400  }
0x42: {  	[sflag:s14] =	ssyncset.done $0x0  }
0x43: {  	[sflag:s14] =	ssyncadd.s32 $0xFFFF9C00  }
0x44: {  	[spmem:s2] =	stream.indirect.scatter.add.f32 [tilespmem:s12], [sflag:$0x2], $0x80, s3, s15, $0xb8;
	[tilespmem:$0x1A900] =	vst v63  }
0x45: {  	_ =	swait.ge [sflag:s11], $0x3200  }
0x46: {  	[sflag:s11] =	ssyncset.done $0x0  }
0x47: {  	[sflag:s11] =	ssyncadd.s32 $0xFFFFCE00  }
0x48: {  	[spmem:s2] =	stream.indirect.scatter.add.f32 [tilespmem:s13], [sflag:$0x2], $0x80, s16, s15, $0xb8;
	[tilespmem:$0x1A900] =	vst v63  }
0x49: {  	_ =	swait.ge [sflag:s11], $0x3200  }
0x4a: {  	s17 =	sadd.s32 $0x1, s17;
	[sflag:s11] =	ssyncset.done $0x0  }
0x4b: {  	p0 =	sne.s32 s17, s7;
	[sflag:s11] =	ssyncadd.s32 $0xFFFFCE00  }
.Ltmp1:
0x4c: {  	[bflag:$0x0] =	sbarrier.arrive $0xFFFF;
	(pc) =	sbr.rel @p0 .LBB2_1-.Ltmp1, $4  }
0x4d: {  	[hbm:s6], [sflag:s5] =	dma.local [spmem:s10], $0x2800  }
0x4e: {  	_ =	swait.ge [sflag:s11], $0x2800  }
0x4f: {  	[sflag:s11] =	ssyncset.done $0x0  }
0x50: {  	[sflag:s11] =	ssyncadd.s32 $0xFFFFD800  }
0x51: {  	_ =	sfence.sel $0x180000  }
0x52: {  	[bflag:$0x0] =	sbarrier.arrive $0xFFFF  }
0x53: {  	p0 =	sne.s32 s1, $0x0;
	_ =	strace $0x9000004A  }
0x54: {  	s0 =	sadd.s32 @!p0 $0x100000, s0;
	[bflag:$0x2] =	sbarrier.arrive $0xFFFF  }
0x55: {  	[sflag:s0] =	ssyncadd.tile.s32 @!p0 $0x1;
	_ =	shalt  }
.Lfunc_end2:
_tile_overlayer_lowered:
.L_overlay_start_2:
0x56: {  	(tag) =	ssettag $0x2  }
0x57: {  	s0 =	rddreg [dreg:$0x0];
	s2 =	stileid.u32  }
0x58: {  	s1 =	rddreg [dreg:$0x1];
	p0 =	sne.s32 s2, $0x0  }
0x59: {  	s3 =	rddreg [dreg:$0x2];
	[bflag:$0x3] =	sbarrier.arrive $0xFFFF;
	s2 =	simm.s32 @!p0 $0x1C02  }
0x5a: {  	[timem:s3], [sflag:s2] =	dma.local @!p0 [hbm:s0], s1  }
0x5b: {  	s0 =	simm.s32 @!p0 $0x2  }
0x5c: {  	_ =	swait.ge @!p0 [sflag:s0], s1  }
0x5d: {  	s1 =	ssub.s32 @!p0 $0x0, s1;
	[sflag:s0] =	ssyncset.done @!p0 $0x0  }
0x5e: {  	[sflag:s0] =	ssyncadd.s32 @!p0 s1  }
0x5f: {  	[bflag:$0x3] =	sbarrier.arrive $0xFFFF  }
0x60: {  	_ =	shalt  }

</sc_bundles>
